<compile_context>
chip_gen: v7x
topology: tpu7x:2x2x1
jax: 0.10.2.dev20260603
libtpu: 0.0.44.dev20260713+nightly
codegen_flags: <defaults>
</compile_context>

<pallas_src>
import functools

import jax
import jax.numpy as jnp
from jax import lax
from jax.experimental import pallas as pl
from jax.experimental.pallas import tpu as pltpu
from jax.experimental.pallas import tpu_sc as plsc

NC = 2
NS = 16
KC = 40


def _pad_nodes(n):
  return ((n + 8 * NS - 1) // (8 * NS)) * (8 * NS)


_mesh = lambda: plsc.VectorSubcoreMesh(core_axis_name="c", subcore_axis_name="s")



def _make_sage(N, E, Dh, with_deg):
  CPT = E // NS // KC
  Np = _pad_nodes(N)
  RPT = Np // NS

  if with_deg:
    out_type = [jax.ShapeDtypeStruct((2, Np, Dh), jnp.float32),
                jax.ShapeDtypeStruct((Np, 16), jnp.float32)]
  else:
    out_type = jax.ShapeDtypeStruct((2, Np, Dh), jnp.float32)

  def body(tab2, src3, dst3, z, z16, ones_in, *rest):
    if with_deg:
      out, degout, srcv, dstv, buf, onesv, acc, dacc, sem = rest
    else:
      out, srcv, dstv, buf, onesv, acc, dacc, sem = rest
    c = lax.axis_index("c")
    s = lax.axis_index("s")
    rows = pl.ds(s * RPT, RPT)
    pltpu.sync_copy(z.at[rows], acc.at[rows])
    pltpu.sync_copy(z16.at[rows], dacc.at[rows])
    pltpu.sync_copy(src3.at[s], srcv)
    pltpu.sync_copy(dst3.at[s], dstv)
    pltpu.sync_copy(ones_in, onesv)
    plsc.subcore_barrier()

    def chunk(i, carry):
      pltpu.async_copy(tab2.at[c].at[srcv.at[i]], buf, sem).wait()
      pltpu.sync_copy(buf, acc.at[dstv.at[i]], add=True)
      if with_deg:
        @pl.when(c == 0)
        def _():
          pltpu.sync_copy(onesv, dacc.at[dstv.at[i]], add=True)
      return carry

    lax.fori_loop(0, CPT, chunk, 0)
    plsc.subcore_barrier()
    pltpu.sync_copy(acc.at[rows], out.at[c, rows])
    if with_deg:
      @pl.when(c == 0)
      def _():
        pltpu.sync_copy(dacc.at[rows], degout.at[rows])

  return pl.kernel(
      body,
      out_type=out_type,
      mesh=_mesh(),
      compiler_params=pltpu.CompilerParams(use_tc_tiling_on_sc=False),
      scratch_types=[
          pltpu.VMEM((CPT, KC), jnp.int32),
          pltpu.VMEM((CPT, KC), jnp.int32),
          pltpu.VMEM((KC, Dh), jnp.float32),
          pltpu.VMEM((KC, 16), jnp.float32),
          pltpu.VMEM_SHARED((Np, Dh), jnp.float32),
          pltpu.VMEM_SHARED((Np, 16), jnp.float32),
          pltpu.SemaphoreType.DMA,
      ],
  )


def _make_gather(N, B, Dw, paired):
  if paired:
    CPT = B // NS // KC
    out_shape = (2, B // KC, KC, Dw)
  else:
    CPT = B // (NC * NS) // KC
    out_shape = (B // KC, KC, Dw)

  def body(tab, idx3, out, idxv, buf, sem):
    c = lax.axis_index("c")
    s = lax.axis_index("s")
    if paired:
      pltpu.sync_copy(idx3.at[c, s], idxv)
    else:
      pltpu.sync_copy(idx3.at[s * NC + c], idxv)

    def chunk(i, carry):
      if paired:
        pltpu.async_copy(tab.at[c].at[idxv.at[i]], buf, sem).wait()
        pltpu.sync_copy(buf, out.at[c, s * CPT + i])
      else:
        pltpu.async_copy(tab.at[idxv.at[i]], buf, sem).wait()
        pltpu.sync_copy(buf, out.at[(s * NC + c) * CPT + i])
      return carry

    lax.fori_loop(0, CPT, chunk, 0)

  return pl.kernel(
      body,
      out_type=jax.ShapeDtypeStruct(out_shape, jnp.float32),
      mesh=_mesh(),
      compiler_params=pltpu.CompilerParams(use_tc_tiling_on_sc=False),
      scratch_types=[
          pltpu.VMEM((CPT, KC), jnp.int32),
          pltpu.VMEM((KC, Dw), jnp.float32),
          pltpu.SemaphoreType.DMA,
      ],
  )


def _make_scatter_full(N, E, Dw):
  CPT = E // NS // KC
  Np = _pad_nodes(N)
  RPT = Np // NS

  def body(rows3, dst3, z, out, dstv, buf, acc, sem):
    c = lax.axis_index("c")
    s = lax.axis_index("s")
    rows = pl.ds(s * RPT, RPT)
    pltpu.sync_copy(z.at[rows], acc.at[rows])
    pltpu.sync_copy(dst3.at[s], dstv)
    plsc.subcore_barrier()

    def chunk(i, carry):
      pltpu.sync_copy(rows3.at[s * CPT + i], buf)
      pltpu.sync_copy(buf, acc.at[dstv.at[i]], add=True)
      return carry

    lax.fori_loop(0, CPT, chunk, 0)
    plsc.subcore_barrier()

    @pl.when(c == 0)
    def _():
      pltpu.sync_copy(acc.at[rows], out.at[rows])

  return pl.kernel(
      body,
      out_type=jax.ShapeDtypeStruct((Np, Dw), jnp.float32),
      mesh=_mesh(),
      compiler_params=pltpu.CompilerParams(use_tc_tiling_on_sc=False),
      scratch_types=[
          pltpu.VMEM((CPT, KC), jnp.int32),
          pltpu.VMEM((KC, Dw), jnp.float32),
          pltpu.VMEM_SHARED((Np, Dw), jnp.float32),
          pltpu.SemaphoreType.DMA,
      ],
  )


def _make_scatter_colsplit(N, E, Dh):
  CPT = E // NS // KC
  Np = _pad_nodes(N)
  RPT = Np // NS

  def body(rows4, dst3, z, out, dstv, buf, acc, sem):
    c = lax.axis_index("c")
    s = lax.axis_index("s")
    rows = pl.ds(s * RPT, RPT)
    pltpu.sync_copy(z.at[rows], acc.at[rows])
    pltpu.sync_copy(dst3.at[s], dstv)
    plsc.subcore_barrier()

    def chunk(i, carry):
      pltpu.sync_copy(rows4.at[c, s * CPT + i], buf)
      pltpu.sync_copy(buf, acc.at[dstv.at[i]], add=True)
      return carry

    lax.fori_loop(0, CPT, chunk, 0)
    plsc.subcore_barrier()
    pltpu.sync_copy(acc.at[rows], out.at[c, rows])

  return pl.kernel(
      body,
      out_type=jax.ShapeDtypeStruct((2, Np, Dh), jnp.float32),
      mesh=_mesh(),
      compiler_params=pltpu.CompilerParams(use_tc_tiling_on_sc=False),
      scratch_types=[
          pltpu.VMEM((CPT, KC), jnp.int32),
          pltpu.VMEM((KC, Dh), jnp.float32),
          pltpu.VMEM_SHARED((Np, Dh), jnp.float32),
          pltpu.SemaphoreType.DMA,
      ],
  )



def _bn_act(v, g, b, eps=1e-5):
  m = jnp.mean(v, axis=0)
  var = jnp.var(v, axis=0)
  h = (v - m) / jnp.sqrt(var + eps) * g + b
  return jnp.where(h > 0, h, jnp.exp(jnp.minimum(h, 0.0)) - 1.0)


def _tcb_a(aggh, deg16, x, W1l, W1r, b1, g1, be1):
  N = x.shape[0]
  HID = W1l.shape[1]

  def body(aggh_r, deg_r, x_r, W1la_r, W1lb_r, W1r_r, b1_r, g1_r, be1_r,
           h1_o):
    deg = jnp.clip(deg_r[:, 0:1], 1.0, None)
    h = (jnp.dot(aggh_r[0] / deg, W1la_r[...],
                 preferred_element_type=jnp.float32)
         + jnp.dot(aggh_r[1] / deg, W1lb_r[...],
                   preferred_element_type=jnp.float32)
         + jnp.dot(x_r[...], W1r_r[...], preferred_element_type=jnp.float32)
         + b1_r[0])
    h1_o[...] = _bn_act(h, g1_r[0], be1_r[0])

  return pl.pallas_call(
      body,
      out_shape=jax.ShapeDtypeStruct((N, HID), jnp.float32),
  )(aggh, deg16, x, W1l[:64], W1l[64:], W1r, b1.reshape(1, -1),
    g1.reshape(1, -1), be1.reshape(1, -1))


def _tcb_b(h1, Wg, a_src, a_dst):
  N, HID = h1.shape
  NB = 10
  Rb = N // NB

  def body(h1_r, Wg_r, a_src_r, a_dst_r, xp_o, asad_o):
    xp = jnp.dot(h1_r[...], Wg_r[...], preferred_element_type=jnp.float32)
    xp_o[...] = xp
    xph = xp.reshape(Rb, 4, HID)
    als = jnp.sum(xph * a_src_r[...][None], axis=-1)
    ald = jnp.sum(xph * a_dst_r[...][None], axis=-1)
    pad = jnp.zeros((Rb, 12), jnp.float32)
    asad_o[...] = jnp.stack([jnp.concatenate([als, pad], axis=1),
                             jnp.concatenate([ald, pad], axis=1)])

  return pl.pallas_call(
      body,
      grid=(NB,),
      in_specs=[
          pl.BlockSpec((Rb, HID), lambda r: (r, 0)),
          pl.BlockSpec((HID, 4 * HID), lambda r: (0, 0)),
          pl.BlockSpec((4, HID), lambda r: (0, 0)),
          pl.BlockSpec((4, HID), lambda r: (0, 0)),
      ],
      out_specs=[
          pl.BlockSpec((Rb, 4 * HID), lambda r: (r, 0)),
          pl.BlockSpec((2, Rb, 16), lambda r: (0, r, 0)),
      ],
      out_shape=(jax.ShapeDtypeStruct((N, 4 * HID), jnp.float32),
                 jax.ShapeDtypeStruct((2, N, 16), jnp.float32)),
  )(h1, Wg, a_src, a_dst)


def _tcc(asg, adg, edge_attr, edge_scale):
  E = asg.shape[0]
  NB = 50
  Eb = E // NB

  def body(asg_r, adg_r, ea_r, es_r, ee_o, eew_o):
    s = asg_r[...] + adg_r[...]
    e = jnp.where(s > 0, s, 0.2 * s)
    ee = jnp.exp(e)
    ew = jax.nn.sigmoid(ea_r[:, 0:1]) * es_r[0, 0]
    ee_o[...] = ee
    eew_o[...] = ee * ew

  return pl.pallas_call(
      body,
      grid=(NB,),
      in_specs=[
          pl.BlockSpec((Eb, 16), lambda r: (r, 0)),
          pl.BlockSpec((Eb, 16), lambda r: (r, 0)),
          pl.BlockSpec((Eb, 4), lambda r: (r, 0)),
          pl.BlockSpec((1, 1), lambda r: (0, 0), memory_space=pltpu.SMEM),
      ],
      out_specs=[
          pl.BlockSpec((Eb, 16), lambda r: (r, 0)),
          pl.BlockSpec((Eb, 16), lambda r: (r, 0)),
      ],
      out_shape=(jax.ShapeDtypeStruct((E, 16), jnp.float32),
                 jax.ShapeDtypeStruct((E, 16), jnp.float32)),
  )(asg, adg, edge_attr, edge_scale.reshape(1, 1))


def _tcd(eew, deng, xpg):
  E, _ = eew.shape
  NB = 40
  Eb = E // NB

  def body(eew_r, den_r, xpg_r, out_r):
    c = pl.program_id(0)
    coef4 = eew_r[:, 0:4] / jnp.clip(den_r[:, 0:4], 1e-16, None)
    co2 = jnp.where(c == 0, coef4[:, 0:2], coef4[:, 2:4])
    m = (co2[:, :, None] * xpg_r[...].reshape(Eb, 2, 64)).reshape(Eb, 128)
    out_r[...] = m[None]

  return pl.pallas_call(
      body,
      grid=(2, NB),
      in_specs=[
          pl.BlockSpec((Eb, 16), lambda c, e: (e, 0)),
          pl.BlockSpec((Eb, 16), lambda c, e: (e, 0)),
          pl.BlockSpec((Eb, 128), lambda c, e: (e, c)),
      ],
      out_specs=pl.BlockSpec((1, Eb, 128), lambda c, e: (c, e, 0)),
      out_shape=jax.ShapeDtypeStruct((2, E, 128), jnp.float32),
  )(eew, deng, xpg)


def _tce(gat2, bg, g2, be2):
  _, N, Dh = gat2.shape

  def body(gat_r, bg_r, g_r, be_r, out_r):
    v = gat_r[0] + bg_r[0, 0]
    out_r[...] = _bn_act(v, g_r[0, 0], be_r[0, 0])[None]

  return pl.pallas_call(
      body,
      grid=(2,),
      in_specs=[
          pl.BlockSpec((1, N, Dh), lambda c: (c, 0, 0)),
          pl.BlockSpec((1, 1, Dh), lambda c: (c, 0, 0)),
          pl.BlockSpec((1, 1, Dh), lambda c: (c, 0, 0)),
          pl.BlockSpec((1, 1, Dh), lambda c: (c, 0, 0)),
      ],
      out_specs=pl.BlockSpec((1, N, Dh), lambda c: (c, 0, 0)),
      out_shape=jax.ShapeDtypeStruct((2, N, Dh), jnp.float32),
  )(gat2, bg.reshape(2, 1, Dh), g2.reshape(2, 1, Dh), be2.reshape(2, 1, Dh))


def _tcg(agg2h, deg16, h2h, W2l, W2r, b2, g3, be3, Wfc1, bfc1, g4, be4,
         Wfc2, bfc2):
  N = deg16.shape[0]

  def body(agg2_r, deg_r, h2_r, W2la_r, W2lb_r, W2ra_r, W2rb_r, b2_r, g3_r,
           be3_r, Wfc1_r, bfc1_r, g4_r, be4_r, Wfc2_r, bfc2_r, out_r):
    deg = jnp.clip(deg_r[:, 0:1], 1.0, None)
    h = (jnp.dot(agg2_r[0] / deg, W2la_r[...],
                 preferred_element_type=jnp.float32)
         + jnp.dot(agg2_r[1] / deg, W2lb_r[...],
                   preferred_element_type=jnp.float32)
         + jnp.dot(h2_r[0], W2ra_r[...], preferred_element_type=jnp.float32)
         + jnp.dot(h2_r[1], W2rb_r[...], preferred_element_type=jnp.float32)
         + b2_r[0])
    h = _bn_act(h, g3_r[0], be3_r[0])
    h = _bn_act(jnp.dot(h, Wfc1_r[...], preferred_element_type=jnp.float32)
                + bfc1_r[0], g4_r[0], be4_r[0])
    out_r[...] = (jnp.dot(h, Wfc2_r[...], preferred_element_type=jnp.float32)
                  + bfc2_r[0])

  return pl.pallas_call(
      body,
      out_shape=jax.ShapeDtypeStruct((N, 2), jnp.float32),
  )(agg2h, deg16, h2h, W2l[:128], W2l[128:], W2r[:128], W2r[128:],
    b2.reshape(1, -1), g3.reshape(1, -1), be3.reshape(1, -1), Wfc1,
    bfc1.reshape(1, -1), g4.reshape(1, -1), be4.reshape(1, -1), Wfc2,
    bfc2.reshape(1, -1))



def kernel(x, edge_index, edge_attr, W1l, W1r, b1, g1, be1, Wg, a_src, a_dst,
           bg, g2, be2, W2l, W2r, b2, g3, be3, Wfc1, bfc1, g4, be4, Wfc2,
           bfc2, edge_scale):
  N, D_IN = x.shape
  E = edge_index.shape[1]
  HID = W1l.shape[1]
  Np = _pad_nodes(N)

  src = edge_index[0].astype(jnp.int32)
  dst = edge_index[1].astype(jnp.int32)
  src3 = src.reshape(NS, E // NS // KC, KC)
  dst3 = dst.reshape(NS, E // NS // KC, KC)
  src3g = src.reshape(NC * NS, E // (NC * NS) // KC, KC)
  dst3g = dst.reshape(NC * NS, E // (NC * NS) // KC, KC)
  idx_pair = jnp.stack([src.reshape(NS, E // NS // KC, KC),
                        dst.reshape(NS, E // NS // KC, KC)])

  z64 = jnp.zeros((Np, 64), jnp.float32)
  z128 = jnp.zeros((Np, 128), jnp.float32)
  z16 = jnp.zeros((Np, 16), jnp.float32)
  ones16 = jnp.ones((KC, 16), jnp.float32)

  x_split = x.reshape(N, 2, 64).transpose(1, 0, 2)
  agghp, deg16p = _make_sage(N, E, 64, True)(x_split, src3, dst3, z64, z16,
                                             ones16)
  aggh, deg16 = agghp[:, :N], deg16p[:N]

  h1 = _tcb_a(aggh, deg16, x, W1l, W1r, b1, g1, be1)
  xp, asad = _tcb_b(h1, Wg, a_src, a_dst)

  asdg = _make_gather(N, E, 16, True)(asad, idx_pair)
  asdg = asdg.reshape(2, E, 16)
  ee, eew = _tcc(asdg[0], asdg[1], edge_attr, edge_scale)
  den = _make_scatter_full(N, E, 16)(
      ee.reshape(E // KC, KC, 16), dst3, z16)
  deng = _make_gather(N, E, 16, False)(den, dst3g)
  xpg = _make_gather(N, E, 4 * HID, False)(xp, src3g)

  msg2 = _tcd(eew, deng.reshape(E, 16), xpg.reshape(E, 4 * HID))
  gat2 = _make_scatter_colsplit(N, E, 128)(
      msg2.reshape(2, E // KC, KC, 128), dst3, z128)[:, :N]

  h2h = _tce(gat2, bg, g2, be2)

  agg2h = _make_sage(N, E, 128, False)(h2h, src3, dst3, z128, z16,
                                       ones16)[:, :N]
  return _tcg(agg2h, deg16, h2h, W2l, W2r, b2, g3, be3, Wfc1, bfc1, g4, be4,
              Wfc2, bfc2)

# --- scband reference (transcript-rebuilt; emitter-appended) ---
"""Pipeline reference for scband-improved-gnn-44272522887704 (READ-ONLY COPY).

The authoritative reference and input builder live on the scoring server;
editing this copy changes nothing except your own understanding.
"""

import jax, jax.numpy as jnp
import numpy as np

N = 10000
E = 160000
D_IN = 128
HID = 64
HEADS = 4

def setup_inputs(seed: int = 0):
    key = jax.random.key(seed)
    ks = jax.random.split(key, 30)
    p = lambda k, s: jax.random.normal(k, s, dtype=jnp.float32) * 0.05
    inp = {}
    inp['x'] = jax.random.normal(ks[0], (N, D_IN), dtype=jnp.float32)
    inp['edge_index'] = jax.random.randint(ks[1], (2, E), 0, N)
    inp['edge_attr'] = jax.random.normal(ks[2], (E, 4), dtype=jnp.float32)
    inp['W1l'] = p(ks[3], (D_IN, HID)); inp['W1r'] = p(ks[4], (D_IN, HID)); inp['b1'] = jnp.zeros((HID,), jnp.float32)
    inp['g1'] = jnp.ones((HID,), jnp.float32); inp['be1'] = jnp.zeros((HID,), jnp.float32)
    inp['Wg'] = p(ks[5], (HID, HEADS * HID)); inp['a_src'] = p(ks[6], (HEADS, HID)); inp['a_dst'] = p(ks[7], (HEADS, HID)); inp['bg'] = jnp.zeros((HEADS * HID,), jnp.float32)
    inp['g2'] = jnp.ones((HEADS * HID,), jnp.float32); inp['be2'] = jnp.zeros((HEADS * HID,), jnp.float32)
    inp['W2l'] = p(ks[8], (HEADS * HID, HID)); inp['W2r'] = p(ks[9], (HEADS * HID, HID)); inp['b2'] = jnp.zeros((HID,), jnp.float32)
    inp['g3'] = jnp.ones((HID,), jnp.float32); inp['be3'] = jnp.zeros((HID,), jnp.float32)
    inp['Wfc1'] = p(ks[10], (HID, HID // 2)); inp['bfc1'] = jnp.zeros((HID // 2,), jnp.float32)
    inp['g4'] = jnp.ones((HID // 2,), jnp.float32); inp['be4'] = jnp.zeros((HID // 2,), jnp.float32)
    inp['Wfc2'] = p(ks[11], (HID // 2, 2)); inp['bfc2'] = jnp.zeros((2,), jnp.float32)
    inp['edge_scale'] = jnp.asarray(0.5, jnp.float32)
    return inp

def _bn(x, g, b, eps=1e-5):
    m = jnp.mean(x, axis=0)
    v = jnp.var(x, axis=0)
    return (x - m) / jnp.sqrt(v + eps) * g + b

def reference(x, edge_index, edge_attr, W1l, W1r, b1, g1, be1, Wg, a_src, a_dst, bg, g2, be2, W2l, W2r, b2, g3, be3, Wfc1, bfc1, g4, be4, Wfc2, bfc2, edge_scale):
    src = edge_index[0]
    dst = edge_index[1]
    edge_weight = jax.nn.sigmoid(edge_attr[:, 0]) * edge_scale
    deg = jnp.clip(jax.ops.segment_sum(jnp.ones((E,), jnp.float32), dst, num_segments=N), 1.0)
    # SAGEConv 1 (mean aggregation)
    agg = jax.ops.segment_sum(x[src], dst, num_segments=N) / deg[:, None]
    h = agg @ W1l + x @ W1r + b1
    h = jax.nn.elu(_bn(h, g1, be1))
    # GATConv, 4 heads, concat; edge_weight scales messages
    xp = (h @ Wg).reshape(N, HEADS, HID)
    al_s = jnp.sum(xp * a_src[None, :, :], axis=-1)
    al_d = jnp.sum(xp * a_dst[None, :, :], axis=-1)
    e = jax.nn.leaky_relu(al_s[src] + al_d[dst], negative_slope=0.2)
    emax = jax.ops.segment_max(e, dst, num_segments=N)
    emax = jax.lax.stop_gradient(jnp.where(jnp.isfinite(emax), emax, 0.0))
    ee = jnp.exp(e - emax[dst])
    den = jnp.clip(jax.ops.segment_sum(ee, dst, num_segments=N), 1e-16)
    alpha = ee / den[dst]
    msg = alpha[:, :, None] * xp[src] * edge_weight[:, None, None]
    gat = jax.ops.segment_sum(msg, dst, num_segments=N).reshape(N, HEADS * HID) + bg
    h = jax.nn.elu(_bn(gat, g2, be2))
    # SAGEConv 2
    agg2 = jax.ops.segment_sum(h[src], dst, num_segments=N) / deg[:, None]
    h = agg2 @ W2l + h @ W2r + b2
    h = jax.nn.elu(_bn(h, g3, be3))
    h = jax.nn.elu(_bn(h @ Wfc1 + bfc1, g4, be4))
    return h @ Wfc2 + bfc2

if __name__ == "__main__":
    import jax
    _d = setup_inputs()
    print(jax.jit(kernel)(*tuple(_d.values())))

</pallas_src>

<mosaic_0001>
#map = affine_map<(d0, d1) -> (0, 0)>
#map1 = affine_map<(d0, d1) -> (0, 0, 0)>
module attributes {stable_mosaic.version = 14 : i64} {
  func.func @body(%arg0: i32, %arg1: i32, %arg2: memref<10000x256xf32, #tpu.memory_space<hbm>>, %arg3: memref<32x125x40xi32, #tpu.memory_space<hbm>>, %arg4: memref<4000x40x256xf32, #tpu.memory_space<hbm>>, %arg5: memref<125x40xi32, #tpu.memory_space<vmem>>, %arg6: memref<40x256xf32, #tpu.memory_space<vmem>>, %arg7: memref<!tpu.dma_semaphore, #tpu.memory_space<semaphore_mem>>) attributes {dimension_semantics = [#tpu.dimension_semantics<core_parallel>, #tpu.dimension_semantics<subcore_parallel>], iteration_bounds = array<i64: 2, 16>, scalar_prefetch = 0 : i64, scratch_operands = 3 : i64, tpu.core_type = #tpu.core_type<sc_vector_subcore>, window_params = [{transform_indices = #map}, {transform_indices = #map1}, {transform_indices = #map1}]} {
    %mul3A = arith.constant 2 : i32
    %mul3A_0 = arith.muli %arg1, %mul3A : i32
    %add3A = arith.addi %mul3A_0, %arg0 : i32
    "tpu.region"() ({
      %run_scoped3A = tpu.sem_alloc : memref<!tpu.dma_semaphore, #tpu.memory_space<semaphore_mem>>
      %dma_start3A = arith.constant 0 : i32
      %dma_start3A_6 = arith.constant 0 : i32
      %dma_start3A_7 = tpu.memref_slice %arg3[%add3A, %dma_start3A, %dma_start3A_6] : memref<32x125x40xi32, #tpu.memory_space<hbm>> -> memref<1x125x40xi32, #tpu.memory_space<hbm>>
      %dma_start3A_8 = tpu.memref_squeeze %dma_start3A_7 : memref<1x125x40xi32, #tpu.memory_space<hbm>> -> memref<125x40xi32, #tpu.memory_space<hbm>>
      %dma_start3A_9 = arith.constant 0 : i32
      %dma_start3A_10 = arith.constant 0 : i32
      %dma_start3A_11 = tpu.memref_slice %arg3[%add3A, %dma_start3A_9, %dma_start3A_10] : memref<32x125x40xi32, #tpu.memory_space<hbm>> -> memref<1x125x40xi32, #tpu.memory_space<hbm>>
      %dma_start3A_12 = tpu.memref_squeeze %dma_start3A_11 : memref<1x125x40xi32, #tpu.memory_space<hbm>> -> memref<125x40xi32, #tpu.memory_space<hbm>>
      tpu.enqueue_dma source(%dma_start3A_12 : memref<125x40xi32, #tpu.memory_space<hbm>>) target(%arg5 : memref<125x40xi32, #tpu.memory_space<vmem>>) target_semaphore(%run_scoped3A : memref<!tpu.dma_semaphore, #tpu.memory_space<semaphore_mem>>)
      %dma_wait3A = arith.constant 0 : i32
      %dma_wait3A_13 = arith.constant 0 : i32
      %dma_wait3A_14 = tpu.memref_slice %arg3[%add3A, %dma_wait3A, %dma_wait3A_13] : memref<32x125x40xi32, #tpu.memory_space<hbm>> -> memref<1x125x40xi32, #tpu.memory_space<hbm>>
      %dma_wait3A_15 = tpu.memref_squeeze %dma_wait3A_14 : memref<1x125x40xi32, #tpu.memory_space<hbm>> -> memref<125x40xi32, #tpu.memory_space<hbm>>
      %dma_wait3A_16 = arith.constant 0 : i32
      %dma_wait3A_17 = arith.constant 0 : i32
      %dma_wait3A_18 = tpu.memref_slice %arg3[%add3A, %dma_wait3A_16, %dma_wait3A_17] : memref<32x125x40xi32, #tpu.memory_space<hbm>> -> memref<1x125x40xi32, #tpu.memory_space<hbm>>
      %dma_wait3A_19 = tpu.memref_squeeze %dma_wait3A_18 : memref<1x125x40xi32, #tpu.memory_space<hbm>> -> memref<125x40xi32, #tpu.memory_space<hbm>>
      tpu.wait_dma2 semaphore(%run_scoped3A : memref<!tpu.dma_semaphore, #tpu.memory_space<semaphore_mem>>) src(%dma_wait3A_19 : memref<125x40xi32, #tpu.memory_space<hbm>>) dst(%arg5 : memref<125x40xi32, #tpu.memory_space<vmem>>)
      tpu.yield
    }) : () -> ()
    %scan3A = arith.constant 0 : i32
    %scan3A_1 = arith.constant 0 : i32
    %scan3A_2 = arith.constant 125 : i32
    %scan3A_3 = arith.addi %scan3A_1, %scan3A_2 : i32
    %scan3A_4 = arith.constant 1 : i32
    scf.for %scan3A_6 = %scan3A_1 to %scan3A_3 step %scan3A_4  : i32 {
      %dma_start3A = arith.constant 0 : i32
      %dma_start3A_7 = tpu.memref_slice %arg5[%scan3A_6, %dma_start3A] : memref<125x40xi32, #tpu.memory_space<vmem>> -> memref<1x40xi32, #tpu.memory_space<vmem>>
      %dma_start3A_8 = tpu.memref_squeeze %dma_start3A_7 : memref<1x40xi32, #tpu.memory_space<vmem>> -> memref<40xi32, #tpu.memory_space<vmem>>
      %dma_start3A_9 = arith.constant 0 : i32
      %dma_start3A_10 = arith.constant 0 : i32
      %dma_start3A_11 = tpu.memref_slice %arg2[%dma_start3A_9, %dma_start3A_10] : memref<10000x256xf32, #tpu.memory_space<hbm>> -> memref<10000x256xf32, #tpu.memory_space<hbm>>
      tpu.enqueue_indirect_dma source(%dma_start3A_11 : memref<10000x256xf32, #tpu.memory_space<hbm>>) target(%arg6 : memref<40x256xf32, #tpu.memory_space<vmem>>) offsets(%dma_start3A_8 : memref<40xi32, #tpu.memory_space<vmem>>) semaphore(%arg7 : memref<!tpu.dma_semaphore, #tpu.memory_space<semaphore_mem>>)
      %dma_wait3A = arith.constant 0 : i32
      %dma_wait3A_12 = tpu.memref_slice %arg5[%scan3A_6, %dma_wait3A] : memref<125x40xi32, #tpu.memory_space<vmem>> -> memref<1x40xi32, #tpu.memory_space<vmem>>
      %dma_wait3A_13 = tpu.memref_squeeze %dma_wait3A_12 : memref<1x40xi32, #tpu.memory_space<vmem>> -> memref<40xi32, #tpu.memory_space<vmem>>
      %dma_wait3A_14 = arith.constant 0 : i32
      %dma_wait3A_15 = arith.constant 0 : i32
      %dma_wait3A_16 = tpu.memref_slice %arg2[%dma_wait3A_14, %dma_wait3A_15] : memref<10000x256xf32, #tpu.memory_space<hbm>> -> memref<10000x256xf32, #tpu.memory_space<hbm>>
      tpu.wait_indirect_dma semaphore(%arg7 : memref<!tpu.dma_semaphore, #tpu.memory_space<semaphore_mem>>) src(%dma_wait3A_16 : memref<10000x256xf32, #tpu.memory_space<hbm>>) dst(%arg6 : memref<40x256xf32, #tpu.memory_space<vmem>>)
      %mul3A_17 = arith.constant 2 : i32
      %mul3A_18 = arith.muli %arg1, %mul3A_17 : i32
      %add3A_19 = arith.addi %mul3A_18, %arg0 : i32
      %mul3A_20 = arith.constant 125 : i32
      %mul3A_21 = arith.muli %add3A_19, %mul3A_20 : i32
      %add3A_22 = arith.addi %mul3A_21, %scan3A_6 : i32
      "tpu.region"() ({
        %run_scoped3A = tpu.sem_alloc : memref<!tpu.dma_semaphore, #tpu.memory_space<semaphore_mem>>
        %dma_start3A_23 = arith.constant 0 : i32
        %dma_start3A_24 = arith.constant 0 : i32
        %dma_start3A_25 = tpu.memref_slice %arg4[%add3A_22, %dma_start3A_23, %dma_start3A_24] : memref<4000x40x256xf32, #tpu.memory_space<hbm>> -> memref<1x40x256xf32, #tpu.memory_space<hbm>>
        %dma_start3A_26 = tpu.memref_squeeze %dma_start3A_25 : memref<1x40x256xf32, #tpu.memory_space<hbm>> -> memref<40x256xf32, #tpu.memory_space<hbm>>
        %dma_start3A_27 = arith.constant 0 : i32
        %dma_start3A_28 = arith.constant 0 : i32
        %dma_start3A_29 = tpu.memref_slice %arg4[%add3A_22, %dma_start3A_27, %dma_start3A_28] : memref<4000x40x256xf32, #tpu.memory_space<hbm>> -> memref<1x40x256xf32, #tpu.memory_space<hbm>>
        %dma_start3A_30 = tpu.memref_squeeze %dma_start3A_29 : memref<1x40x256xf32, #tpu.memory_space<hbm>> -> memref<40x256xf32, #tpu.memory_space<hbm>>
        tpu.enqueue_dma source(%arg6 : memref<40x256xf32, #tpu.memory_space<vmem>>) target(%dma_start3A_30 : memref<40x256xf32, #tpu.memory_space<hbm>>) target_semaphore(%run_scoped3A : memref<!tpu.dma_semaphore, #tpu.memory_space<semaphore_mem>>)
        %dma_wait3A_31 = arith.constant 0 : i32
        %dma_wait3A_32 = arith.constant 0 : i32
        %dma_wait3A_33 = tpu.memref_slice %arg4[%add3A_22, %dma_wait3A_31, %dma_wait3A_32] : memref<4000x40x256xf32, #tpu.memory_space<hbm>> -> memref<1x40x256xf32, #tpu.memory_space<hbm>>
        %dma_wait3A_34 = tpu.memref_squeeze %dma_wait3A_33 : memref<1x40x256xf32, #tpu.memory_space<hbm>> -> memref<40x256xf32, #tpu.memory_space<hbm>>
        %dma_wait3A_35 = arith.constant 0 : i32
        %dma_wait3A_36 = arith.constant 0 : i32
        %dma_wait3A_37 = tpu.memref_slice %arg4[%add3A_22, %dma_wait3A_35, %dma_wait3A_36] : memref<4000x40x256xf32, #tpu.memory_space<hbm>> -> memref<1x40x256xf32, #tpu.memory_space<hbm>>
        %dma_wait3A_38 = tpu.memref_squeeze %dma_wait3A_37 : memref<1x40x256xf32, #tpu.memory_space<hbm>> -> memref<40x256xf32, #tpu.memory_space<hbm>>
        tpu.wait_dma2 semaphore(%run_scoped3A : memref<!tpu.dma_semaphore, #tpu.memory_space<semaphore_mem>>) src(%arg6 : memref<40x256xf32, #tpu.memory_space<vmem>>) dst(%dma_wait3A_38 : memref<40x256xf32, #tpu.memory_space<hbm>>)
        tpu.yield
      }) : () -> ()
    }
    %scan3A_5 = arith.constant 125 : i32
    return
  }
}

#map = affine_map<(d0, d1) -> (0, 0, 0)>
#map1 = affine_map<(d0, d1) -> (0, 0)>
module attributes {stable_mosaic.version = 14 : i64} {
  func.func @body(%arg0: i32, %arg1: i32, %arg2: memref<2x10000x64xf32, #tpu.memory_space<hbm>>, %arg3: memref<16x250x40xi32, #tpu.memory_space<hbm>>, %arg4: memref<16x250x40xi32, #tpu.memory_space<hbm>>, %arg5: memref<10112x64xf32, #tpu.memory_space<hbm>>, %arg6: memref<10112x16xf32, #tpu.memory_space<hbm>>, %arg7: memref<40x16xf32, #tpu.memory_space<hbm>>, %arg8: memref<2x10112x64xf32, #tpu.memory_space<hbm>>, %arg9: memref<10112x16xf32, #tpu.memory_space<hbm>>, %arg10: memref<250x40xi32, #tpu.memory_space<vmem>>, %arg11: memref<250x40xi32, #tpu.memory_space<vmem>>, %arg12: memref<40x64xf32, #tpu.memory_space<vmem>>, %arg13: memref<40x16xf32, #tpu.memory_space<vmem>>, %arg14: memref<10112x64xf32, #tpu.memory_space<vmem_shared>>, %arg15: memref<10112x16xf32, #tpu.memory_space<vmem_shared>>, %arg16: memref<!tpu.dma_semaphore, #tpu.memory_space<semaphore_mem>>) attributes {dimension_semantics = [#tpu.dimension_semantics<core_parallel>, #tpu.dimension_semantics<subcore_parallel>], iteration_bounds = array<i64: 2, 16>, scalar_prefetch = 0 : i64, scratch_operands = 7 : i64, tpu.core_type = #tpu.core_type<sc_vector_subcore>, window_params = [{transform_indices = #map}, {transform_indices = #map}, {transform_indices = #map}, {transform_indices = #map1}, {transform_indices = #map1}, {transform_indices = #map1}, {transform_indices = #map}, {transform_indices = #map1}]} {
    %mul3A = arith.constant 632 : i32
    %mul3A_0 = arith.muli %arg1, %mul3A : i32
    "tpu.region"() ({
      %run_scoped3A = tpu.sem_alloc : memref<!tpu.dma_semaphore, #tpu.memory_space<semaphore_mem>>
      %dma_start3A = arith.constant 0 : i32
      %dma_start3A_9 = tpu.memref_slice %arg14[%mul3A_0, %dma_start3A] : memref<10112x64xf32, #tpu.memory_space<vmem_shared>> -> memref<632x64xf32, #tpu.memory_space<vmem_shared>>
      %dma_start3A_10 = arith.constant 0 : i32
      %dma_start3A_11 = tpu.memref_slice %arg5[%mul3A_0, %dma_start3A_10] : memref<10112x64xf32, #tpu.memory_space<hbm>> -> memref<632x64xf32, #tpu.memory_space<hbm>>
      tpu.enqueue_dma source(%dma_start3A_11 : memref<632x64xf32, #tpu.memory_space<hbm>>) target(%dma_start3A_9 : memref<632x64xf32, #tpu.memory_space<vmem_shared>>) target_semaphore(%run_scoped3A : memref<!tpu.dma_semaphore, #tpu.memory_space<semaphore_mem>>)
      %dma_wait3A = arith.constant 0 : i32
      %dma_wait3A_12 = tpu.memref_slice %arg14[%mul3A_0, %dma_wait3A] : memref<10112x64xf32, #tpu.memory_space<vmem_shared>> -> memref<632x64xf32, #tpu.memory_space<vmem_shared>>
      %dma_wait3A_13 = arith.constant 0 : i32
      %dma_wait3A_14 = tpu.memref_slice %arg5[%mul3A_0, %dma_wait3A_13] : memref<10112x64xf32, #tpu.memory_space<hbm>> -> memref<632x64xf32, #tpu.memory_space<hbm>>
      tpu.wait_dma2 semaphore(%run_scoped3A : memref<!tpu.dma_semaphore, #tpu.memory_space<semaphore_mem>>) src(%dma_wait3A_14 : memref<632x64xf32, #tpu.memory_space<hbm>>) dst(%dma_wait3A_12 : memref<632x64xf32, #tpu.memory_space<vmem_shared>>)
      tpu.yield
    }) : () -> ()
    "tpu.region"() ({
      %run_scoped3A = tpu.sem_alloc : memref<!tpu.dma_semaphore, #tpu.memory_space<semaphore_mem>>
      %dma_start3A = arith.constant 0 : i32
      %dma_start3A_9 = tpu.memref_slice %arg15[%mul3A_0, %dma_start3A] : memref<10112x16xf32, #tpu.memory_space<vmem_shared>> -> memref<632x16xf32, #tpu.memory_space<vmem_shared>>
      %dma_start3A_10 = arith.constant 0 : i32
      %dma_start3A_11 = tpu.memref_slice %arg6[%mul3A_0, %dma_start3A_10] : memref<10112x16xf32, #tpu.memory_space<hbm>> -> memref<632x16xf32, #tpu.memory_space<hbm>>
      tpu.enqueue_dma source(%dma_start3A_11 : memref<632x16xf32, #tpu.memory_space<hbm>>) target(%dma_start3A_9 : memref<632x16xf32, #tpu.memory_space<vmem_shared>>) target_semaphore(%run_scoped3A : memref<!tpu.dma_semaphore, #tpu.memory_space<semaphore_mem>>)
      %dma_wait3A = arith.constant 0 : i32
      %dma_wait3A_12 = tpu.memref_slice %arg15[%mul3A_0, %dma_wait3A] : memref<10112x16xf32, #tpu.memory_space<vmem_shared>> -> memref<632x16xf32, #tpu.memory_space<vmem_shared>>
      %dma_wait3A_13 = arith.constant 0 : i32
      %dma_wait3A_14 = tpu.memref_slice %arg6[%mul3A_0, %dma_wait3A_13] : memref<10112x16xf32, #tpu.memory_space<hbm>> -> memref<632x16xf32, #tpu.memory_space<hbm>>
      tpu.wait_dma2 semaphore(%run_scoped3A : memref<!tpu.dma_semaphore, #tpu.memory_space<semaphore_mem>>) src(%dma_wait3A_14 : memref<632x16xf32, #tpu.memory_space<hbm>>) dst(%dma_wait3A_12 : memref<632x16xf32, #tpu.memory_space<vmem_shared>>)
      tpu.yield
    }) : () -> ()
    "tpu.region"() ({
      %run_scoped3A = tpu.sem_alloc : memref<!tpu.dma_semaphore, #tpu.memory_space<semaphore_mem>>
      %dma_start3A = arith.constant 0 : i32
      %dma_start3A_9 = arith.constant 0 : i32
      %dma_start3A_10 = tpu.memref_slice %arg3[%arg1, %dma_start3A, %dma_start3A_9] : memref<16x250x40xi32, #tpu.memory_space<hbm>> -> memref<1x250x40xi32, #tpu.memory_space<hbm>>
      %dma_start3A_11 = tpu.memref_squeeze %dma_start3A_10 : memref<1x250x40xi32, #tpu.memory_space<hbm>> -> memref<250x40xi32, #tpu.memory_space<hbm>>
      %dma_start3A_12 = arith.constant 0 : i32
      %dma_start3A_13 = arith.constant 0 : i32
      %dma_start3A_14 = tpu.memref_slice %arg3[%arg1, %dma_start3A_12, %dma_start3A_13] : memref<16x250x40xi32, #tpu.memory_space<hbm>> -> memref<1x250x40xi32, #tpu.memory_space<hbm>>
      %dma_start3A_15 = tpu.memref_squeeze %dma_start3A_14 : memref<1x250x40xi32, #tpu.memory_space<hbm>> -> memref<250x40xi32, #tpu.memory_space<hbm>>
      tpu.enqueue_dma source(%dma_start3A_15 : memref<250x40xi32, #tpu.memory_space<hbm>>) target(%arg10 : memref<250x40xi32, #tpu.memory_space<vmem>>) target_semaphore(%run_scoped3A : memref<!tpu.dma_semaphore, #tpu.memory_space<semaphore_mem>>)
      %dma_wait3A = arith.constant 0 : i32
      %dma_wait3A_16 = arith.constant 0 : i32
      %dma_wait3A_17 = tpu.memref_slice %arg3[%arg1, %dma_wait3A, %dma_wait3A_16] : memref<16x250x40xi32, #tpu.memory_space<hbm>> -> memref<1x250x40xi32, #tpu.memory_space<hbm>>
      %dma_wait3A_18 = tpu.memref_squeeze %dma_wait3A_17 : memref<1x250x40xi32, #tpu.memory_space<hbm>> -> memref<250x40xi32, #tpu.memory_space<hbm>>
      %dma_wait3A_19 = arith.constant 0 : i32
      %dma_wait3A_20 = arith.constant 0 : i32
      %dma_wait3A_21 = tpu.memref_slice %arg3[%arg1, %dma_wait3A_19, %dma_wait3A_20] : memref<16x250x40xi32, #tpu.memory_space<hbm>> -> memref<1x250x40xi32, #tpu.memory_space<hbm>>
      %dma_wait3A_22 = tpu.memref_squeeze %dma_wait3A_21 : memref<1x250x40xi32, #tpu.memory_space<hbm>> -> memref<250x40xi32, #tpu.memory_space<hbm>>
      tpu.wait_dma2 semaphore(%run_scoped3A : memref<!tpu.dma_semaphore, #tpu.memory_space<semaphore_mem>>) src(%dma_wait3A_22 : memref<250x40xi32, #tpu.memory_space<hbm>>) dst(%arg10 : memref<250x40xi32, #tpu.memory_space<vmem>>)
      tpu.yield
    }) : () -> ()
    "tpu.region"() ({
      %run_scoped3A = tpu.sem_alloc : memref<!tpu.dma_semaphore, #tpu.memory_space<semaphore_mem>>
      %dma_start3A = arith.constant 0 : i32
      %dma_start3A_9 = arith.constant 0 : i32
      %dma_start3A_10 = tpu.memref_slice %arg4[%arg1, %dma_start3A, %dma_start3A_9] : memref<16x250x40xi32, #tpu.memory_space<hbm>> -> memref<1x250x40xi32, #tpu.memory_space<hbm>>
      %dma_start3A_11 = tpu.memref_squeeze %dma_start3A_10 : memref<1x250x40xi32, #tpu.memory_space<hbm>> -> memref<250x40xi32, #tpu.memory_space<hbm>>
      %dma_start3A_12 = arith.constant 0 : i32
      %dma_start3A_13 = arith.constant 0 : i32
      %dma_start3A_14 = tpu.memref_slice %arg4[%arg1, %dma_start3A_12, %dma_start3A_13] : memref<16x250x40xi32, #tpu.memory_space<hbm>> -> memref<1x250x40xi32, #tpu.memory_space<hbm>>
      %dma_start3A_15 = tpu.memref_squeeze %dma_start3A_14 : memref<1x250x40xi32, #tpu.memory_space<hbm>> -> memref<250x40xi32, #tpu.memory_space<hbm>>
      tpu.enqueue_dma source(%dma_start3A_15 : memref<250x40xi32, #tpu.memory_space<hbm>>) target(%arg11 : memref<250x40xi32, #tpu.memory_space<vmem>>) target_semaphore(%run_scoped3A : memref<!tpu.dma_semaphore, #tpu.memory_space<semaphore_mem>>)
      %dma_wait3A = arith.constant 0 : i32
      %dma_wait3A_16 = arith.constant 0 : i32
      %dma_wait3A_17 = tpu.memref_slice %arg4[%arg1, %dma_wait3A, %dma_wait3A_16] : memref<16x250x40xi32, #tpu.memory_space<hbm>> -> memref<1x250x40xi32, #tpu.memory_space<hbm>>
      %dma_wait3A_18 = tpu.memref_squeeze %dma_wait3A_17 : memref<1x250x40xi32, #tpu.memory_space<hbm>> -> memref<250x40xi32, #tpu.memory_space<hbm>>
      %dma_wait3A_19 = arith.constant 0 : i32
      %dma_wait3A_20 = arith.constant 0 : i32
      %dma_wait3A_21 = tpu.memref_slice %arg4[%arg1, %dma_wait3A_19, %dma_wait3A_20] : memref<16x250x40xi32, #tpu.memory_space<hbm>> -> memref<1x250x40xi32, #tpu.memory_space<hbm>>
      %dma_wait3A_22 = tpu.memref_squeeze %dma_wait3A_21 : memref<1x250x40xi32, #tpu.memory_space<hbm>> -> memref<250x40xi32, #tpu.memory_space<hbm>>
      tpu.wait_dma2 semaphore(%run_scoped3A : memref<!tpu.dma_semaphore, #tpu.memory_space<semaphore_mem>>) src(%dma_wait3A_22 : memref<250x40xi32, #tpu.memory_space<hbm>>) dst(%arg11 : memref<250x40xi32, #tpu.memory_space<vmem>>)
      tpu.yield
    }) : () -> ()
    "tpu.region"() ({
      %run_scoped3A = tpu.sem_alloc : memref<!tpu.dma_semaphore, #tpu.memory_space<semaphore_mem>>
      tpu.enqueue_dma source(%arg7 : memref<40x16xf32, #tpu.memory_space<hbm>>) target(%arg13 : memref<40x16xf32, #tpu.memory_space<vmem>>) target_semaphore(%run_scoped3A : memref<!tpu.dma_semaphore, #tpu.memory_space<semaphore_mem>>)
      tpu.wait_dma2 semaphore(%run_scoped3A : memref<!tpu.dma_semaphore, #tpu.memory_space<semaphore_mem>>) src(%arg7 : memref<40x16xf32, #tpu.memory_space<hbm>>) dst(%arg13 : memref<40x16xf32, #tpu.memory_space<vmem>>)
      tpu.yield
    }) : () -> ()
    %barrier3A = arith.constant 0 : index
    tpu.barrier barrier_id(%barrier3A)
    %scan3A = arith.constant 0 : i32
    %scan3A_1 = arith.constant 0 : i32
    %scan3A_2 = arith.constant 250 : i32
    %scan3A_3 = arith.addi %scan3A_1, %scan3A_2 : i32
    %scan3A_4 = arith.constant 1 : i32
    scf.for %scan3A_9 = %scan3A_1 to %scan3A_3 step %scan3A_4  : i32 {
      %dma_start3A = arith.constant 0 : i32
      %dma_start3A_10 = tpu.memref_slice %arg10[%scan3A_9, %dma_start3A] : memref<250x40xi32, #tpu.memory_space<vmem>> -> memref<1x40xi32, #tpu.memory_space<vmem>>
      %dma_start3A_11 = tpu.memref_squeeze %dma_start3A_10 : memref<1x40xi32, #tpu.memory_space<vmem>> -> memref<40xi32, #tpu.memory_space<vmem>>
      %dma_start3A_12 = arith.constant 0 : i32
      %dma_start3A_13 = arith.constant 0 : i32
      %dma_start3A_14 = tpu.memref_slice %arg2[%arg0, %dma_start3A_12, %dma_start3A_13] : memref<2x10000x64xf32, #tpu.memory_space<hbm>> -> memref<1x10000x64xf32, #tpu.memory_space<hbm>>
      %dma_start3A_15 = tpu.memref_squeeze %dma_start3A_14 : memref<1x10000x64xf32, #tpu.memory_space<hbm>> -> memref<10000x64xf32, #tpu.memory_space<hbm>>
      %dma_start3A_16 = arith.constant 0 : i32
      %dma_start3A_17 = arith.constant 0 : i32
      %dma_start3A_18 = tpu.memref_slice %dma_start3A_15[%dma_start3A_16, %dma_start3A_17] : memref<10000x64xf32, #tpu.memory_space<hbm>> -> memref<10000x64xf32, #tpu.memory_space<hbm>>
      tpu.enqueue_indirect_dma source(%dma_start3A_18 : memref<10000x64xf32, #tpu.memory_space<hbm>>) target(%arg12 : memref<40x64xf32, #tpu.memory_space<vmem>>) offsets(%dma_start3A_11 : memref<40xi32, #tpu.memory_space<vmem>>) semaphore(%arg16 : memref<!tpu.dma_semaphore, #tpu.memory_space<semaphore_mem>>)
      %dma_wait3A = arith.constant 0 : i32
      %dma_wait3A_19 = tpu.memref_slice %arg10[%scan3A_9, %dma_wait3A] : memref<250x40xi32, #tpu.memory_space<vmem>> -> memref<1x40xi32, #tpu.memory_space<vmem>>
      %dma_wait3A_20 = tpu.memref_squeeze %dma_wait3A_19 : memref<1x40xi32, #tpu.memory_space<vmem>> -> memref<40xi32, #tpu.memory_space<vmem>>
      %dma_wait3A_21 = arith.constant 0 : i32
      %dma_wait3A_22 = arith.constant 0 : i32
      %dma_wait3A_23 = tpu.memref_slice %arg2[%arg0, %dma_wait3A_21, %dma_wait3A_22] : memref<2x10000x64xf32, #tpu.memory_space<hbm>> -> memref<1x10000x64xf32, #tpu.memory_space<hbm>>
      %dma_wait3A_24 = tpu.memref_squeeze %dma_wait3A_23 : memref<1x10000x64xf32, #tpu.memory_space<hbm>> -> memref<10000x64xf32, #tpu.memory_space<hbm>>
      %dma_wait3A_25 = arith.constant 0 : i32
      %dma_wait3A_26 = arith.constant 0 : i32
      %dma_wait3A_27 = tpu.memref_slice %dma_wait3A_24[%dma_wait3A_25, %dma_wait3A_26] : memref<10000x64xf32, #tpu.memory_space<hbm>> -> memref<10000x64xf32, #tpu.memory_space<hbm>>
      tpu.wait_indirect_dma semaphore(%arg16 : memref<!tpu.dma_semaphore, #tpu.memory_space<semaphore_mem>>) src(%dma_wait3A_27 : memref<10000x64xf32, #tpu.memory_space<hbm>>) dst(%arg12 : memref<40x64xf32, #tpu.memory_space<vmem>>)
      "tpu.region"() ({
        %run_scoped3A = tpu.sem_alloc : memref<!tpu.dma_semaphore, #tpu.memory_space<semaphore_mem>>
        %dma_start3A_33 = arith.constant 0 : i32
        %dma_start3A_34 = tpu.memref_slice %arg11[%scan3A_9, %dma_start3A_33] : memref<250x40xi32, #tpu.memory_space<vmem>> -> memref<1x40xi32, #tpu.memory_space<vmem>>
        %dma_start3A_35 = tpu.memref_squeeze %dma_start3A_34 : memref<1x40xi32, #tpu.memory_space<vmem>> -> memref<40xi32, #tpu.memory_space<vmem>>
        %dma_start3A_36 = arith.constant 0 : i32
        %dma_start3A_37 = arith.constant 0 : i32
        %dma_start3A_38 = tpu.memref_slice %arg14[%dma_start3A_36, %dma_start3A_37] : memref<10112x64xf32, #tpu.memory_space<vmem_shared>> -> memref<10112x64xf32, #tpu.memory_space<vmem_shared>>
        tpu.enqueue_indirect_dma source(%arg12 : memref<40x64xf32, #tpu.memory_space<vmem>>) target(%dma_start3A_38 : memref<10112x64xf32, #tpu.memory_space<vmem_shared>>) offsets(%dma_start3A_35 : memref<40xi32, #tpu.memory_space<vmem>>) semaphore(%run_scoped3A : memref<!tpu.dma_semaphore, #tpu.memory_space<semaphore_mem>>) {add = true}
        %dma_wait3A_39 = arith.constant 0 : i32
        %dma_wait3A_40 = tpu.memref_slice %arg11[%scan3A_9, %dma_wait3A_39] : memref<250x40xi32, #tpu.memory_space<vmem>> -> memref<1x40xi32, #tpu.memory_space<vmem>>
        %dma_wait3A_41 = tpu.memref_squeeze %dma_wait3A_40 : memref<1x40xi32, #tpu.memory_space<vmem>> -> memref<40xi32, #tpu.memory_space<vmem>>
        %dma_wait3A_42 = arith.constant 0 : i32
        %dma_wait3A_43 = arith.constant 0 : i32
        %dma_wait3A_44 = tpu.memref_slice %arg14[%dma_wait3A_42, %dma_wait3A_43] : memref<10112x64xf32, #tpu.memory_space<vmem_shared>> -> memref<10112x64xf32, #tpu.memory_space<vmem_shared>>
        tpu.wait_indirect_dma semaphore(%run_scoped3A : memref<!tpu.dma_semaphore, #tpu.memory_space<semaphore_mem>>) src(%arg12 : memref<40x64xf32, #tpu.memory_space<vmem>>) dst(%dma_wait3A_44 : memref<10112x64xf32, #tpu.memory_space<vmem_shared>>)
        tpu.yield
      }) : () -> ()
      %eq3A_28 = arith.constant 0 : i32
      %eq3A_29 = arith.cmpi eq, %arg0, %eq3A_28 : i32
      %convert_element_type3A_30 = arith.extui %eq3A_29 : i1 to i32
      %cond3A_31 = arith.constant 0 : i32
      %cond3A_32 = arith.cmpi ne, %convert_element_type3A_30, %cond3A_31 : i32
      scf.if %cond3A_32 {
        "tpu.region"() ({
          %run_scoped3A = tpu.sem_alloc : memref<!tpu.dma_semaphore, #tpu.memory_space<semaphore_mem>>
          %dma_start3A_33 = arith.constant 0 : i32
          %dma_start3A_34 = tpu.memref_slice %arg11[%scan3A_9, %dma_start3A_33] : memref<250x40xi32, #tpu.memory_space<vmem>> -> memref<1x40xi32, #tpu.memory_space<vmem>>
          %dma_start3A_35 = tpu.memref_squeeze %dma_start3A_34 : memref<1x40xi32, #tpu.memory_space<vmem>> -> memref<40xi32, #tpu.memory_space<vmem>>
          %dma_start3A_36 = arith.constant 0 : i32
          %dma_start3A_37 = arith.constant 0 : i32
          %dma_start3A_38 = tpu.memref_slice %arg15[%dma_start3A_36, %dma_start3A_37] : memref<10112x16xf32, #tpu.memory_space<vmem_shared>> -> memref<10112x16xf32, #tpu.memory_space<vmem_shared>>
          tpu.enqueue_indirect_dma source(%arg13 : memref<40x16xf32, #tpu.memory_space<vmem>>) target(%dma_start3A_38 : memref<10112x16xf32, #tpu.memory_space<vmem_shared>>) offsets(%dma_start3A_35 : memref<40xi32, #tpu.memory_space<vmem>>) semaphore(%run_scoped3A : memref<!tpu.dma_semaphore, #tpu.memory_space<semaphore_mem>>) {add = true}
          %dma_wait3A_39 = arith.constant 0 : i32
          %dma_wait3A_40 = tpu.memref_slice %arg11[%scan3A_9, %dma_wait3A_39] : memref<250x40xi32, #tpu.memory_space<vmem>> -> memref<1x40xi32, #tpu.memory_space<vmem>>
          %dma_wait3A_41 = tpu.memref_squeeze %dma_wait3A_40 : memref<1x40xi32, #tpu.memory_space<vmem>> -> memref<40xi32, #tpu.memory_space<vmem>>
          %dma_wait3A_42 = arith.constant 0 : i32
          %dma_wait3A_43 = arith.constant 0 : i32
          %dma_wait3A_44 = tpu.memref_slice %arg15[%dma_wait3A_42, %dma_wait3A_43] : memref<10112x16xf32, #tpu.memory_space<vmem_shared>> -> memref<10112x16xf32, #tpu.memory_space<vmem_shared>>
          tpu.wait_indirect_dma semaphore(%run_scoped3A : memref<!tpu.dma_semaphore, #tpu.memory_space<semaphore_mem>>) src(%arg13 : memref<40x16xf32, #tpu.memory_space<vmem>>) dst(%dma_wait3A_44 : memref<10112x16xf32, #tpu.memory_space<vmem_shared>>)
          tpu.yield
        }) : () -> ()
      } else {
      }
    }
    %scan3A_5 = arith.constant 250 : i32
    %barrier3A_6 = arith.constant 0 : index
    tpu.barrier barrier_id(%barrier3A_6)
    "tpu.region"() ({
      %run_scoped3A = tpu.sem_alloc : memref<!tpu.dma_semaphore, #tpu.memory_space<semaphore_mem>>
      %dma_start3A = arith.constant 0 : i32
      %dma_start3A_9 = tpu.memref_slice %arg8[%arg0, %mul3A_0, %dma_start3A] : memref<2x10112x64xf32, #tpu.memory_space<hbm>> -> memref<1x632x64xf32, #tpu.memory_space<hbm>>
      %dma_start3A_10 = tpu.memref_squeeze %dma_start3A_9 : memref<1x632x64xf32, #tpu.memory_space<hbm>> -> memref<632x64xf32, #tpu.memory_space<hbm>>
      %dma_start3A_11 = arith.constant 0 : i32
      %dma_start3A_12 = tpu.memref_slice %arg14[%mul3A_0, %dma_start3A_11] : memref<10112x64xf32, #tpu.memory_space<vmem_shared>> -> memref<632x64xf32, #tpu.memory_space<vmem_shared>>
      tpu.enqueue_dma source(%dma_start3A_12 : memref<632x64xf32, #tpu.memory_space<vmem_shared>>) target(%dma_start3A_10 : memref<632x64xf32, #tpu.memory_space<hbm>>) target_semaphore(%run_scoped3A : memref<!tpu.dma_semaphore, #tpu.memory_space<semaphore_mem>>)
      %dma_wait3A = arith.constant 0 : i32
      %dma_wait3A_13 = tpu.memref_slice %arg8[%arg0, %mul3A_0, %dma_wait3A] : memref<2x10112x64xf32, #tpu.memory_space<hbm>> -> memref<1x632x64xf32, #tpu.memory_space<hbm>>
      %dma_wait3A_14 = tpu.memref_squeeze %dma_wait3A_13 : memref<1x632x64xf32, #tpu.memory_space<hbm>> -> memref<632x64xf32, #tpu.memory_space<hbm>>
      %dma_wait3A_15 = arith.constant 0 : i32
      %dma_wait3A_16 = tpu.memref_slice %arg14[%mul3A_0, %dma_wait3A_15] : memref<10112x64xf32, #tpu.memory_space<vmem_shared>> -> memref<632x64xf32, #tpu.memory_space<vmem_shared>>
      tpu.wait_dma2 semaphore(%run_scoped3A : memref<!tpu.dma_semaphore, #tpu.memory_space<semaphore_mem>>) src(%dma_wait3A_16 : memref<632x64xf32, #tpu.memory_space<vmem_shared>>) dst(%dma_wait3A_14 : memref<632x64xf32, #tpu.memory_space<hbm>>)
      tpu.yield
    }) : () -> ()
    %eq3A = arith.constant 0 : i32
    %eq3A_7 = arith.cmpi eq, %arg0, %eq3A : i32
    %convert_element_type3A = arith.extui %eq3A_7 : i1 to i32
    %cond3A = arith.constant 0 : i32
    %cond3A_8 = arith.cmpi ne, %convert_element_type3A, %cond3A : i32
    scf.if %cond3A_8 {
      "tpu.region"() ({
        %run_scoped3A = tpu.sem_alloc : memref<!tpu.dma_semaphore, #tpu.memory_space<semaphore_mem>>
        %dma_start3A = arith.constant 0 : i32
        %dma_start3A_9 = tpu.memref_slice %arg9[%mul3A_0, %dma_start3A] : memref<10112x16xf32, #tpu.memory_space<hbm>> -> memref<632x16xf32, #tpu.memory_space<hbm>>
        %dma_start3A_10 = arith.constant 0 : i32
        %dma_start3A_11 = tpu.memref_slice %arg15[%mul3A_0, %dma_start3A_10] : memref<10112x16xf32, #tpu.memory_space<vmem_shared>> -> memref<632x16xf32, #tpu.memory_space<vmem_shared>>
        tpu.enqueue_dma source(%dma_start3A_11 : memref<632x16xf32, #tpu.memory_space<vmem_shared>>) target(%dma_start3A_9 : memref<632x16xf32, #tpu.memory_space<hbm>>) target_semaphore(%run_scoped3A : memref<!tpu.dma_semaphore, #tpu.memory_space<semaphore_mem>>)
        %dma_wait3A = arith.constant 0 : i32
        %dma_wait3A_12 = tpu.memref_slice %arg9[%mul3A_0, %dma_wait3A] : memref<10112x16xf32, #tpu.memory_space<hbm>> -> memref<632x16xf32, #tpu.memory_space<hbm>>
        %dma_wait3A_13 = arith.constant 0 : i32
        %dma_wait3A_14 = tpu.memref_slice %arg15[%mul3A_0, %dma_wait3A_13] : memref<10112x16xf32, #tpu.memory_space<vmem_shared>> -> memref<632x16xf32, #tpu.memory_space<vmem_shared>>
        tpu.wait_dma2 semaphore(%run_scoped3A : memref<!tpu.dma_semaphore, #tpu.memory_space<semaphore_mem>>) src(%dma_wait3A_14 : memref<632x16xf32, #tpu.memory_space<vmem_shared>>) dst(%dma_wait3A_12 : memref<632x16xf32, #tpu.memory_space<hbm>>)
        tpu.yield
      }) : () -> ()
    } else {
    }
    return
  }
}

#map = affine_map<(d0, d1) -> (0, 0, 0)>
#map1 = affine_map<(d0, d1) -> (0, 0, 0, 0)>
module attributes {stable_mosaic.version = 14 : i64} {
  func.func @body(%arg0: i32, %arg1: i32, %arg2: memref<2x10000x16xf32, #tpu.memory_space<hbm>>, %arg3: memref<2x16x250x40xi32, #tpu.memory_space<hbm>>, %arg4: memref<2x4000x40x16xf32, #tpu.memory_space<hbm>>, %arg5: memref<250x40xi32, #tpu.memory_space<vmem>>, %arg6: memref<40x16xf32, #tpu.memory_space<vmem>>, %arg7: memref<!tpu.dma_semaphore, #tpu.memory_space<semaphore_mem>>) attributes {dimension_semantics = [#tpu.dimension_semantics<core_parallel>, #tpu.dimension_semantics<subcore_parallel>], iteration_bounds = array<i64: 2, 16>, scalar_prefetch = 0 : i64, scratch_operands = 3 : i64, tpu.core_type = #tpu.core_type<sc_vector_subcore>, window_params = [{transform_indices = #map}, {transform_indices = #map1}, {transform_indices = #map1}]} {
    "tpu.region"() ({
      %run_scoped3A = tpu.sem_alloc : memref<!tpu.dma_semaphore, #tpu.memory_space<semaphore_mem>>
      %dma_start3A = arith.constant 0 : i32
      %dma_start3A_5 = arith.constant 0 : i32
      %dma_start3A_6 = tpu.memref_slice %arg3[%arg0, %arg1, %dma_start3A, %dma_start3A_5] : memref<2x16x250x40xi32, #tpu.memory_space<hbm>> -> memref<1x1x250x40xi32, #tpu.memory_space<hbm>>
      %dma_start3A_7 = tpu.memref_squeeze %dma_start3A_6 : memref<1x1x250x40xi32, #tpu.memory_space<hbm>> -> memref<250x40xi32, #tpu.memory_space<hbm>>
      %dma_start3A_8 = arith.constant 0 : i32
      %dma_start3A_9 = arith.constant 0 : i32
      %dma_start3A_10 = tpu.memref_slice %arg3[%arg0, %arg1, %dma_start3A_8, %dma_start3A_9] : memref<2x16x250x40xi32, #tpu.memory_space<hbm>> -> memref<1x1x250x40xi32, #tpu.memory_space<hbm>>
      %dma_start3A_11 = tpu.memref_squeeze %dma_start3A_10 : memref<1x1x250x40xi32, #tpu.memory_space<hbm>> -> memref<250x40xi32, #tpu.memory_space<hbm>>
      tpu.enqueue_dma source(%dma_start3A_11 : memref<250x40xi32, #tpu.memory_space<hbm>>) target(%arg5 : memref<250x40xi32, #tpu.memory_space<vmem>>) target_semaphore(%run_scoped3A : memref<!tpu.dma_semaphore, #tpu.memory_space<semaphore_mem>>)
      %dma_wait3A = arith.constant 0 : i32
      %dma_wait3A_12 = arith.constant 0 : i32
      %dma_wait3A_13 = tpu.memref_slice %arg3[%arg0, %arg1, %dma_wait3A, %dma_wait3A_12] : memref<2x16x250x40xi32, #tpu.memory_space<hbm>> -> memref<1x1x250x40xi32, #tpu.memory_space<hbm>>
      %dma_wait3A_14 = tpu.memref_squeeze %dma_wait3A_13 : memref<1x1x250x40xi32, #tpu.memory_space<hbm>> -> memref<250x40xi32, #tpu.memory_space<hbm>>
      %dma_wait3A_15 = arith.constant 0 : i32
      %dma_wait3A_16 = arith.constant 0 : i32
      %dma_wait3A_17 = tpu.memref_slice %arg3[%arg0, %arg1, %dma_wait3A_15, %dma_wait3A_16] : memref<2x16x250x40xi32, #tpu.memory_space<hbm>> -> memref<1x1x250x40xi32, #tpu.memory_space<hbm>>
      %dma_wait3A_18 = tpu.memref_squeeze %dma_wait3A_17 : memref<1x1x250x40xi32, #tpu.memory_space<hbm>> -> memref<250x40xi32, #tpu.memory_space<hbm>>
      tpu.wait_dma2 semaphore(%run_scoped3A : memref<!tpu.dma_semaphore, #tpu.memory_space<semaphore_mem>>) src(%dma_wait3A_18 : memref<250x40xi32, #tpu.memory_space<hbm>>) dst(%arg5 : memref<250x40xi32, #tpu.memory_space<vmem>>)
      tpu.yield
    }) : () -> ()
    %scan3A = arith.constant 0 : i32
    %scan3A_0 = arith.constant 0 : i32
    %scan3A_1 = arith.constant 250 : i32
    %scan3A_2 = arith.addi %scan3A_0, %scan3A_1 : i32
    %scan3A_3 = arith.constant 1 : i32
    scf.for %scan3A_5 = %scan3A_0 to %scan3A_2 step %scan3A_3  : i32 {
      %dma_start3A = arith.constant 0 : i32
      %dma_start3A_6 = tpu.memref_slice %arg5[%scan3A_5, %dma_start3A] : memref<250x40xi32, #tpu.memory_space<vmem>> -> memref<1x40xi32, #tpu.memory_space<vmem>>
      %dma_start3A_7 = tpu.memref_squeeze %dma_start3A_6 : memref<1x40xi32, #tpu.memory_space<vmem>> -> memref<40xi32, #tpu.memory_space<vmem>>
      %dma_start3A_8 = arith.constant 0 : i32
      %dma_start3A_9 = arith.constant 0 : i32
      %dma_start3A_10 = tpu.memref_slice %arg2[%arg0, %dma_start3A_8, %dma_start3A_9] : memref<2x10000x16xf32, #tpu.memory_space<hbm>> -> memref<1x10000x16xf32, #tpu.memory_space<hbm>>
      %dma_start3A_11 = tpu.memref_squeeze %dma_start3A_10 : memref<1x10000x16xf32, #tpu.memory_space<hbm>> -> memref<10000x16xf32, #tpu.memory_space<hbm>>
      %dma_start3A_12 = arith.constant 0 : i32
      %dma_start3A_13 = arith.constant 0 : i32
      %dma_start3A_14 = tpu.memref_slice %dma_start3A_11[%dma_start3A_12, %dma_start3A_13] : memref<10000x16xf32, #tpu.memory_space<hbm>> -> memref<10000x16xf32, #tpu.memory_space<hbm>>
      tpu.enqueue_indirect_dma source(%dma_start3A_14 : memref<10000x16xf32, #tpu.memory_space<hbm>>) target(%arg6 : memref<40x16xf32, #tpu.memory_space<vmem>>) offsets(%dma_start3A_7 : memref<40xi32, #tpu.memory_space<vmem>>) semaphore(%arg7 : memref<!tpu.dma_semaphore, #tpu.memory_space<semaphore_mem>>)
      %dma_wait3A = arith.constant 0 : i32
      %dma_wait3A_15 = tpu.memref_slice %arg5[%scan3A_5, %dma_wait3A] : memref<250x40xi32, #tpu.memory_space<vmem>> -> memref<1x40xi32, #tpu.memory_space<vmem>>
      %dma_wait3A_16 = tpu.memref_squeeze %dma_wait3A_15 : memref<1x40xi32, #tpu.memory_space<vmem>> -> memref<40xi32, #tpu.memory_space<vmem>>
      %dma_wait3A_17 = arith.constant 0 : i32
      %dma_wait3A_18 = arith.constant 0 : i32
      %dma_wait3A_19 = tpu.memref_slice %arg2[%arg0, %dma_wait3A_17, %dma_wait3A_18] : memref<2x10000x16xf32, #tpu.memory_space<hbm>> -> memref<1x10000x16xf32, #tpu.memory_space<hbm>>
      %dma_wait3A_20 = tpu.memref_squeeze %dma_wait3A_19 : memref<1x10000x16xf32, #tpu.memory_space<hbm>> -> memref<10000x16xf32, #tpu.memory_space<hbm>>
      %dma_wait3A_21 = arith.constant 0 : i32
      %dma_wait3A_22 = arith.constant 0 : i32
      %dma_wait3A_23 = tpu.memref_slice %dma_wait3A_20[%dma_wait3A_21, %dma_wait3A_22] : memref<10000x16xf32, #tpu.memory_space<hbm>> -> memref<10000x16xf32, #tpu.memory_space<hbm>>
      tpu.wait_indirect_dma semaphore(%arg7 : memref<!tpu.dma_semaphore, #tpu.memory_space<semaphore_mem>>) src(%dma_wait3A_23 : memref<10000x16xf32, #tpu.memory_space<hbm>>) dst(%arg6 : memref<40x16xf32, #tpu.memory_space<vmem>>)
      %mul3A = arith.constant 250 : i32
      %mul3A_24 = arith.muli %arg1, %mul3A : i32
      %add3A = arith.addi %mul3A_24, %scan3A_5 : i32
      "tpu.region"() ({
        %run_scoped3A = tpu.sem_alloc : memref<!tpu.dma_semaphore, #tpu.memory_space<semaphore_mem>>
        %dma_start3A_25 = arith.constant 0 : i32
        %dma_start3A_26 = arith.constant 0 : i32
        %dma_start3A_27 = tpu.memref_slice %arg4[%arg0, %add3A, %dma_start3A_25, %dma_start3A_26] : memref<2x4000x40x16xf32, #tpu.memory_space<hbm>> -> memref<1x1x40x16xf32, #tpu.memory_space<hbm>>
        %dma_start3A_28 = tpu.memref_squeeze %dma_start3A_27 : memref<1x1x40x16xf32, #tpu.memory_space<hbm>> -> memref<40x16xf32, #tpu.memory_space<hbm>>
        %dma_start3A_29 = arith.constant 0 : i32
        %dma_start3A_30 = arith.constant 0 : i32
        %dma_start3A_31 = tpu.memref_slice %arg4[%arg0, %add3A, %dma_start3A_29, %dma_start3A_30] : memref<2x4000x40x16xf32, #tpu.memory_space<hbm>> -> memref<1x1x40x16xf32, #tpu.memory_space<hbm>>
        %dma_start3A_32 = tpu.memref_squeeze %dma_start3A_31 : memref<1x1x40x16xf32, #tpu.memory_space<hbm>> -> memref<40x16xf32, #tpu.memory_space<hbm>>
        tpu.enqueue_dma source(%arg6 : memref<40x16xf32, #tpu.memory_space<vmem>>) target(%dma_start3A_32 : memref<40x16xf32, #tpu.memory_space<hbm>>) target_semaphore(%run_scoped3A : memref<!tpu.dma_semaphore, #tpu.memory_space<semaphore_mem>>)
        %dma_wait3A_33 = arith.constant 0 : i32
        %dma_wait3A_34 = arith.constant 0 : i32
        %dma_wait3A_35 = tpu.memref_slice %arg4[%arg0, %add3A, %dma_wait3A_33, %dma_wait3A_34] : memref<2x4000x40x16xf32, #tpu.memory_space<hbm>> -> memref<1x1x40x16xf32, #tpu.memory_space<hbm>>
        %dma_wait3A_36 = tpu.memref_squeeze %dma_wait3A_35 : memref<1x1x40x16xf32, #tpu.memory_space<hbm>> -> memref<40x16xf32, #tpu.memory_space<hbm>>
        %dma_wait3A_37 = arith.constant 0 : i32
        %dma_wait3A_38 = arith.constant 0 : i32
        %dma_wait3A_39 = tpu.memref_slice %arg4[%arg0, %add3A, %dma_wait3A_37, %dma_wait3A_38] : memref<2x4000x40x16xf32, #tpu.memory_space<hbm>> -> memref<1x1x40x16xf32, #tpu.memory_space<hbm>>
        %dma_wait3A_40 = tpu.memref_squeeze %dma_wait3A_39 : memref<1x1x40x16xf32, #tpu.memory_space<hbm>> -> memref<40x16xf32, #tpu.memory_space<hbm>>
        tpu.wait_dma2 semaphore(%run_scoped3A : memref<!tpu.dma_semaphore, #tpu.memory_space<semaphore_mem>>) src(%arg6 : memref<40x16xf32, #tpu.memory_space<vmem>>) dst(%dma_wait3A_40 : memref<40x16xf32, #tpu.memory_space<hbm>>)
        tpu.yield
      }) : () -> ()
    }
    %scan3A_4 = arith.constant 250 : i32
    return
  }
}

#map = affine_map<(d0, d1) -> (0, 0, 0)>
#map1 = affine_map<(d0, d1) -> (0, 0)>
module attributes {stable_mosaic.version = 14 : i64} {
  func.func @body(%arg0: i32, %arg1: i32, %arg2: memref<4000x40x16xf32, #tpu.memory_space<hbm>>, %arg3: memref<16x250x40xi32, #tpu.memory_space<hbm>>, %arg4: memref<10112x16xf32, #tpu.memory_space<hbm>>, %arg5: memref<10112x16xf32, #tpu.memory_space<hbm>>, %arg6: memref<250x40xi32, #tpu.memory_space<vmem>>, %arg7: memref<40x16xf32, #tpu.memory_space<vmem>>, %arg8: memref<10112x16xf32, #tpu.memory_space<vmem_shared>>, %arg9: memref<!tpu.dma_semaphore, #tpu.memory_space<semaphore_mem>>) attributes {dimension_semantics = [#tpu.dimension_semantics<core_parallel>, #tpu.dimension_semantics<subcore_parallel>], iteration_bounds = array<i64: 2, 16>, scalar_prefetch = 0 : i64, scratch_operands = 4 : i64, tpu.core_type = #tpu.core_type<sc_vector_subcore>, window_params = [{transform_indices = #map}, {transform_indices = #map}, {transform_indices = #map1}, {transform_indices = #map1}]} {
    %mul3A = arith.constant 632 : i32
    %mul3A_0 = arith.muli %arg1, %mul3A : i32
    "tpu.region"() ({
      %run_scoped3A = tpu.sem_alloc : memref<!tpu.dma_semaphore, #tpu.memory_space<semaphore_mem>>
      %dma_start3A = arith.constant 0 : i32
      %dma_start3A_9 = tpu.memref_slice %arg8[%mul3A_0, %dma_start3A] : memref<10112x16xf32, #tpu.memory_space<vmem_shared>> -> memref<632x16xf32, #tpu.memory_space<vmem_shared>>
      %dma_start3A_10 = arith.constant 0 : i32
      %dma_start3A_11 = tpu.memref_slice %arg4[%mul3A_0, %dma_start3A_10] : memref<10112x16xf32, #tpu.memory_space<hbm>> -> memref<632x16xf32, #tpu.memory_space<hbm>>
      tpu.enqueue_dma source(%dma_start3A_11 : memref<632x16xf32, #tpu.memory_space<hbm>>) target(%dma_start3A_9 : memref<632x16xf32, #tpu.memory_space<vmem_shared>>) target_semaphore(%run_scoped3A : memref<!tpu.dma_semaphore, #tpu.memory_space<semaphore_mem>>)
      %dma_wait3A = arith.constant 0 : i32
      %dma_wait3A_12 = tpu.memref_slice %arg8[%mul3A_0, %dma_wait3A] : memref<10112x16xf32, #tpu.memory_space<vmem_shared>> -> memref<632x16xf32, #tpu.memory_space<vmem_shared>>
      %dma_wait3A_13 = arith.constant 0 : i32
      %dma_wait3A_14 = tpu.memref_slice %arg4[%mul3A_0, %dma_wait3A_13] : memref<10112x16xf32, #tpu.memory_space<hbm>> -> memref<632x16xf32, #tpu.memory_space<hbm>>
      tpu.wait_dma2 semaphore(%run_scoped3A : memref<!tpu.dma_semaphore, #tpu.memory_space<semaphore_mem>>) src(%dma_wait3A_14 : memref<632x16xf32, #tpu.memory_space<hbm>>) dst(%dma_wait3A_12 : memref<632x16xf32, #tpu.memory_space<vmem_shared>>)
      tpu.yield
    }) : () -> ()
    "tpu.region"() ({
      %run_scoped3A = tpu.sem_alloc : memref<!tpu.dma_semaphore, #tpu.memory_space<semaphore_mem>>
      %dma_start3A = arith.constant 0 : i32
      %dma_start3A_9 = arith.constant 0 : i32
      %dma_start3A_10 = tpu.memref_slice %arg3[%arg1, %dma_start3A, %dma_start3A_9] : memref<16x250x40xi32, #tpu.memory_space<hbm>> -> memref<1x250x40xi32, #tpu.memory_space<hbm>>
      %dma_start3A_11 = tpu.memref_squeeze %dma_start3A_10 : memref<1x250x40xi32, #tpu.memory_space<hbm>> -> memref<250x40xi32, #tpu.memory_space<hbm>>
      %dma_start3A_12 = arith.constant 0 : i32
      %dma_start3A_13 = arith.constant 0 : i32
      %dma_start3A_14 = tpu.memref_slice %arg3[%arg1, %dma_start3A_12, %dma_start3A_13] : memref<16x250x40xi32, #tpu.memory_space<hbm>> -> memref<1x250x40xi32, #tpu.memory_space<hbm>>
      %dma_start3A_15 = tpu.memref_squeeze %dma_start3A_14 : memref<1x250x40xi32, #tpu.memory_space<hbm>> -> memref<250x40xi32, #tpu.memory_space<hbm>>
      tpu.enqueue_dma source(%dma_start3A_15 : memref<250x40xi32, #tpu.memory_space<hbm>>) target(%arg6 : memref<250x40xi32, #tpu.memory_space<vmem>>) target_semaphore(%run_scoped3A : memref<!tpu.dma_semaphore, #tpu.memory_space<semaphore_mem>>)
      %dma_wait3A = arith.constant 0 : i32
      %dma_wait3A_16 = arith.constant 0 : i32
      %dma_wait3A_17 = tpu.memref_slice %arg3[%arg1, %dma_wait3A, %dma_wait3A_16] : memref<16x250x40xi32, #tpu.memory_space<hbm>> -> memref<1x250x40xi32, #tpu.memory_space<hbm>>
      %dma_wait3A_18 = tpu.memref_squeeze %dma_wait3A_17 : memref<1x250x40xi32, #tpu.memory_space<hbm>> -> memref<250x40xi32, #tpu.memory_space<hbm>>
      %dma_wait3A_19 = arith.constant 0 : i32
      %dma_wait3A_20 = arith.constant 0 : i32
      %dma_wait3A_21 = tpu.memref_slice %arg3[%arg1, %dma_wait3A_19, %dma_wait3A_20] : memref<16x250x40xi32, #tpu.memory_space<hbm>> -> memref<1x250x40xi32, #tpu.memory_space<hbm>>
      %dma_wait3A_22 = tpu.memref_squeeze %dma_wait3A_21 : memref<1x250x40xi32, #tpu.memory_space<hbm>> -> memref<250x40xi32, #tpu.memory_space<hbm>>
      tpu.wait_dma2 semaphore(%run_scoped3A : memref<!tpu.dma_semaphore, #tpu.memory_space<semaphore_mem>>) src(%dma_wait3A_22 : memref<250x40xi32, #tpu.memory_space<hbm>>) dst(%arg6 : memref<250x40xi32, #tpu.memory_space<vmem>>)
      tpu.yield
    }) : () -> ()
    %barrier3A = arith.constant 0 : index
    tpu.barrier barrier_id(%barrier3A)
    %scan3A = arith.constant 0 : i32
    %scan3A_1 = arith.constant 0 : i32
    %scan3A_2 = arith.constant 250 : i32
    %scan3A_3 = arith.addi %scan3A_1, %scan3A_2 : i32
    %scan3A_4 = arith.constant 1 : i32
    scf.for %scan3A_9 = %scan3A_1 to %scan3A_3 step %scan3A_4  : i32 {
      %mul3A_10 = arith.constant 250 : i32
      %mul3A_11 = arith.muli %arg1, %mul3A_10 : i32
      %add3A = arith.addi %mul3A_11, %scan3A_9 : i32
      "tpu.region"() ({
        %run_scoped3A = tpu.sem_alloc : memref<!tpu.dma_semaphore, #tpu.memory_space<semaphore_mem>>
        %dma_start3A = arith.constant 0 : i32
        %dma_start3A_12 = arith.constant 0 : i32
        %dma_start3A_13 = tpu.memref_slice %arg2[%add3A, %dma_start3A, %dma_start3A_12] : memref<4000x40x16xf32, #tpu.memory_space<hbm>> -> memref<1x40x16xf32, #tpu.memory_space<hbm>>
        %dma_start3A_14 = tpu.memref_squeeze %dma_start3A_13 : memref<1x40x16xf32, #tpu.memory_space<hbm>> -> memref<40x16xf32, #tpu.memory_space<hbm>>
        %dma_start3A_15 = arith.constant 0 : i32
        %dma_start3A_16 = arith.constant 0 : i32
        %dma_start3A_17 = tpu.memref_slice %arg2[%add3A, %dma_start3A_15, %dma_start3A_16] : memref<4000x40x16xf32, #tpu.memory_space<hbm>> -> memref<1x40x16xf32, #tpu.memory_space<hbm>>
        %dma_start3A_18 = tpu.memref_squeeze %dma_start3A_17 : memref<1x40x16xf32, #tpu.memory_space<hbm>> -> memref<40x16xf32, #tpu.memory_space<hbm>>
        tpu.enqueue_dma source(%dma_start3A_18 : memref<40x16xf32, #tpu.memory_space<hbm>>) target(%arg7 : memref<40x16xf32, #tpu.memory_space<vmem>>) target_semaphore(%run_scoped3A : memref<!tpu.dma_semaphore, #tpu.memory_space<semaphore_mem>>)
        %dma_wait3A = arith.constant 0 : i32
        %dma_wait3A_19 = arith.constant 0 : i32
        %dma_wait3A_20 = tpu.memref_slice %arg2[%add3A, %dma_wait3A, %dma_wait3A_19] : memref<4000x40x16xf32, #tpu.memory_space<hbm>> -> memref<1x40x16xf32, #tpu.memory_space<hbm>>
        %dma_wait3A_21 = tpu.memref_squeeze %dma_wait3A_20 : memref<1x40x16xf32, #tpu.memory_space<hbm>> -> memref<40x16xf32, #tpu.memory_space<hbm>>
        %dma_wait3A_22 = arith.constant 0 : i32
        %dma_wait3A_23 = arith.constant 0 : i32
        %dma_wait3A_24 = tpu.memref_slice %arg2[%add3A, %dma_wait3A_22, %dma_wait3A_23] : memref<4000x40x16xf32, #tpu.memory_space<hbm>> -> memref<1x40x16xf32, #tpu.memory_space<hbm>>
        %dma_wait3A_25 = tpu.memref_squeeze %dma_wait3A_24 : memref<1x40x16xf32, #tpu.memory_space<hbm>> -> memref<40x16xf32, #tpu.memory_space<hbm>>
        tpu.wait_dma2 semaphore(%run_scoped3A : memref<!tpu.dma_semaphore, #tpu.memory_space<semaphore_mem>>) src(%dma_wait3A_25 : memref<40x16xf32, #tpu.memory_space<hbm>>) dst(%arg7 : memref<40x16xf32, #tpu.memory_space<vmem>>)
        tpu.yield
      }) : () -> ()
      "tpu.region"() ({
        %run_scoped3A = tpu.sem_alloc : memref<!tpu.dma_semaphore, #tpu.memory_space<semaphore_mem>>
        %dma_start3A = arith.constant 0 : i32
        %dma_start3A_12 = tpu.memref_slice %arg6[%scan3A_9, %dma_start3A] : memref<250x40xi32, #tpu.memory_space<vmem>> -> memref<1x40xi32, #tpu.memory_space<vmem>>
        %dma_start3A_13 = tpu.memref_squeeze %dma_start3A_12 : memref<1x40xi32, #tpu.memory_space<vmem>> -> memref<40xi32, #tpu.memory_space<vmem>>
        %dma_start3A_14 = arith.constant 0 : i32
        %dma_start3A_15 = arith.constant 0 : i32
        %dma_start3A_16 = tpu.memref_slice %arg8[%dma_start3A_14, %dma_start3A_15] : memref<10112x16xf32, #tpu.memory_space<vmem_shared>> -> memref<10112x16xf32, #tpu.memory_space<vmem_shared>>
        tpu.enqueue_indirect_dma source(%arg7 : memref<40x16xf32, #tpu.memory_space<vmem>>) target(%dma_start3A_16 : memref<10112x16xf32, #tpu.memory_space<vmem_shared>>) offsets(%dma_start3A_13 : memref<40xi32, #tpu.memory_space<vmem>>) semaphore(%run_scoped3A : memref<!tpu.dma_semaphore, #tpu.memory_space<semaphore_mem>>) {add = true}
        %dma_wait3A = arith.constant 0 : i32
        %dma_wait3A_17 = tpu.memref_slice %arg6[%scan3A_9, %dma_wait3A] : memref<250x40xi32, #tpu.memory_space<vmem>> -> memref<1x40xi32, #tpu.memory_space<vmem>>
        %dma_wait3A_18 = tpu.memref_squeeze %dma_wait3A_17 : memref<1x40xi32, #tpu.memory_space<vmem>> -> memref<40xi32, #tpu.memory_space<vmem>>
        %dma_wait3A_19 = arith.constant 0 : i32
        %dma_wait3A_20 = arith.constant 0 : i32
        %dma_wait3A_21 = tpu.memref_slice %arg8[%dma_wait3A_19, %dma_wait3A_20] : memref<10112x16xf32, #tpu.memory_space<vmem_shared>> -> memref<10112x16xf32, #tpu.memory_space<vmem_shared>>
        tpu.wait_indirect_dma semaphore(%run_scoped3A : memref<!tpu.dma_semaphore, #tpu.memory_space<semaphore_mem>>) src(%arg7 : memref<40x16xf32, #tpu.memory_space<vmem>>) dst(%dma_wait3A_21 : memref<10112x16xf32, #tpu.memory_space<vmem_shared>>)
        tpu.yield
      }) : () -> ()
    }
    %scan3A_5 = arith.constant 250 : i32
    %barrier3A_6 = arith.constant 0 : index
    tpu.barrier barrier_id(%barrier3A_6)
    %eq3A = arith.constant 0 : i32
    %eq3A_7 = arith.cmpi eq, %arg0, %eq3A : i32
    %convert_element_type3A = arith.extui %eq3A_7 : i1 to i32
    %cond3A = arith.constant 0 : i32
    %cond3A_8 = arith.cmpi ne, %convert_element_type3A, %cond3A : i32
    scf.if %cond3A_8 {
      "tpu.region"() ({
        %run_scoped3A = tpu.sem_alloc : memref<!tpu.dma_semaphore, #tpu.memory_space<semaphore_mem>>
        %dma_start3A = arith.constant 0 : i32
        %dma_start3A_9 = tpu.memref_slice %arg5[%mul3A_0, %dma_start3A] : memref<10112x16xf32, #tpu.memory_space<hbm>> -> memref<632x16xf32, #tpu.memory_space<hbm>>
        %dma_start3A_10 = arith.constant 0 : i32
        %dma_start3A_11 = tpu.memref_slice %arg8[%mul3A_0, %dma_start3A_10] : memref<10112x16xf32, #tpu.memory_space<vmem_shared>> -> memref<632x16xf32, #tpu.memory_space<vmem_shared>>
        tpu.enqueue_dma source(%dma_start3A_11 : memref<632x16xf32, #tpu.memory_space<vmem_shared>>) target(%dma_start3A_9 : memref<632x16xf32, #tpu.memory_space<hbm>>) target_semaphore(%run_scoped3A : memref<!tpu.dma_semaphore, #tpu.memory_space<semaphore_mem>>)
        %dma_wait3A = arith.constant 0 : i32
        %dma_wait3A_12 = tpu.memref_slice %arg5[%mul3A_0, %dma_wait3A] : memref<10112x16xf32, #tpu.memory_space<hbm>> -> memref<632x16xf32, #tpu.memory_space<hbm>>
        %dma_wait3A_13 = arith.constant 0 : i32
        %dma_wait3A_14 = tpu.memref_slice %arg8[%mul3A_0, %dma_wait3A_13] : memref<10112x16xf32, #tpu.memory_space<vmem_shared>> -> memref<632x16xf32, #tpu.memory_space<vmem_shared>>
        tpu.wait_dma2 semaphore(%run_scoped3A : memref<!tpu.dma_semaphore, #tpu.memory_space<semaphore_mem>>) src(%dma_wait3A_14 : memref<632x16xf32, #tpu.memory_space<vmem_shared>>) dst(%dma_wait3A_12 : memref<632x16xf32, #tpu.memory_space<hbm>>)
        tpu.yield
      }) : () -> ()
    } else {
    }
    return
  }
}

#map = affine_map<(d0, d1) -> (0, 0)>
#map1 = affine_map<(d0, d1) -> (0, 0, 0)>
module attributes {stable_mosaic.version = 14 : i64} {
  func.func @body(%arg0: i32, %arg1: i32, %arg2: memref<10112x16xf32, #tpu.memory_space<hbm>>, %arg3: memref<32x125x40xi32, #tpu.memory_space<hbm>>, %arg4: memref<4000x40x16xf32, #tpu.memory_space<hbm>>, %arg5: memref<125x40xi32, #tpu.memory_space<vmem>>, %arg6: memref<40x16xf32, #tpu.memory_space<vmem>>, %arg7: memref<!tpu.dma_semaphore, #tpu.memory_space<semaphore_mem>>) attributes {dimension_semantics = [#tpu.dimension_semantics<core_parallel>, #tpu.dimension_semantics<subcore_parallel>], iteration_bounds = array<i64: 2, 16>, scalar_prefetch = 0 : i64, scratch_operands = 3 : i64, tpu.core_type = #tpu.core_type<sc_vector_subcore>, window_params = [{transform_indices = #map}, {transform_indices = #map1}, {transform_indices = #map1}]} {
    %mul3A = arith.constant 2 : i32
    %mul3A_0 = arith.muli %arg1, %mul3A : i32
    %add3A = arith.addi %mul3A_0, %arg0 : i32
    "tpu.region"() ({
      %run_scoped3A = tpu.sem_alloc : memref<!tpu.dma_semaphore, #tpu.memory_space<semaphore_mem>>
      %dma_start3A = arith.constant 0 : i32
      %dma_start3A_6 = arith.constant 0 : i32
      %dma_start3A_7 = tpu.memref_slice %arg3[%add3A, %dma_start3A, %dma_start3A_6] : memref<32x125x40xi32, #tpu.memory_space<hbm>> -> memref<1x125x40xi32, #tpu.memory_space<hbm>>
      %dma_start3A_8 = tpu.memref_squeeze %dma_start3A_7 : memref<1x125x40xi32, #tpu.memory_space<hbm>> -> memref<125x40xi32, #tpu.memory_space<hbm>>
      %dma_start3A_9 = arith.constant 0 : i32
      %dma_start3A_10 = arith.constant 0 : i32
      %dma_start3A_11 = tpu.memref_slice %arg3[%add3A, %dma_start3A_9, %dma_start3A_10] : memref<32x125x40xi32, #tpu.memory_space<hbm>> -> memref<1x125x40xi32, #tpu.memory_space<hbm>>
      %dma_start3A_12 = tpu.memref_squeeze %dma_start3A_11 : memref<1x125x40xi32, #tpu.memory_space<hbm>> -> memref<125x40xi32, #tpu.memory_space<hbm>>
      tpu.enqueue_dma source(%dma_start3A_12 : memref<125x40xi32, #tpu.memory_space<hbm>>) target(%arg5 : memref<125x40xi32, #tpu.memory_space<vmem>>) target_semaphore(%run_scoped3A : memref<!tpu.dma_semaphore, #tpu.memory_space<semaphore_mem>>)
      %dma_wait3A = arith.constant 0 : i32
      %dma_wait3A_13 = arith.constant 0 : i32
      %dma_wait3A_14 = tpu.memref_slice %arg3[%add3A, %dma_wait3A, %dma_wait3A_13] : memref<32x125x40xi32, #tpu.memory_space<hbm>> -> memref<1x125x40xi32, #tpu.memory_space<hbm>>
      %dma_wait3A_15 = tpu.memref_squeeze %dma_wait3A_14 : memref<1x125x40xi32, #tpu.memory_space<hbm>> -> memref<125x40xi32, #tpu.memory_space<hbm>>
      %dma_wait3A_16 = arith.constant 0 : i32
      %dma_wait3A_17 = arith.constant 0 : i32
      %dma_wait3A_18 = tpu.memref_slice %arg3[%add3A, %dma_wait3A_16, %dma_wait3A_17] : memref<32x125x40xi32, #tpu.memory_space<hbm>> -> memref<1x125x40xi32, #tpu.memory_space<hbm>>
      %dma_wait3A_19 = tpu.memref_squeeze %dma_wait3A_18 : memref<1x125x40xi32, #tpu.memory_space<hbm>> -> memref<125x40xi32, #tpu.memory_space<hbm>>
      tpu.wait_dma2 semaphore(%run_scoped3A : memref<!tpu.dma_semaphore, #tpu.memory_space<semaphore_mem>>) src(%dma_wait3A_19 : memref<125x40xi32, #tpu.memory_space<hbm>>) dst(%arg5 : memref<125x40xi32, #tpu.memory_space<vmem>>)
      tpu.yield
    }) : () -> ()
    %scan3A = arith.constant 0 : i32
    %scan3A_1 = arith.constant 0 : i32
    %scan3A_2 = arith.constant 125 : i32
    %scan3A_3 = arith.addi %scan3A_1, %scan3A_2 : i32
    %scan3A_4 = arith.constant 1 : i32
    scf.for %scan3A_6 = %scan3A_1 to %scan3A_3 step %scan3A_4  : i32 {
      %dma_start3A = arith.constant 0 : i32
      %dma_start3A_7 = tpu.memref_slice %arg5[%scan3A_6, %dma_start3A] : memref<125x40xi32, #tpu.memory_space<vmem>> -> memref<1x40xi32, #tpu.memory_space<vmem>>
      %dma_start3A_8 = tpu.memref_squeeze %dma_start3A_7 : memref<1x40xi32, #tpu.memory_space<vmem>> -> memref<40xi32, #tpu.memory_space<vmem>>
      %dma_start3A_9 = arith.constant 0 : i32
      %dma_start3A_10 = arith.constant 0 : i32
      %dma_start3A_11 = tpu.memref_slice %arg2[%dma_start3A_9, %dma_start3A_10] : memref<10112x16xf32, #tpu.memory_space<hbm>> -> memref<10112x16xf32, #tpu.memory_space<hbm>>
      tpu.enqueue_indirect_dma source(%dma_start3A_11 : memref<10112x16xf32, #tpu.memory_space<hbm>>) target(%arg6 : memref<40x16xf32, #tpu.memory_space<vmem>>) offsets(%dma_start3A_8 : memref<40xi32, #tpu.memory_space<vmem>>) semaphore(%arg7 : memref<!tpu.dma_semaphore, #tpu.memory_space<semaphore_mem>>)
      %dma_wait3A = arith.constant 0 : i32
      %dma_wait3A_12 = tpu.memref_slice %arg5[%scan3A_6, %dma_wait3A] : memref<125x40xi32, #tpu.memory_space<vmem>> -> memref<1x40xi32, #tpu.memory_space<vmem>>
      %dma_wait3A_13 = tpu.memref_squeeze %dma_wait3A_12 : memref<1x40xi32, #tpu.memory_space<vmem>> -> memref<40xi32, #tpu.memory_space<vmem>>
      %dma_wait3A_14 = arith.constant 0 : i32
      %dma_wait3A_15 = arith.constant 0 : i32
      %dma_wait3A_16 = tpu.memref_slice %arg2[%dma_wait3A_14, %dma_wait3A_15] : memref<10112x16xf32, #tpu.memory_space<hbm>> -> memref<10112x16xf32, #tpu.memory_space<hbm>>
      tpu.wait_indirect_dma semaphore(%arg7 : memref<!tpu.dma_semaphore, #tpu.memory_space<semaphore_mem>>) src(%dma_wait3A_16 : memref<10112x16xf32, #tpu.memory_space<hbm>>) dst(%arg6 : memref<40x16xf32, #tpu.memory_space<vmem>>)
      %mul3A_17 = arith.constant 2 : i32
      %mul3A_18 = arith.muli %arg1, %mul3A_17 : i32
      %add3A_19 = arith.addi %mul3A_18, %arg0 : i32
      %mul3A_20 = arith.constant 125 : i32
      %mul3A_21 = arith.muli %add3A_19, %mul3A_20 : i32
      %add3A_22 = arith.addi %mul3A_21, %scan3A_6 : i32
      "tpu.region"() ({
        %run_scoped3A = tpu.sem_alloc : memref<!tpu.dma_semaphore, #tpu.memory_space<semaphore_mem>>
        %dma_start3A_23 = arith.constant 0 : i32
        %dma_start3A_24 = arith.constant 0 : i32
        %dma_start3A_25 = tpu.memref_slice %arg4[%add3A_22, %dma_start3A_23, %dma_start3A_24] : memref<4000x40x16xf32, #tpu.memory_space<hbm>> -> memref<1x40x16xf32, #tpu.memory_space<hbm>>
        %dma_start3A_26 = tpu.memref_squeeze %dma_start3A_25 : memref<1x40x16xf32, #tpu.memory_space<hbm>> -> memref<40x16xf32, #tpu.memory_space<hbm>>
        %dma_start3A_27 = arith.constant 0 : i32
        %dma_start3A_28 = arith.constant 0 : i32
        %dma_start3A_29 = tpu.memref_slice %arg4[%add3A_22, %dma_start3A_27, %dma_start3A_28] : memref<4000x40x16xf32, #tpu.memory_space<hbm>> -> memref<1x40x16xf32, #tpu.memory_space<hbm>>
        %dma_start3A_30 = tpu.memref_squeeze %dma_start3A_29 : memref<1x40x16xf32, #tpu.memory_space<hbm>> -> memref<40x16xf32, #tpu.memory_space<hbm>>
        tpu.enqueue_dma source(%arg6 : memref<40x16xf32, #tpu.memory_space<vmem>>) target(%dma_start3A_30 : memref<40x16xf32, #tpu.memory_space<hbm>>) target_semaphore(%run_scoped3A : memref<!tpu.dma_semaphore, #tpu.memory_space<semaphore_mem>>)
        %dma_wait3A_31 = arith.constant 0 : i32
        %dma_wait3A_32 = arith.constant 0 : i32
        %dma_wait3A_33 = tpu.memref_slice %arg4[%add3A_22, %dma_wait3A_31, %dma_wait3A_32] : memref<4000x40x16xf32, #tpu.memory_space<hbm>> -> memref<1x40x16xf32, #tpu.memory_space<hbm>>
        %dma_wait3A_34 = tpu.memref_squeeze %dma_wait3A_33 : memref<1x40x16xf32, #tpu.memory_space<hbm>> -> memref<40x16xf32, #tpu.memory_space<hbm>>
        %dma_wait3A_35 = arith.constant 0 : i32
        %dma_wait3A_36 = arith.constant 0 : i32
        %dma_wait3A_37 = tpu.memref_slice %arg4[%add3A_22, %dma_wait3A_35, %dma_wait3A_36] : memref<4000x40x16xf32, #tpu.memory_space<hbm>> -> memref<1x40x16xf32, #tpu.memory_space<hbm>>
        %dma_wait3A_38 = tpu.memref_squeeze %dma_wait3A_37 : memref<1x40x16xf32, #tpu.memory_space<hbm>> -> memref<40x16xf32, #tpu.memory_space<hbm>>
        tpu.wait_dma2 semaphore(%run_scoped3A : memref<!tpu.dma_semaphore, #tpu.memory_space<semaphore_mem>>) src(%arg6 : memref<40x16xf32, #tpu.memory_space<vmem>>) dst(%dma_wait3A_38 : memref<40x16xf32, #tpu.memory_space<hbm>>)
        tpu.yield
      }) : () -> ()
    }
    %scan3A_5 = arith.constant 125 : i32
    return
  }
}

#map = affine_map<(d0, d1) -> (0, 0, 0, 0)>
#map1 = affine_map<(d0, d1) -> (0, 0, 0)>
#map2 = affine_map<(d0, d1) -> (0, 0)>
module attributes {stable_mosaic.version = 14 : i64} {
  func.func @body(%arg0: i32, %arg1: i32, %arg2: memref<2x4000x40x128xf32, #tpu.memory_space<hbm>>, %arg3: memref<16x250x40xi32, #tpu.memory_space<hbm>>, %arg4: memref<10112x128xf32, #tpu.memory_space<hbm>>, %arg5: memref<2x10112x128xf32, #tpu.memory_space<hbm>>, %arg6: memref<250x40xi32, #tpu.memory_space<vmem>>, %arg7: memref<40x128xf32, #tpu.memory_space<vmem>>, %arg8: memref<10112x128xf32, #tpu.memory_space<vmem_shared>>, %arg9: memref<!tpu.dma_semaphore, #tpu.memory_space<semaphore_mem>>) attributes {dimension_semantics = [#tpu.dimension_semantics<core_parallel>, #tpu.dimension_semantics<subcore_parallel>], iteration_bounds = array<i64: 2, 16>, scalar_prefetch = 0 : i64, scratch_operands = 4 : i64, tpu.core_type = #tpu.core_type<sc_vector_subcore>, window_params = [{transform_indices = #map}, {transform_indices = #map1}, {transform_indices = #map2}, {transform_indices = #map1}]} {
    %mul3A = arith.constant 632 : i32
    %mul3A_0 = arith.muli %arg1, %mul3A : i32
    "tpu.region"() ({
      %run_scoped3A = tpu.sem_alloc : memref<!tpu.dma_semaphore, #tpu.memory_space<semaphore_mem>>
      %dma_start3A = arith.constant 0 : i32
      %dma_start3A_7 = tpu.memref_slice %arg8[%mul3A_0, %dma_start3A] : memref<10112x128xf32, #tpu.memory_space<vmem_shared>> -> memref<632x128xf32, #tpu.memory_space<vmem_shared>>
      %dma_start3A_8 = arith.constant 0 : i32
      %dma_start3A_9 = tpu.memref_slice %arg4[%mul3A_0, %dma_start3A_8] : memref<10112x128xf32, #tpu.memory_space<hbm>> -> memref<632x128xf32, #tpu.memory_space<hbm>>
      tpu.enqueue_dma source(%dma_start3A_9 : memref<632x128xf32, #tpu.memory_space<hbm>>) target(%dma_start3A_7 : memref<632x128xf32, #tpu.memory_space<vmem_shared>>) target_semaphore(%run_scoped3A : memref<!tpu.dma_semaphore, #tpu.memory_space<semaphore_mem>>)
      %dma_wait3A = arith.constant 0 : i32
      %dma_wait3A_10 = tpu.memref_slice %arg8[%mul3A_0, %dma_wait3A] : memref<10112x128xf32, #tpu.memory_space<vmem_shared>> -> memref<632x128xf32, #tpu.memory_space<vmem_shared>>
      %dma_wait3A_11 = arith.constant 0 : i32
      %dma_wait3A_12 = tpu.memref_slice %arg4[%mul3A_0, %dma_wait3A_11] : memref<10112x128xf32, #tpu.memory_space<hbm>> -> memref<632x128xf32, #tpu.memory_space<hbm>>
      tpu.wait_dma2 semaphore(%run_scoped3A : memref<!tpu.dma_semaphore, #tpu.memory_space<semaphore_mem>>) src(%dma_wait3A_12 : memref<632x128xf32, #tpu.memory_space<hbm>>) dst(%dma_wait3A_10 : memref<632x128xf32, #tpu.memory_space<vmem_shared>>)
      tpu.yield
    }) : () -> ()
    "tpu.region"() ({
      %run_scoped3A = tpu.sem_alloc : memref<!tpu.dma_semaphore, #tpu.memory_space<semaphore_mem>>
      %dma_start3A = arith.constant 0 : i32
      %dma_start3A_7 = arith.constant 0 : i32
      %dma_start3A_8 = tpu.memref_slice %arg3[%arg1, %dma_start3A, %dma_start3A_7] : memref<16x250x40xi32, #tpu.memory_space<hbm>> -> memref<1x250x40xi32, #tpu.memory_space<hbm>>
      %dma_start3A_9 = tpu.memref_squeeze %dma_start3A_8 : memref<1x250x40xi32, #tpu.memory_space<hbm>> -> memref<250x40xi32, #tpu.memory_space<hbm>>
      %dma_start3A_10 = arith.constant 0 : i32
      %dma_start3A_11 = arith.constant 0 : i32
      %dma_start3A_12 = tpu.memref_slice %arg3[%arg1, %dma_start3A_10, %dma_start3A_11] : memref<16x250x40xi32, #tpu.memory_space<hbm>> -> memref<1x250x40xi32, #tpu.memory_space<hbm>>
      %dma_start3A_13 = tpu.memref_squeeze %dma_start3A_12 : memref<1x250x40xi32, #tpu.memory_space<hbm>> -> memref<250x40xi32, #tpu.memory_space<hbm>>
      tpu.enqueue_dma source(%dma_start3A_13 : memref<250x40xi32, #tpu.memory_space<hbm>>) target(%arg6 : memref<250x40xi32, #tpu.memory_space<vmem>>) target_semaphore(%run_scoped3A : memref<!tpu.dma_semaphore, #tpu.memory_space<semaphore_mem>>)
      %dma_wait3A = arith.constant 0 : i32
      %dma_wait3A_14 = arith.constant 0 : i32
      %dma_wait3A_15 = tpu.memref_slice %arg3[%arg1, %dma_wait3A, %dma_wait3A_14] : memref<16x250x40xi32, #tpu.memory_space<hbm>> -> memref<1x250x40xi32, #tpu.memory_space<hbm>>
      %dma_wait3A_16 = tpu.memref_squeeze %dma_wait3A_15 : memref<1x250x40xi32, #tpu.memory_space<hbm>> -> memref<250x40xi32, #tpu.memory_space<hbm>>
      %dma_wait3A_17 = arith.constant 0 : i32
      %dma_wait3A_18 = arith.constant 0 : i32
      %dma_wait3A_19 = tpu.memref_slice %arg3[%arg1, %dma_wait3A_17, %dma_wait3A_18] : memref<16x250x40xi32, #tpu.memory_space<hbm>> -> memref<1x250x40xi32, #tpu.memory_space<hbm>>
      %dma_wait3A_20 = tpu.memref_squeeze %dma_wait3A_19 : memref<1x250x40xi32, #tpu.memory_space<hbm>> -> memref<250x40xi32, #tpu.memory_space<hbm>>
      tpu.wait_dma2 semaphore(%run_scoped3A : memref<!tpu.dma_semaphore, #tpu.memory_space<semaphore_mem>>) src(%dma_wait3A_20 : memref<250x40xi32, #tpu.memory_space<hbm>>) dst(%arg6 : memref<250x40xi32, #tpu.memory_space<vmem>>)
      tpu.yield
    }) : () -> ()
    %barrier3A = arith.constant 0 : index
    tpu.barrier barrier_id(%barrier3A)
    %scan3A = arith.constant 0 : i32
    %scan3A_1 = arith.constant 0 : i32
    %scan3A_2 = arith.constant 250 : i32
    %scan3A_3 = arith.addi %scan3A_1, %scan3A_2 : i32
    %scan3A_4 = arith.constant 1 : i32
    scf.for %scan3A_7 = %scan3A_1 to %scan3A_3 step %scan3A_4  : i32 {
      %mul3A_8 = arith.constant 250 : i32
      %mul3A_9 = arith.muli %arg1, %mul3A_8 : i32
      %add3A = arith.addi %mul3A_9, %scan3A_7 : i32
      "tpu.region"() ({
        %run_scoped3A = tpu.sem_alloc : memref<!tpu.dma_semaphore, #tpu.memory_space<semaphore_mem>>
        %dma_start3A = arith.constant 0 : i32
        %dma_start3A_10 = arith.constant 0 : i32
        %dma_start3A_11 = tpu.memref_slice %arg2[%arg0, %add3A, %dma_start3A, %dma_start3A_10] : memref<2x4000x40x128xf32, #tpu.memory_space<hbm>> -> memref<1x1x40x128xf32, #tpu.memory_space<hbm>>
        %dma_start3A_12 = tpu.memref_squeeze %dma_start3A_11 : memref<1x1x40x128xf32, #tpu.memory_space<hbm>> -> memref<40x128xf32, #tpu.memory_space<hbm>>
        %dma_start3A_13 = arith.constant 0 : i32
        %dma_start3A_14 = arith.constant 0 : i32
        %dma_start3A_15 = tpu.memref_slice %arg2[%arg0, %add3A, %dma_start3A_13, %dma_start3A_14] : memref<2x4000x40x128xf32, #tpu.memory_space<hbm>> -> memref<1x1x40x128xf32, #tpu.memory_space<hbm>>
        %dma_start3A_16 = tpu.memref_squeeze %dma_start3A_15 : memref<1x1x40x128xf32, #tpu.memory_space<hbm>> -> memref<40x128xf32, #tpu.memory_space<hbm>>
        tpu.enqueue_dma source(%dma_start3A_16 : memref<40x128xf32, #tpu.memory_space<hbm>>) target(%arg7 : memref<40x128xf32, #tpu.memory_space<vmem>>) target_semaphore(%run_scoped3A : memref<!tpu.dma_semaphore, #tpu.memory_space<semaphore_mem>>)
        %dma_wait3A = arith.constant 0 : i32
        %dma_wait3A_17 = arith.constant 0 : i32
        %dma_wait3A_18 = tpu.memref_slice %arg2[%arg0, %add3A, %dma_wait3A, %dma_wait3A_17] : memref<2x4000x40x128xf32, #tpu.memory_space<hbm>> -> memref<1x1x40x128xf32, #tpu.memory_space<hbm>>
        %dma_wait3A_19 = tpu.memref_squeeze %dma_wait3A_18 : memref<1x1x40x128xf32, #tpu.memory_space<hbm>> -> memref<40x128xf32, #tpu.memory_space<hbm>>
        %dma_wait3A_20 = arith.constant 0 : i32
        %dma_wait3A_21 = arith.constant 0 : i32
        %dma_wait3A_22 = tpu.memref_slice %arg2[%arg0, %add3A, %dma_wait3A_20, %dma_wait3A_21] : memref<2x4000x40x128xf32, #tpu.memory_space<hbm>> -> memref<1x1x40x128xf32, #tpu.memory_space<hbm>>
        %dma_wait3A_23 = tpu.memref_squeeze %dma_wait3A_22 : memref<1x1x40x128xf32, #tpu.memory_space<hbm>> -> memref<40x128xf32, #tpu.memory_space<hbm>>
        tpu.wait_dma2 semaphore(%run_scoped3A : memref<!tpu.dma_semaphore, #tpu.memory_space<semaphore_mem>>) src(%dma_wait3A_23 : memref<40x128xf32, #tpu.memory_space<hbm>>) dst(%arg7 : memref<40x128xf32, #tpu.memory_space<vmem>>)
        tpu.yield
      }) : () -> ()
      "tpu.region"() ({
        %run_scoped3A = tpu.sem_alloc : memref<!tpu.dma_semaphore, #tpu.memory_space<semaphore_mem>>
        %dma_start3A = arith.constant 0 : i32
        %dma_start3A_10 = tpu.memref_slice %arg6[%scan3A_7, %dma_start3A] : memref<250x40xi32, #tpu.memory_space<vmem>> -> memref<1x40xi32, #tpu.memory_space<vmem>>
        %dma_start3A_11 = tpu.memref_squeeze %dma_start3A_10 : memref<1x40xi32, #tpu.memory_space<vmem>> -> memref<40xi32, #tpu.memory_space<vmem>>
        %dma_start3A_12 = arith.constant 0 : i32
        %dma_start3A_13 = arith.constant 0 : i32
        %dma_start3A_14 = tpu.memref_slice %arg8[%dma_start3A_12, %dma_start3A_13] : memref<10112x128xf32, #tpu.memory_space<vmem_shared>> -> memref<10112x128xf32, #tpu.memory_space<vmem_shared>>
        tpu.enqueue_indirect_dma source(%arg7 : memref<40x128xf32, #tpu.memory_space<vmem>>) target(%dma_start3A_14 : memref<10112x128xf32, #tpu.memory_space<vmem_shared>>) offsets(%dma_start3A_11 : memref<40xi32, #tpu.memory_space<vmem>>) semaphore(%run_scoped3A : memref<!tpu.dma_semaphore, #tpu.memory_space<semaphore_mem>>) {add = true}
        %dma_wait3A = arith.constant 0 : i32
        %dma_wait3A_15 = tpu.memref_slice %arg6[%scan3A_7, %dma_wait3A] : memref<250x40xi32, #tpu.memory_space<vmem>> -> memref<1x40xi32, #tpu.memory_space<vmem>>
        %dma_wait3A_16 = tpu.memref_squeeze %dma_wait3A_15 : memref<1x40xi32, #tpu.memory_space<vmem>> -> memref<40xi32, #tpu.memory_space<vmem>>
        %dma_wait3A_17 = arith.constant 0 : i32
        %dma_wait3A_18 = arith.constant 0 : i32
        %dma_wait3A_19 = tpu.memref_slice %arg8[%dma_wait3A_17, %dma_wait3A_18] : memref<10112x128xf32, #tpu.memory_space<vmem_shared>> -> memref<10112x128xf32, #tpu.memory_space<vmem_shared>>
        tpu.wait_indirect_dma semaphore(%run_scoped3A : memref<!tpu.dma_semaphore, #tpu.memory_space<semaphore_mem>>) src(%arg7 : memref<40x128xf32, #tpu.memory_space<vmem>>) dst(%dma_wait3A_19 : memref<10112x128xf32, #tpu.memory_space<vmem_shared>>)
        tpu.yield
      }) : () -> ()
    }
    %scan3A_5 = arith.constant 250 : i32
    %barrier3A_6 = arith.constant 0 : index
    tpu.barrier barrier_id(%barrier3A_6)
    "tpu.region"() ({
      %run_scoped3A = tpu.sem_alloc : memref<!tpu.dma_semaphore, #tpu.memory_space<semaphore_mem>>
      %dma_start3A = arith.constant 0 : i32
      %dma_start3A_7 = tpu.memref_slice %arg5[%arg0, %mul3A_0, %dma_start3A] : memref<2x10112x128xf32, #tpu.memory_space<hbm>> -> memref<1x632x128xf32, #tpu.memory_space<hbm>>
      %dma_start3A_8 = tpu.memref_squeeze %dma_start3A_7 : memref<1x632x128xf32, #tpu.memory_space<hbm>> -> memref<632x128xf32, #tpu.memory_space<hbm>>
      %dma_start3A_9 = arith.constant 0 : i32
      %dma_start3A_10 = tpu.memref_slice %arg8[%mul3A_0, %dma_start3A_9] : memref<10112x128xf32, #tpu.memory_space<vmem_shared>> -> memref<632x128xf32, #tpu.memory_space<vmem_shared>>
      tpu.enqueue_dma source(%dma_start3A_10 : memref<632x128xf32, #tpu.memory_space<vmem_shared>>) target(%dma_start3A_8 : memref<632x128xf32, #tpu.memory_space<hbm>>) target_semaphore(%run_scoped3A : memref<!tpu.dma_semaphore, #tpu.memory_space<semaphore_mem>>)
      %dma_wait3A = arith.constant 0 : i32
      %dma_wait3A_11 = tpu.memref_slice %arg5[%arg0, %mul3A_0, %dma_wait3A] : memref<2x10112x128xf32, #tpu.memory_space<hbm>> -> memref<1x632x128xf32, #tpu.memory_space<hbm>>
      %dma_wait3A_12 = tpu.memref_squeeze %dma_wait3A_11 : memref<1x632x128xf32, #tpu.memory_space<hbm>> -> memref<632x128xf32, #tpu.memory_space<hbm>>
      %dma_wait3A_13 = arith.constant 0 : i32
      %dma_wait3A_14 = tpu.memref_slice %arg8[%mul3A_0, %dma_wait3A_13] : memref<10112x128xf32, #tpu.memory_space<vmem_shared>> -> memref<632x128xf32, #tpu.memory_space<vmem_shared>>
      tpu.wait_dma2 semaphore(%run_scoped3A : memref<!tpu.dma_semaphore, #tpu.memory_space<semaphore_mem>>) src(%dma_wait3A_14 : memref<632x128xf32, #tpu.memory_space<vmem_shared>>) dst(%dma_wait3A_12 : memref<632x128xf32, #tpu.memory_space<hbm>>)
      tpu.yield
    }) : () -> ()
    return
  }
}

#map = affine_map<(d0, d1) -> (0, 0, 0)>
#map1 = affine_map<(d0, d1) -> (0, 0)>
module attributes {stable_mosaic.version = 14 : i64} {
  func.func @body(%arg0: i32, %arg1: i32, %arg2: memref<2x10000x128xf32, #tpu.memory_space<hbm>>, %arg3: memref<16x250x40xi32, #tpu.memory_space<hbm>>, %arg4: memref<16x250x40xi32, #tpu.memory_space<hbm>>, %arg5: memref<10112x128xf32, #tpu.memory_space<hbm>>, %arg6: memref<10112x16xf32, #tpu.memory_space<hbm>>, %arg7: memref<40x16xf32, #tpu.memory_space<hbm>>, %arg8: memref<2x10112x128xf32, #tpu.memory_space<hbm>>, %arg9: memref<250x40xi32, #tpu.memory_space<vmem>>, %arg10: memref<250x40xi32, #tpu.memory_space<vmem>>, %arg11: memref<40x128xf32, #tpu.memory_space<vmem>>, %arg12: memref<40x16xf32, #tpu.memory_space<vmem>>, %arg13: memref<10112x128xf32, #tpu.memory_space<vmem_shared>>, %arg14: memref<10112x16xf32, #tpu.memory_space<vmem_shared>>, %arg15: memref<!tpu.dma_semaphore, #tpu.memory_space<semaphore_mem>>) attributes {dimension_semantics = [#tpu.dimension_semantics<core_parallel>, #tpu.dimension_semantics<subcore_parallel>], iteration_bounds = array<i64: 2, 16>, scalar_prefetch = 0 : i64, scratch_operands = 7 : i64, tpu.core_type = #tpu.core_type<sc_vector_subcore>, window_params = [{transform_indices = #map}, {transform_indices = #map}, {transform_indices = #map}, {transform_indices = #map1}, {transform_indices = #map1}, {transform_indices = #map1}, {transform_indices = #map}]} {
    %mul3A = arith.constant 632 : i32
    %mul3A_0 = arith.muli %arg1, %mul3A : i32
    "tpu.region"() ({
      %run_scoped3A = tpu.sem_alloc : memref<!tpu.dma_semaphore, #tpu.memory_space<semaphore_mem>>
      %dma_start3A = arith.constant 0 : i32
      %dma_start3A_7 = tpu.memref_slice %arg13[%mul3A_0, %dma_start3A] : memref<10112x128xf32, #tpu.memory_space<vmem_shared>> -> memref<632x128xf32, #tpu.memory_space<vmem_shared>>
      %dma_start3A_8 = arith.constant 0 : i32
      %dma_start3A_9 = tpu.memref_slice %arg5[%mul3A_0, %dma_start3A_8] : memref<10112x128xf32, #tpu.memory_space<hbm>> -> memref<632x128xf32, #tpu.memory_space<hbm>>
      tpu.enqueue_dma source(%dma_start3A_9 : memref<632x128xf32, #tpu.memory_space<hbm>>) target(%dma_start3A_7 : memref<632x128xf32, #tpu.memory_space<vmem_shared>>) target_semaphore(%run_scoped3A : memref<!tpu.dma_semaphore, #tpu.memory_space<semaphore_mem>>)
      %dma_wait3A = arith.constant 0 : i32
      %dma_wait3A_10 = tpu.memref_slice %arg13[%mul3A_0, %dma_wait3A] : memref<10112x128xf32, #tpu.memory_space<vmem_shared>> -> memref<632x128xf32, #tpu.memory_space<vmem_shared>>
      %dma_wait3A_11 = arith.constant 0 : i32
      %dma_wait3A_12 = tpu.memref_slice %arg5[%mul3A_0, %dma_wait3A_11] : memref<10112x128xf32, #tpu.memory_space<hbm>> -> memref<632x128xf32, #tpu.memory_space<hbm>>
      tpu.wait_dma2 semaphore(%run_scoped3A : memref<!tpu.dma_semaphore, #tpu.memory_space<semaphore_mem>>) src(%dma_wait3A_12 : memref<632x128xf32, #tpu.memory_space<hbm>>) dst(%dma_wait3A_10 : memref<632x128xf32, #tpu.memory_space<vmem_shared>>)
      tpu.yield
    }) : () -> ()
    "tpu.region"() ({
      %run_scoped3A = tpu.sem_alloc : memref<!tpu.dma_semaphore, #tpu.memory_space<semaphore_mem>>
      %dma_start3A = arith.constant 0 : i32
      %dma_start3A_7 = tpu.memref_slice %arg14[%mul3A_0, %dma_start3A] : memref<10112x16xf32, #tpu.memory_space<vmem_shared>> -> memref<632x16xf32, #tpu.memory_space<vmem_shared>>
      %dma_start3A_8 = arith.constant 0 : i32
      %dma_start3A_9 = tpu.memref_slice %arg6[%mul3A_0, %dma_start3A_8] : memref<10112x16xf32, #tpu.memory_space<hbm>> -> memref<632x16xf32, #tpu.memory_space<hbm>>
      tpu.enqueue_dma source(%dma_start3A_9 : memref<632x16xf32, #tpu.memory_space<hbm>>) target(%dma_start3A_7 : memref<632x16xf32, #tpu.memory_space<vmem_shared>>) target_semaphore(%run_scoped3A : memref<!tpu.dma_semaphore, #tpu.memory_space<semaphore_mem>>)
      %dma_wait3A = arith.constant 0 : i32
      %dma_wait3A_10 = tpu.memref_slice %arg14[%mul3A_0, %dma_wait3A] : memref<10112x16xf32, #tpu.memory_space<vmem_shared>> -> memref<632x16xf32, #tpu.memory_space<vmem_shared>>
      %dma_wait3A_11 = arith.constant 0 : i32
      %dma_wait3A_12 = tpu.memref_slice %arg6[%mul3A_0, %dma_wait3A_11] : memref<10112x16xf32, #tpu.memory_space<hbm>> -> memref<632x16xf32, #tpu.memory_space<hbm>>
      tpu.wait_dma2 semaphore(%run_scoped3A : memref<!tpu.dma_semaphore, #tpu.memory_space<semaphore_mem>>) src(%dma_wait3A_12 : memref<632x16xf32, #tpu.memory_space<hbm>>) dst(%dma_wait3A_10 : memref<632x16xf32, #tpu.memory_space<vmem_shared>>)
      tpu.yield
    }) : () -> ()
    "tpu.region"() ({
      %run_scoped3A = tpu.sem_alloc : memref<!tpu.dma_semaphore, #tpu.memory_space<semaphore_mem>>
      %dma_start3A = arith.constant 0 : i32
      %dma_start3A_7 = arith.constant 0 : i32
      %dma_start3A_8 = tpu.memref_slice %arg3[%arg1, %dma_start3A, %dma_start3A_7] : memref<16x250x40xi32, #tpu.memory_space<hbm>> -> memref<1x250x40xi32, #tpu.memory_space<hbm>>
      %dma_start3A_9 = tpu.memref_squeeze %dma_start3A_8 : memref<1x250x40xi32, #tpu.memory_space<hbm>> -> memref<250x40xi32, #tpu.memory_space<hbm>>
      %dma_start3A_10 = arith.constant 0 : i32
      %dma_start3A_11 = arith.constant 0 : i32
      %dma_start3A_12 = tpu.memref_slice %arg3[%arg1, %dma_start3A_10, %dma_start3A_11] : memref<16x250x40xi32, #tpu.memory_space<hbm>> -> memref<1x250x40xi32, #tpu.memory_space<hbm>>
      %dma_start3A_13 = tpu.memref_squeeze %dma_start3A_12 : memref<1x250x40xi32, #tpu.memory_space<hbm>> -> memref<250x40xi32, #tpu.memory_space<hbm>>
      tpu.enqueue_dma source(%dma_start3A_13 : memref<250x40xi32, #tpu.memory_space<hbm>>) target(%arg9 : memref<250x40xi32, #tpu.memory_space<vmem>>) target_semaphore(%run_scoped3A : memref<!tpu.dma_semaphore, #tpu.memory_space<semaphore_mem>>)
      %dma_wait3A = arith.constant 0 : i32
      %dma_wait3A_14 = arith.constant 0 : i32
      %dma_wait3A_15 = tpu.memref_slice %arg3[%arg1, %dma_wait3A, %dma_wait3A_14] : memref<16x250x40xi32, #tpu.memory_space<hbm>> -> memref<1x250x40xi32, #tpu.memory_space<hbm>>
      %dma_wait3A_16 = tpu.memref_squeeze %dma_wait3A_15 : memref<1x250x40xi32, #tpu.memory_space<hbm>> -> memref<250x40xi32, #tpu.memory_space<hbm>>
      %dma_wait3A_17 = arith.constant 0 : i32
      %dma_wait3A_18 = arith.constant 0 : i32
      %dma_wait3A_19 = tpu.memref_slice %arg3[%arg1, %dma_wait3A_17, %dma_wait3A_18] : memref<16x250x40xi32, #tpu.memory_space<hbm>> -> memref<1x250x40xi32, #tpu.memory_space<hbm>>
      %dma_wait3A_20 = tpu.memref_squeeze %dma_wait3A_19 : memref<1x250x40xi32, #tpu.memory_space<hbm>> -> memref<250x40xi32, #tpu.memory_space<hbm>>
      tpu.wait_dma2 semaphore(%run_scoped3A : memref<!tpu.dma_semaphore, #tpu.memory_space<semaphore_mem>>) src(%dma_wait3A_20 : memref<250x40xi32, #tpu.memory_space<hbm>>) dst(%arg9 : memref<250x40xi32, #tpu.memory_space<vmem>>)
      tpu.yield
    }) : () -> ()
    "tpu.region"() ({
      %run_scoped3A = tpu.sem_alloc : memref<!tpu.dma_semaphore, #tpu.memory_space<semaphore_mem>>
      %dma_start3A = arith.constant 0 : i32
      %dma_start3A_7 = arith.constant 0 : i32
      %dma_start3A_8 = tpu.memref_slice %arg4[%arg1, %dma_start3A, %dma_start3A_7] : memref<16x250x40xi32, #tpu.memory_space<hbm>> -> memref<1x250x40xi32, #tpu.memory_space<hbm>>
      %dma_start3A_9 = tpu.memref_squeeze %dma_start3A_8 : memref<1x250x40xi32, #tpu.memory_space<hbm>> -> memref<250x40xi32, #tpu.memory_space<hbm>>
      %dma_start3A_10 = arith.constant 0 : i32
      %dma_start3A_11 = arith.constant 0 : i32
      %dma_start3A_12 = tpu.memref_slice %arg4[%arg1, %dma_start3A_10, %dma_start3A_11] : memref<16x250x40xi32, #tpu.memory_space<hbm>> -> memref<1x250x40xi32, #tpu.memory_space<hbm>>
      %dma_start3A_13 = tpu.memref_squeeze %dma_start3A_12 : memref<1x250x40xi32, #tpu.memory_space<hbm>> -> memref<250x40xi32, #tpu.memory_space<hbm>>
      tpu.enqueue_dma source(%dma_start3A_13 : memref<250x40xi32, #tpu.memory_space<hbm>>) target(%arg10 : memref<250x40xi32, #tpu.memory_space<vmem>>) target_semaphore(%run_scoped3A : memref<!tpu.dma_semaphore, #tpu.memory_space<semaphore_mem>>)
      %dma_wait3A = arith.constant 0 : i32
      %dma_wait3A_14 = arith.constant 0 : i32
      %dma_wait3A_15 = tpu.memref_slice %arg4[%arg1, %dma_wait3A, %dma_wait3A_14] : memref<16x250x40xi32, #tpu.memory_space<hbm>> -> memref<1x250x40xi32, #tpu.memory_space<hbm>>
      %dma_wait3A_16 = tpu.memref_squeeze %dma_wait3A_15 : memref<1x250x40xi32, #tpu.memory_space<hbm>> -> memref<250x40xi32, #tpu.memory_space<hbm>>
      %dma_wait3A_17 = arith.constant 0 : i32
      %dma_wait3A_18 = arith.constant 0 : i32
      %dma_wait3A_19 = tpu.memref_slice %arg4[%arg1, %dma_wait3A_17, %dma_wait3A_18] : memref<16x250x40xi32, #tpu.memory_space<hbm>> -> memref<1x250x40xi32, #tpu.memory_space<hbm>>
      %dma_wait3A_20 = tpu.memref_squeeze %dma_wait3A_19 : memref<1x250x40xi32, #tpu.memory_space<hbm>> -> memref<250x40xi32, #tpu.memory_space<hbm>>
      tpu.wait_dma2 semaphore(%run_scoped3A : memref<!tpu.dma_semaphore, #tpu.memory_space<semaphore_mem>>) src(%dma_wait3A_20 : memref<250x40xi32, #tpu.memory_space<hbm>>) dst(%arg10 : memref<250x40xi32, #tpu.memory_space<vmem>>)
      tpu.yield
    }) : () -> ()
    "tpu.region"() ({
      %run_scoped3A = tpu.sem_alloc : memref<!tpu.dma_semaphore, #tpu.memory_space<semaphore_mem>>
      tpu.enqueue_dma source(%arg7 : memref<40x16xf32, #tpu.memory_space<hbm>>) target(%arg12 : memref<40x16xf32, #tpu.memory_space<vmem>>) target_semaphore(%run_scoped3A : memref<!tpu.dma_semaphore, #tpu.memory_space<semaphore_mem>>)
      tpu.wait_dma2 semaphore(%run_scoped3A : memref<!tpu.dma_semaphore, #tpu.memory_space<semaphore_mem>>) src(%arg7 : memref<40x16xf32, #tpu.memory_space<hbm>>) dst(%arg12 : memref<40x16xf32, #tpu.memory_space<vmem>>)
      tpu.yield
    }) : () -> ()
    %barrier3A = arith.constant 0 : index
    tpu.barrier barrier_id(%barrier3A)
    %scan3A = arith.constant 0 : i32
    %scan3A_1 = arith.constant 0 : i32
    %scan3A_2 = arith.constant 250 : i32
    %scan3A_3 = arith.addi %scan3A_1, %scan3A_2 : i32
    %scan3A_4 = arith.constant 1 : i32
    scf.for %scan3A_7 = %scan3A_1 to %scan3A_3 step %scan3A_4  : i32 {
      %dma_start3A = arith.constant 0 : i32
      %dma_start3A_8 = tpu.memref_slice %arg9[%scan3A_7, %dma_start3A] : memref<250x40xi32, #tpu.memory_space<vmem>> -> memref<1x40xi32, #tpu.memory_space<vmem>>
      %dma_start3A_9 = tpu.memref_squeeze %dma_start3A_8 : memref<1x40xi32, #tpu.memory_space<vmem>> -> memref<40xi32, #tpu.memory_space<vmem>>
      %dma_start3A_10 = arith.constant 0 : i32
      %dma_start3A_11 = arith.constant 0 : i32
      %dma_start3A_12 = tpu.memref_slice %arg2[%arg0, %dma_start3A_10, %dma_start3A_11] : memref<2x10000x128xf32, #tpu.memory_space<hbm>> -> memref<1x10000x128xf32, #tpu.memory_space<hbm>>
      %dma_start3A_13 = tpu.memref_squeeze %dma_start3A_12 : memref<1x10000x128xf32, #tpu.memory_space<hbm>> -> memref<10000x128xf32, #tpu.memory_space<hbm>>
      %dma_start3A_14 = arith.constant 0 : i32
      %dma_start3A_15 = arith.constant 0 : i32
      %dma_start3A_16 = tpu.memref_slice %dma_start3A_13[%dma_start3A_14, %dma_start3A_15] : memref<10000x128xf32, #tpu.memory_space<hbm>> -> memref<10000x128xf32, #tpu.memory_space<hbm>>
      tpu.enqueue_indirect_dma source(%dma_start3A_16 : memref<10000x128xf32, #tpu.memory_space<hbm>>) target(%arg11 : memref<40x128xf32, #tpu.memory_space<vmem>>) offsets(%dma_start3A_9 : memref<40xi32, #tpu.memory_space<vmem>>) semaphore(%arg15 : memref<!tpu.dma_semaphore, #tpu.memory_space<semaphore_mem>>)
      %dma_wait3A = arith.constant 0 : i32
      %dma_wait3A_17 = tpu.memref_slice %arg9[%scan3A_7, %dma_wait3A] : memref<250x40xi32, #tpu.memory_space<vmem>> -> memref<1x40xi32, #tpu.memory_space<vmem>>
      %dma_wait3A_18 = tpu.memref_squeeze %dma_wait3A_17 : memref<1x40xi32, #tpu.memory_space<vmem>> -> memref<40xi32, #tpu.memory_space<vmem>>
      %dma_wait3A_19 = arith.constant 0 : i32
      %dma_wait3A_20 = arith.constant 0 : i32
      %dma_wait3A_21 = tpu.memref_slice %arg2[%arg0, %dma_wait3A_19, %dma_wait3A_20] : memref<2x10000x128xf32, #tpu.memory_space<hbm>> -> memref<1x10000x128xf32, #tpu.memory_space<hbm>>
      %dma_wait3A_22 = tpu.memref_squeeze %dma_wait3A_21 : memref<1x10000x128xf32, #tpu.memory_space<hbm>> -> memref<10000x128xf32, #tpu.memory_space<hbm>>
      %dma_wait3A_23 = arith.constant 0 : i32
      %dma_wait3A_24 = arith.constant 0 : i32
      %dma_wait3A_25 = tpu.memref_slice %dma_wait3A_22[%dma_wait3A_23, %dma_wait3A_24] : memref<10000x128xf32, #tpu.memory_space<hbm>> -> memref<10000x128xf32, #tpu.memory_space<hbm>>
      tpu.wait_indirect_dma semaphore(%arg15 : memref<!tpu.dma_semaphore, #tpu.memory_space<semaphore_mem>>) src(%dma_wait3A_25 : memref<10000x128xf32, #tpu.memory_space<hbm>>) dst(%arg11 : memref<40x128xf32, #tpu.memory_space<vmem>>)
      "tpu.region"() ({
        %run_scoped3A = tpu.sem_alloc : memref<!tpu.dma_semaphore, #tpu.memory_space<semaphore_mem>>
        %dma_start3A_26 = arith.constant 0 : i32
        %dma_start3A_27 = tpu.memref_slice %arg10[%scan3A_7, %dma_start3A_26] : memref<250x40xi32, #tpu.memory_space<vmem>> -> memref<1x40xi32, #tpu.memory_space<vmem>>
        %dma_start3A_28 = tpu.memref_squeeze %dma_start3A_27 : memref<1x40xi32, #tpu.memory_space<vmem>> -> memref<40xi32, #tpu.memory_space<vmem>>
        %dma_start3A_29 = arith.constant 0 : i32
        %dma_start3A_30 = arith.constant 0 : i32
        %dma_start3A_31 = tpu.memref_slice %arg13[%dma_start3A_29, %dma_start3A_30] : memref<10112x128xf32, #tpu.memory_space<vmem_shared>> -> memref<10112x128xf32, #tpu.memory_space<vmem_shared>>
        tpu.enqueue_indirect_dma source(%arg11 : memref<40x128xf32, #tpu.memory_space<vmem>>) target(%dma_start3A_31 : memref<10112x128xf32, #tpu.memory_space<vmem_shared>>) offsets(%dma_start3A_28 : memref<40xi32, #tpu.memory_space<vmem>>) semaphore(%run_scoped3A : memref<!tpu.dma_semaphore, #tpu.memory_space<semaphore_mem>>) {add = true}
        %dma_wait3A_32 = arith.constant 0 : i32
        %dma_wait3A_33 = tpu.memref_slice %arg10[%scan3A_7, %dma_wait3A_32] : memref<250x40xi32, #tpu.memory_space<vmem>> -> memref<1x40xi32, #tpu.memory_space<vmem>>
        %dma_wait3A_34 = tpu.memref_squeeze %dma_wait3A_33 : memref<1x40xi32, #tpu.memory_space<vmem>> -> memref<40xi32, #tpu.memory_space<vmem>>
        %dma_wait3A_35 = arith.constant 0 : i32
        %dma_wait3A_36 = arith.constant 0 : i32
        %dma_wait3A_37 = tpu.memref_slice %arg13[%dma_wait3A_35, %dma_wait3A_36] : memref<10112x128xf32, #tpu.memory_space<vmem_shared>> -> memref<10112x128xf32, #tpu.memory_space<vmem_shared>>
        tpu.wait_indirect_dma semaphore(%run_scoped3A : memref<!tpu.dma_semaphore, #tpu.memory_space<semaphore_mem>>) src(%arg11 : memref<40x128xf32, #tpu.memory_space<vmem>>) dst(%dma_wait3A_37 : memref<10112x128xf32, #tpu.memory_space<vmem_shared>>)
        tpu.yield
      }) : () -> ()
    }
    %scan3A_5 = arith.constant 250 : i32
    %barrier3A_6 = arith.constant 0 : index
    tpu.barrier barrier_id(%barrier3A_6)
    "tpu.region"() ({
      %run_scoped3A = tpu.sem_alloc : memref<!tpu.dma_semaphore, #tpu.memory_space<semaphore_mem>>
      %dma_start3A = arith.constant 0 : i32
      %dma_start3A_7 = tpu.memref_slice %arg8[%arg0, %mul3A_0, %dma_start3A] : memref<2x10112x128xf32, #tpu.memory_space<hbm>> -> memref<1x632x128xf32, #tpu.memory_space<hbm>>
      %dma_start3A_8 = tpu.memref_squeeze %dma_start3A_7 : memref<1x632x128xf32, #tpu.memory_space<hbm>> -> memref<632x128xf32, #tpu.memory_space<hbm>>
      %dma_start3A_9 = arith.constant 0 : i32
      %dma_start3A_10 = tpu.memref_slice %arg13[%mul3A_0, %dma_start3A_9] : memref<10112x128xf32, #tpu.memory_space<vmem_shared>> -> memref<632x128xf32, #tpu.memory_space<vmem_shared>>
      tpu.enqueue_dma source(%dma_start3A_10 : memref<632x128xf32, #tpu.memory_space<vmem_shared>>) target(%dma_start3A_8 : memref<632x128xf32, #tpu.memory_space<hbm>>) target_semaphore(%run_scoped3A : memref<!tpu.dma_semaphore, #tpu.memory_space<semaphore_mem>>)
      %dma_wait3A = arith.constant 0 : i32
      %dma_wait3A_11 = tpu.memref_slice %arg8[%arg0, %mul3A_0, %dma_wait3A] : memref<2x10112x128xf32, #tpu.memory_space<hbm>> -> memref<1x632x128xf32, #tpu.memory_space<hbm>>
      %dma_wait3A_12 = tpu.memref_squeeze %dma_wait3A_11 : memref<1x632x128xf32, #tpu.memory_space<hbm>> -> memref<632x128xf32, #tpu.memory_space<hbm>>
      %dma_wait3A_13 = arith.constant 0 : i32
      %dma_wait3A_14 = tpu.memref_slice %arg13[%mul3A_0, %dma_wait3A_13] : memref<10112x128xf32, #tpu.memory_space<vmem_shared>> -> memref<632x128xf32, #tpu.memory_space<vmem_shared>>
      tpu.wait_dma2 semaphore(%run_scoped3A : memref<!tpu.dma_semaphore, #tpu.memory_space<semaphore_mem>>) src(%dma_wait3A_14 : memref<632x128xf32, #tpu.memory_space<vmem_shared>>) dst(%dma_wait3A_12 : memref<632x128xf32, #tpu.memory_space<hbm>>)
      tpu.yield
    }) : () -> ()
    return
  }
}

module attributes {stable_mosaic.version = 14 : i64} {
  func.func @body(%arg0: i32, %arg1: memref<1000x64xf32, #tpu.memory_space<vmem>>, %arg2: memref<64x256xf32, #tpu.memory_space<vmem>>, %arg3: memref<4x64xf32, #tpu.memory_space<vmem>>, %arg4: memref<4x64xf32, #tpu.memory_space<vmem>>, %arg5: memref<1000x256xf32, #tpu.memory_space<vmem>>, %arg6: memref<2x1000x16xf32, #tpu.memory_space<vmem>>) attributes {dimension_semantics = [#tpu.dimension_semantics<arbitrary>], iteration_bounds = array<i64: 10>, scalar_prefetch = 0 : i64, scratch_operands = 0 : i64, tpu.core_type = #tpu.core_type<tc>, window_params = [{transform_indices = @transform_0, window_bounds = array<i64: 1000, 64>}, {pipeline_mode = #tpu.pipeline_mode<synchronous>, transform_indices = @transform_1, window_bounds = array<i64: 64, 256>}, {pipeline_mode = #tpu.pipeline_mode<synchronous>, transform_indices = @transform_2, window_bounds = array<i64: 4, 64>}, {pipeline_mode = #tpu.pipeline_mode<synchronous>, transform_indices = @transform_3, window_bounds = array<i64: 4, 64>}, {transform_indices = @transform_4, window_bounds = array<i64: 1000, 256>}, {transform_indices = @transform_5, window_bounds = array<i64: 2, 1000, 16>}]} {
    %get3A = arith.constant 0 : index
    %get3A_0 = arith.constant 0 : index
    %get3A_1 = vector.load %arg1[%get3A, %get3A_0] : memref<1000x64xf32, #tpu.memory_space<vmem>>, vector<1000x64xf32>
    %get3A_2 = arith.constant 0 : index
    %get3A_3 = arith.constant 0 : index
    %get3A_4 = vector.load %arg2[%get3A_2, %get3A_3] : memref<64x256xf32, #tpu.memory_space<vmem>>, vector<64x256xf32>
    %dot_general3A = arith.constant dense<0.000000e+00> : vector<1000x256xf32>
    %dot_general3A_5 = tpu.matmul %get3A_1, %get3A_4, %dot_general3A {dimension_numbers = #tpu.dot_dimension_numbers<[1], [0], [0], [1], [0, 0, 1, 1], [], []>, transpose_lhs_hint = false} : vector<1000x64xf32>, vector<64x256xf32>, vector<1000x256xf32> -> vector<1000x256xf32>
    %swap3A = arith.constant 0 : index
    %swap3A_6 = arith.constant 0 : index
    %swap3A_7 = vector.load %arg5[%swap3A, %swap3A_6] : memref<1000x256xf32, #tpu.memory_space<vmem>>, vector<1000x256xf32>
    tpu.vector_store %arg5[%swap3A, %swap3A_6], %dot_general3A_5 {strides = array<i32>} : memref<1000x256xf32, #tpu.memory_space<vmem>>, vector<1000x256xf32>,
    %reshape3A = vector.shape_cast %dot_general3A_5 : vector<1000x256xf32> to vector<1000x4x64xf32>
    %get3A_8 = arith.constant 0 : index
    %get3A_9 = arith.constant 0 : index
    %get3A_10 = vector.load %arg3[%get3A_8, %get3A_9] : memref<4x64xf32, #tpu.memory_space<vmem>>, vector<4x64xf32>
    %broadcast_in_dim3A = vector.shape_cast %get3A_10 : vector<4x64xf32> to vector<1x4x64xf32>
    %mul3A = vector.broadcast %broadcast_in_dim3A : vector<1x4x64xf32> to vector<1000x4x64xf32>
    %mul3A_11 = arith.mulf %reshape3A, %mul3A : vector<1000x4x64xf32>
    %reduce_sum3A = arith.constant dense<0.000000e+00> : vector<1000x4xf32>
    %reduce_sum3A_12 = vector.multi_reduction <add>, %mul3A_11, %reduce_sum3A [2] : vector<1000x4x64xf32> to vector<1000x4xf32>
    %get3A_13 = arith.constant 0 : index
    %get3A_14 = arith.constant 0 : index
    %get3A_15 = vector.load %arg4[%get3A_13, %get3A_14] : memref<4x64xf32, #tpu.memory_space<vmem>>, vector<4x64xf32>
    %broadcast_in_dim3A_16 = vector.shape_cast %get3A_15 : vector<4x64xf32> to vector<1x4x64xf32>
    %mul3A_17 = vector.broadcast %broadcast_in_dim3A_16 : vector<1x4x64xf32> to vector<1000x4x64xf32>
    %mul3A_18 = arith.mulf %reshape3A, %mul3A_17 : vector<1000x4x64xf32>
    %reduce_sum3A_19 = arith.constant dense<0.000000e+00> : vector<1000x4xf32>
    %reduce_sum3A_20 = vector.multi_reduction <add>, %mul3A_18, %reduce_sum3A_19 [2] : vector<1000x4x64xf32> to vector<1000x4xf32>
    %broadcast_in_dim3A_21 = arith.constant 0.000000e+00 : f32
    %broadcast_in_dim3A_22 = vector.broadcast %broadcast_in_dim3A_21 : f32 to vector<1000x12xf32>
    %concatenate3A = tpu.concatenate %reduce_sum3A_12, %broadcast_in_dim3A_22 in 1 : vector<1000x4xf32>, vector<1000x12xf32> -> vector<1000x16xf32>
    %concatenate3A_23 = tpu.concatenate %reduce_sum3A_20, %broadcast_in_dim3A_22 in 1 : vector<1000x4xf32>, vector<1000x12xf32> -> vector<1000x16xf32>
    %stack3A = vector.shape_cast %concatenate3A : vector<1000x16xf32> to vector<1x1000x16xf32>
    %stack3A_24 = vector.shape_cast %concatenate3A_23 : vector<1000x16xf32> to vector<1x1000x16xf32>
    %stack3A_25 = tpu.concatenate %stack3A, %stack3A_24 in 0 : vector<1x1000x16xf32>, vector<1x1000x16xf32> -> vector<2x1000x16xf32>
    %swap3A_26 = arith.constant 0 : index
    %swap3A_27 = arith.constant 0 : index
    %swap3A_28 = arith.constant 0 : index
    %swap3A_29 = vector.load %arg6[%swap3A_26, %swap3A_27, %swap3A_28] : memref<2x1000x16xf32, #tpu.memory_space<vmem>>, vector<2x1000x16xf32>
    tpu.vector_store %arg6[%swap3A_26, %swap3A_27, %swap3A_28], %stack3A_25 {strides = array<i32>} : memref<2x1000x16xf32, #tpu.memory_space<vmem>>, vector<2x1000x16xf32>,
    return
  }
  func.func @transform_0(%arg0: i32) -> (i32, i32) {
    %c0_i32 = arith.constant 0 : i32
    %c0_i32_0 = arith.constant 0 : i32
    return %arg0, %c0_i32 : i32, i32
  }
  func.func @transform_1(%arg0: i32) -> (i32, i32) {
    %c0_i32 = arith.constant 0 : i32
    %c0_i32_0 = arith.constant 0 : i32
    %c0_i32_1 = arith.constant 0 : i32
    return %c0_i32, %c0_i32_0 : i32, i32
  }
  func.func @transform_2(%arg0: i32) -> (i32, i32) {
    %c0_i32 = arith.constant 0 : i32
    %c0_i32_0 = arith.constant 0 : i32
    %c0_i32_1 = arith.constant 0 : i32
    return %c0_i32, %c0_i32_0 : i32, i32
  }
  func.func @transform_3(%arg0: i32) -> (i32, i32) {
    %c0_i32 = arith.constant 0 : i32
    %c0_i32_0 = arith.constant 0 : i32
    %c0_i32_1 = arith.constant 0 : i32
    return %c0_i32, %c0_i32_0 : i32, i32
  }
  func.func @transform_4(%arg0: i32) -> (i32, i32) {
    %c0_i32 = arith.constant 0 : i32
    %c0_i32_0 = arith.constant 0 : i32
    return %arg0, %c0_i32 : i32, i32
  }
  func.func @transform_5(%arg0: i32) -> (i32, i32, i32) {
    %c0_i32 = arith.constant 0 : i32
    %c0_i32_0 = arith.constant 0 : i32
    %c0_i32_1 = arith.constant 0 : i32
    return %c0_i32, %arg0, %c0_i32_0 : i32, i32, i32
  }
}

module attributes {stable_mosaic.version = 14 : i64} {
  func.func @body(%arg0: memref<2x10000x64xf32, #tpu.memory_space<vmem>>, %arg1: memref<10000x16xf32, #tpu.memory_space<vmem>>, %arg2: memref<10000x128xf32, #tpu.memory_space<vmem>>, %arg3: memref<64x64xf32, #tpu.memory_space<vmem>>, %arg4: memref<64x64xf32, #tpu.memory_space<vmem>>, %arg5: memref<128x64xf32, #tpu.memory_space<vmem>>, %arg6: memref<1x64xf32, #tpu.memory_space<vmem>>, %arg7: memref<1x64xf32, #tpu.memory_space<vmem>>, %arg8: memref<1x64xf32, #tpu.memory_space<vmem>>, %arg9: memref<10000x64xf32, #tpu.memory_space<vmem>>) attributes {dimension_semantics = [], scalar_prefetch = 0 : i64, scratch_operands = 0 : i64, tpu.core_type = #tpu.core_type<tc>} {
    %get3A = arith.constant 0 : index
    %get3A_0 = arith.constant 0 : index
    %get3A_1 = vector.load %arg1[%get3A, %get3A_0] : memref<10000x16xf32, #tpu.memory_space<vmem>>, vector<10000x1xf32>
    %jit3A = arith.constant 1.000000e+00 : f32
    %max3A = vector.broadcast %jit3A : f32 to vector<10000x1xf32>
    %max3A_2 = arith.maximumf %max3A, %get3A_1 : vector<10000x1xf32>
    %get3A_3 = arith.constant 0 : index
    %get3A_4 = arith.constant 0 : index
    %get3A_5 = arith.constant 0 : index
    %get3A_6 = vector.load %arg0[%get3A_3, %get3A_4, %get3A_5] : memref<2x10000x64xf32, #tpu.memory_space<vmem>>, vector<1x10000x64xf32>
    %get3A_7 = vector.shape_cast %get3A_6 : vector<1x10000x64xf32> to vector<10000x64xf32>
    %div3A = vector.broadcast %max3A_2 : vector<10000x1xf32> to vector<10000x64xf32>
    %div3A_8 = arith.divf %get3A_7, %div3A : vector<10000x64xf32>
    %get3A_9 = arith.constant 0 : index
    %get3A_10 = arith.constant 0 : index
    %get3A_11 = vector.load %arg3[%get3A_9, %get3A_10] : memref<64x64xf32, #tpu.memory_space<vmem>>, vector<64x64xf32>
    %dot_general3A = arith.constant dense<0.000000e+00> : vector<10000x64xf32>
    %dot_general3A_12 = tpu.matmul %div3A_8, %get3A_11, %dot_general3A {dimension_numbers = #tpu.dot_dimension_numbers<[1], [0], [0], [1], [0, 0, 1, 1], [], []>, transpose_lhs_hint = false} : vector<10000x64xf32>, vector<64x64xf32>, vector<10000x64xf32> -> vector<10000x64xf32>
    %get3A_13 = arith.constant 1 : index
    %get3A_14 = arith.constant 0 : index
    %get3A_15 = arith.constant 0 : index
    %get3A_16 = vector.load %arg0[%get3A_13, %get3A_14, %get3A_15] : memref<2x10000x64xf32, #tpu.memory_space<vmem>>, vector<1x10000x64xf32>
    %get3A_17 = vector.shape_cast %get3A_16 : vector<1x10000x64xf32> to vector<10000x64xf32>
    %div3A_18 = vector.broadcast %max3A_2 : vector<10000x1xf32> to vector<10000x64xf32>
    %div3A_19 = arith.divf %get3A_17, %div3A_18 : vector<10000x64xf32>
    %get3A_20 = arith.constant 0 : index
    %get3A_21 = arith.constant 0 : index
    %get3A_22 = vector.load %arg4[%get3A_20, %get3A_21] : memref<64x64xf32, #tpu.memory_space<vmem>>, vector<64x64xf32>
    %dot_general3A_23 = arith.constant dense<0.000000e+00> : vector<10000x64xf32>
    %dot_general3A_24 = tpu.matmul %div3A_19, %get3A_22, %dot_general3A_23 {dimension_numbers = #tpu.dot_dimension_numbers<[1], [0], [0], [1], [0, 0, 1, 1], [], []>, transpose_lhs_hint = false} : vector<10000x64xf32>, vector<64x64xf32>, vector<10000x64xf32> -> vector<10000x64xf32>
    %add3A = arith.addf %dot_general3A_12, %dot_general3A_24 : vector<10000x64xf32>
    %get3A_25 = arith.constant 0 : index
    %get3A_26 = arith.constant 0 : index
    %get3A_27 = vector.load %arg2[%get3A_25, %get3A_26] : memref<10000x128xf32, #tpu.memory_space<vmem>>, vector<10000x128xf32>
    %get3A_28 = arith.constant 0 : index
    %get3A_29 = arith.constant 0 : index
    %get3A_30 = vector.load %arg5[%get3A_28, %get3A_29] : memref<128x64xf32, #tpu.memory_space<vmem>>, vector<128x64xf32>
    %dot_general3A_31 = arith.constant dense<0.000000e+00> : vector<10000x64xf32>
    %dot_general3A_32 = tpu.matmul %get3A_27, %get3A_30, %dot_general3A_31 {dimension_numbers = #tpu.dot_dimension_numbers<[1], [0], [0], [1], [0, 0, 1, 1], [], []>, transpose_lhs_hint = false} : vector<10000x128xf32>, vector<128x64xf32>, vector<10000x64xf32> -> vector<10000x64xf32>
    %add3A_33 = arith.addf %add3A, %dot_general3A_32 : vector<10000x64xf32>
    %get3A_34 = arith.constant 0 : index
    %get3A_35 = arith.constant 0 : index
    %get3A_36 = vector.load %arg6[%get3A_34, %get3A_35] : memref<1x64xf32, #tpu.memory_space<vmem>>, vector<1x64xf32>
    %get3A_37 = vector.shape_cast %get3A_36 : vector<1x64xf32> to vector<64xf32>
    %broadcast_in_dim3A = vector.shape_cast %get3A_37 : vector<64xf32> to vector<1x64xf32>
    %add3A_38 = vector.broadcast %broadcast_in_dim3A : vector<1x64xf32> to vector<10000x64xf32>
    %add3A_39 = arith.addf %add3A_33, %add3A_38 : vector<10000x64xf32>
    %get3A_40 = arith.constant 0 : index
    %get3A_41 = arith.constant 0 : index
    %get3A_42 = vector.load %arg7[%get3A_40, %get3A_41] : memref<1x64xf32, #tpu.memory_space<vmem>>, vector<1x64xf32>
    %get3A_43 = vector.shape_cast %get3A_42 : vector<1x64xf32> to vector<64xf32>
    %get3A_44 = arith.constant 0 : index
    %get3A_45 = arith.constant 0 : index
    %get3A_46 = vector.load %arg8[%get3A_44, %get3A_45] : memref<1x64xf32, #tpu.memory_space<vmem>>, vector<1x64xf32>
    %get3A_47 = vector.shape_cast %get3A_46 : vector<1x64xf32> to vector<64xf32>
    %reduce_sum3A = arith.constant dense<0.000000e+00> : vector<64xf32>
    %reduce_sum3A_48 = vector.multi_reduction <add>, %add3A_39, %reduce_sum3A [0] : vector<10000x64xf32> to vector<64xf32>
    %div3A_49 = arith.constant 1.000000e+04 : f32
    %div3A_50 = vector.broadcast %div3A_49 : f32 to vector<64xf32>
    %div3A_51 = arith.divf %reduce_sum3A_48, %div3A_50 : vector<64xf32>
    %jit3A_52 = arith.constant 0 : i32
    %reduce_sum3A_53 = arith.constant dense<0.000000e+00> : vector<64xf32>
    %reduce_sum3A_54 = vector.multi_reduction <add>, %add3A_39, %reduce_sum3A_53 [0] : vector<10000x64xf32> to vector<64xf32>
    %broadcast_in_dim3A_55 = vector.shape_cast %reduce_sum3A_54 : vector<64xf32> to vector<1x64xf32>
    %div3A_56 = arith.constant 1.000000e+04 : f32
    %div3A_57 = vector.broadcast %div3A_56 : f32 to vector<1x64xf32>
    %div3A_58 = arith.divf %broadcast_in_dim3A_55, %div3A_57 : vector<1x64xf32>
    %sub3A = vector.broadcast %div3A_58 : vector<1x64xf32> to vector<10000x64xf32>
    %sub3A_59 = arith.subf %add3A_39, %sub3A : vector<10000x64xf32>
    %square3A = arith.mulf %sub3A_59, %sub3A_59 : vector<10000x64xf32>
    %convert_element_type3A = arith.sitofp %jit3A_52 : i32 to f32
    %sub3A_60 = arith.constant 1.000000e+04 : f32
    %sub3A_61 = arith.subf %sub3A_60, %convert_element_type3A : f32
    %reduce_sum3A_62 = arith.constant dense<0.000000e+00> : vector<64xf32>
    %reduce_sum3A_63 = vector.multi_reduction <add>, %square3A, %reduce_sum3A_62 [0] : vector<10000x64xf32> to vector<64xf32>
    %div3A_64 = vector.broadcast %sub3A_61 : f32 to vector<64xf32>
    %div3A_65 = arith.divf %reduce_sum3A_63, %div3A_64 : vector<64xf32>
    %gt3A = arith.constant 0.000000e+00 : f32
    %gt3A_66 = arith.cmpf ogt, %sub3A_61, %gt3A : f32
    %jit3A_67 = arith.constant 0x7FC00000 : f32
    %broadcast_in_dim3A_68 = vector.broadcast %jit3A_67 : f32 to vector<64xf32>
    %select_n3A = arith.select %gt3A_66, %div3A_65, %broadcast_in_dim3A_68 : vector<64xf32>
    %broadcast_in_dim3A_69 = vector.shape_cast %div3A_51 : vector<64xf32> to vector<1x64xf32>
    %sub3A_70 = vector.broadcast %broadcast_in_dim3A_69 : vector<1x64xf32> to vector<10000x64xf32>
    %sub3A_71 = arith.subf %add3A_39, %sub3A_70 : vector<10000x64xf32>
    %add3A_72 = arith.constant 9.99999974E-6 : f32
    %add3A_73 = vector.broadcast %add3A_72 : f32 to vector<64xf32>
    %add3A_74 = arith.addf %select_n3A, %add3A_73 : vector<64xf32>
    %sqrt3A = math.sqrt %add3A_74 : vector<64xf32>
    %broadcast_in_dim3A_75 = vector.shape_cast %sqrt3A : vector<64xf32> to vector<1x64xf32>
    %div3A_76 = vector.broadcast %broadcast_in_dim3A_75 : vector<1x64xf32> to vector<10000x64xf32>
    %div3A_77 = arith.divf %sub3A_71, %div3A_76 : vector<10000x64xf32>
    %broadcast_in_dim3A_78 = vector.shape_cast %get3A_43 : vector<64xf32> to vector<1x64xf32>
    %mul3A = vector.broadcast %broadcast_in_dim3A_78 : vector<1x64xf32> to vector<10000x64xf32>
    %mul3A_79 = arith.mulf %div3A_77, %mul3A : vector<10000x64xf32>
    %broadcast_in_dim3A_80 = vector.shape_cast %get3A_47 : vector<64xf32> to vector<1x64xf32>
    %add3A_81 = vector.broadcast %broadcast_in_dim3A_80 : vector<1x64xf32> to vector<10000x64xf32>
    %add3A_82 = arith.addf %mul3A_79, %add3A_81 : vector<10000x64xf32>
    %gt3A_83 = arith.constant 0.000000e+00 : f32
    %gt3A_84 = vector.broadcast %gt3A_83 : f32 to vector<10000x64xf32>
    %gt3A_85 = arith.cmpf ogt, %add3A_82, %gt3A_84 : vector<10000x64xf32>
    %min3A = arith.constant 0.000000e+00 : f32
    %min3A_86 = vector.broadcast %min3A : f32 to vector<10000x64xf32>
    %min3A_87 = arith.minimumf %add3A_82, %min3A_86 : vector<10000x64xf32>
    %exp3A = math.exp %min3A_87 : vector<10000x64xf32>
    %sub3A_88 = arith.constant 1.000000e+00 : f32
    %sub3A_89 = vector.broadcast %sub3A_88 : f32 to vector<10000x64xf32>
    %sub3A_90 = arith.subf %exp3A, %sub3A_89 : vector<10000x64xf32>
    %select_n3A_91 = arith.select %gt3A_85, %add3A_82, %sub3A_90 : vector<10000x64xi1>, vector<10000x64xf32>
    %swap3A = arith.constant 0 : index
    %swap3A_92 = arith.constant 0 : index
    %swap3A_93 = vector.load %arg9[%swap3A, %swap3A_92] : memref<10000x64xf32, #tpu.memory_space<vmem>>, vector<10000x64xf32>
    tpu.vector_store %arg9[%swap3A, %swap3A_92], %select_n3A_91 {strides = array<i32>} : memref<10000x64xf32, #tpu.memory_space<vmem>>, vector<10000x64xf32>,
    return
  }
}

module attributes {stable_mosaic.version = 14 : i64} {
  func.func @body(%arg0: i32, %arg1: memref<3200x16xf32, #tpu.memory_space<vmem>>, %arg2: memref<3200x16xf32, #tpu.memory_space<vmem>>, %arg3: memref<3200x4xf32, #tpu.memory_space<vmem>>, %arg4: memref<1x1xf32, #tpu.memory_space<smem>>, %arg5: memref<3200x16xf32, #tpu.memory_space<vmem>>, %arg6: memref<3200x16xf32, #tpu.memory_space<vmem>>) attributes {dimension_semantics = [#tpu.dimension_semantics<arbitrary>], iteration_bounds = array<i64: 50>, scalar_prefetch = 0 : i64, scratch_operands = 0 : i64, tpu.core_type = #tpu.core_type<tc>, window_params = [{transform_indices = @transform_0, window_bounds = array<i64: 3200, 16>}, {transform_indices = @transform_1, window_bounds = array<i64: 3200, 16>}, {transform_indices = @transform_2, window_bounds = array<i64: 3200, 4>}, {transform_indices = @transform_3, window_bounds = array<i64: 1, 1>}, {transform_indices = @transform_4, window_bounds = array<i64: 3200, 16>}, {transform_indices = @transform_5, window_bounds = array<i64: 3200, 16>}]} {
    %get3A = arith.constant 0 : index
    %get3A_0 = arith.constant 0 : index
    %get3A_1 = vector.load %arg1[%get3A, %get3A_0] : memref<3200x16xf32, #tpu.memory_space<vmem>>, vector<3200x16xf32>
    %get3A_2 = arith.constant 0 : index
    %get3A_3 = arith.constant 0 : index
    %get3A_4 = vector.load %arg2[%get3A_2, %get3A_3] : memref<3200x16xf32, #tpu.memory_space<vmem>>, vector<3200x16xf32>
    %add3A = arith.addf %get3A_1, %get3A_4 : vector<3200x16xf32>
    %gt3A = arith.constant 0.000000e+00 : f32
    %gt3A_5 = vector.broadcast %gt3A : f32 to vector<3200x16xf32>
    %gt3A_6 = arith.cmpf ogt, %add3A, %gt3A_5 : vector<3200x16xf32>
    %mul3A = arith.constant 2.000000e-01 : f32
    %mul3A_7 = vector.broadcast %mul3A : f32 to vector<3200x16xf32>
    %mul3A_8 = arith.mulf %mul3A_7, %add3A : vector<3200x16xf32>
    %select_n3A = arith.select %gt3A_6, %add3A, %mul3A_8 : vector<3200x16xi1>, vector<3200x16xf32>
    %exp3A = math.exp %select_n3A : vector<3200x16xf32>
    %get3A_9 = arith.constant 0 : index
    %get3A_10 = arith.constant 0 : index
    %get3A_11 = vector.load %arg3[%get3A_9, %get3A_10] : memref<3200x4xf32, #tpu.memory_space<vmem>>, vector<3200x1xf32>
    %logistic3A = arith.negf %get3A_11 : vector<3200x1xf32>
    %logistic3A_12 = math.exp %logistic3A : vector<3200x1xf32>
    %logistic3A_13 = arith.constant 1.000000e+00 : f32
    %logistic3A_14 = vector.broadcast %logistic3A_13 : f32 to vector<3200x1xf32>
    %logistic3A_15 = arith.addf %logistic3A_14, %logistic3A_12 : vector<3200x1xf32>
    %logistic3A_16 = arith.divf %logistic3A_14, %logistic3A_15 : vector<3200x1xf32>
    %get3A_17 = arith.constant 0 : index
    %get3A_18 = arith.constant 0 : index
    %get3A_19 = memref.load %arg4[%get3A_17, %get3A_18] : memref<1x1xf32, #tpu.memory_space<smem>>
    %mul3A_20 = vector.broadcast %get3A_19 : f32 to vector<3200x1xf32>
    %mul3A_21 = arith.mulf %logistic3A_16, %mul3A_20 : vector<3200x1xf32>
    %swap3A = arith.constant 0 : index
    %swap3A_22 = arith.constant 0 : index
    %swap3A_23 = vector.load %arg5[%swap3A, %swap3A_22] : memref<3200x16xf32, #tpu.memory_space<vmem>>, vector<3200x16xf32>
    tpu.vector_store %arg5[%swap3A, %swap3A_22], %exp3A {strides = array<i32>} : memref<3200x16xf32, #tpu.memory_space<vmem>>, vector<3200x16xf32>,
    %mul3A_24 = vector.broadcast %mul3A_21 : vector<3200x1xf32> to vector<3200x16xf32>
    %mul3A_25 = arith.mulf %exp3A, %mul3A_24 : vector<3200x16xf32>
    %swap3A_26 = arith.constant 0 : index
    %swap3A_27 = arith.constant 0 : index
    %swap3A_28 = vector.load %arg6[%swap3A_26, %swap3A_27] : memref<3200x16xf32, #tpu.memory_space<vmem>>, vector<3200x16xf32>
    tpu.vector_store %arg6[%swap3A_26, %swap3A_27], %mul3A_25 {strides = array<i32>} : memref<3200x16xf32, #tpu.memory_space<vmem>>, vector<3200x16xf32>,
    return
  }
  func.func @transform_0(%arg0: i32) -> (i32, i32) {
    %c0_i32 = arith.constant 0 : i32
    %c0_i32_0 = arith.constant 0 : i32
    return %arg0, %c0_i32 : i32, i32
  }
  func.func @transform_1(%arg0: i32) -> (i32, i32) {
    %c0_i32 = arith.constant 0 : i32
    %c0_i32_0 = arith.constant 0 : i32
    return %arg0, %c0_i32 : i32, i32
  }
  func.func @transform_2(%arg0: i32) -> (i32, i32) {
    %c0_i32 = arith.constant 0 : i32
    %c0_i32_0 = arith.constant 0 : i32
    return %arg0, %c0_i32 : i32, i32
  }
  func.func @transform_3(%arg0: i32) -> (i32, i32) {
    %c0_i32 = arith.constant 0 : i32
    %c0_i32_0 = arith.constant 0 : i32
    %c0_i32_1 = arith.constant 0 : i32
    return %c0_i32, %c0_i32_0 : i32, i32
  }
  func.func @transform_4(%arg0: i32) -> (i32, i32) {
    %c0_i32 = arith.constant 0 : i32
    %c0_i32_0 = arith.constant 0 : i32
    return %arg0, %c0_i32 : i32, i32
  }
  func.func @transform_5(%arg0: i32) -> (i32, i32) {
    %c0_i32 = arith.constant 0 : i32
    %c0_i32_0 = arith.constant 0 : i32
    return %arg0, %c0_i32 : i32, i32
  }
}

module attributes {stable_mosaic.version = 14 : i64} {
  func.func @body(%arg0: i32, %arg1: i32, %arg2: memref<4000x16xf32, #tpu.memory_space<vmem>>, %arg3: memref<4000x16xf32, #tpu.memory_space<vmem>>, %arg4: memref<4000x128xf32, #tpu.memory_space<vmem>>, %arg5: memref<1x4000x128xf32, #tpu.memory_space<vmem>>) attributes {dimension_semantics = [#tpu.dimension_semantics<arbitrary>, #tpu.dimension_semantics<arbitrary>], iteration_bounds = array<i64: 2, 40>, scalar_prefetch = 0 : i64, scratch_operands = 0 : i64, tpu.core_type = #tpu.core_type<tc>, window_params = [{transform_indices = @transform_0, window_bounds = array<i64: 4000, 16>}, {transform_indices = @transform_1, window_bounds = array<i64: 4000, 16>}, {transform_indices = @transform_2, window_bounds = array<i64: 4000, 128>}, {transform_indices = @transform_3, window_bounds = array<i64: 1, 4000, 128>}]} {
    %get3A = arith.constant 0 : index
    %get3A_0 = arith.constant 0 : index
    %get3A_1 = vector.load %arg2[%get3A, %get3A_0] : memref<4000x16xf32, #tpu.memory_space<vmem>>, vector<4000x4xf32>
    %get3A_2 = arith.constant 0 : index
    %get3A_3 = arith.constant 0 : index
    %get3A_4 = vector.load %arg3[%get3A_2, %get3A_3] : memref<4000x16xf32, #tpu.memory_space<vmem>>, vector<4000x4xf32>
    %jit3A = arith.constant 1.000000e-16 : f32
    %max3A = vector.broadcast %jit3A : f32 to vector<4000x4xf32>
    %max3A_5 = arith.maximumf %max3A, %get3A_4 : vector<4000x4xf32>
    %div3A = arith.divf %get3A_1, %max3A_5 : vector<4000x4xf32>
    %eq3A = arith.constant 0 : i32
    %eq3A_6 = arith.cmpi eq, %arg0, %eq3A : i32
    %slice3A = vector.extract_strided_slice %div3A {offsets = [0, 0], sizes = [4000, 2], strides = [1, 1]} : vector<4000x4xf32> to vector<4000x2xf32>
    %slice3A_7 = vector.extract_strided_slice %div3A {offsets = [0, 2], sizes = [4000, 2], strides = [1, 1]} : vector<4000x4xf32> to vector<4000x2xf32>
    %select_n3A = arith.select %eq3A_6, %slice3A, %slice3A_7 : vector<4000x2xf32>
    %broadcast_in_dim3A = vector.shape_cast %select_n3A : vector<4000x2xf32> to vector<4000x2x1xf32>
    %get3A_8 = arith.constant 0 : index
    %get3A_9 = arith.constant 0 : index
    %get3A_10 = vector.load %arg4[%get3A_8, %get3A_9] : memref<4000x128xf32, #tpu.memory_space<vmem>>, vector<4000x128xf32>
    %reshape3A = vector.shape_cast %get3A_10 : vector<4000x128xf32> to vector<4000x2x64xf32>
    %mul3A = vector.broadcast %broadcast_in_dim3A : vector<4000x2x1xf32> to vector<4000x2x64xf32>
    %mul3A_11 = arith.mulf %mul3A, %reshape3A : vector<4000x2x64xf32>
    %reshape3A_12 = vector.shape_cast %mul3A_11 : vector<4000x2x64xf32> to vector<4000x128xf32>
    %broadcast_in_dim3A_13 = vector.shape_cast %reshape3A_12 : vector<4000x128xf32> to vector<1x4000x128xf32>
    %swap3A = arith.constant 0 : index
    %swap3A_14 = arith.constant 0 : index
    %swap3A_15 = arith.constant 0 : index
    %swap3A_16 = vector.load %arg5[%swap3A, %swap3A_14, %swap3A_15] : memref<1x4000x128xf32, #tpu.memory_space<vmem>>, vector<1x4000x128xf32>
    tpu.vector_store %arg5[%swap3A, %swap3A_14, %swap3A_15], %broadcast_in_dim3A_13 {strides = array<i32>} : memref<1x4000x128xf32, #tpu.memory_space<vmem>>, vector<1x4000x128xf32>,
    return
  }
  func.func @transform_0(%arg0: i32, %arg1: i32) -> (i32, i32) {
    %c0_i32 = arith.constant 0 : i32
    %c0_i32_0 = arith.constant 0 : i32
    return %arg1, %c0_i32 : i32, i32
  }
  func.func @transform_1(%arg0: i32, %arg1: i32) -> (i32, i32) {
    %c0_i32 = arith.constant 0 : i32
    %c0_i32_0 = arith.constant 0 : i32
    return %arg1, %c0_i32 : i32, i32
  }
  func.func @transform_2(%arg0: i32, %arg1: i32) -> (i32, i32) {
    %c0_i32 = arith.constant 0 : i32
    return %arg1, %arg0 : i32, i32
  }
  func.func @transform_3(%arg0: i32, %arg1: i32) -> (i32, i32, i32) {
    %c0_i32 = arith.constant 0 : i32
    %c0_i32_0 = arith.constant 0 : i32
    return %arg0, %arg1, %c0_i32 : i32, i32, i32
  }
}

module attributes {stable_mosaic.version = 14 : i64} {
  func.func @body(%arg0: i32, %arg1: memref<1x10000x128xf32, #tpu.memory_space<vmem>>, %arg2: memref<1x1x128xf32, #tpu.memory_space<vmem>>, %arg3: memref<1x1x128xf32, #tpu.memory_space<vmem>>, %arg4: memref<1x1x128xf32, #tpu.memory_space<vmem>>, %arg5: memref<1x10000x128xf32, #tpu.memory_space<vmem>>) attributes {dimension_semantics = [#tpu.dimension_semantics<arbitrary>], iteration_bounds = array<i64: 2>, scalar_prefetch = 0 : i64, scratch_operands = 0 : i64, tpu.core_type = #tpu.core_type<tc>, window_params = [{transform_indices = @transform_0, window_bounds = array<i64: 1, 10000, 128>}, {transform_indices = @transform_1, window_bounds = array<i64: 1, 1, 128>}, {transform_indices = @transform_2, window_bounds = array<i64: 1, 1, 128>}, {transform_indices = @transform_3, window_bounds = array<i64: 1, 1, 128>}, {transform_indices = @transform_4, window_bounds = array<i64: 1, 10000, 128>}]} {
    %get3A = arith.constant 0 : index
    %get3A_0 = arith.constant 0 : index
    %get3A_1 = arith.constant 0 : index
    %get3A_2 = vector.load %arg1[%get3A, %get3A_0, %get3A_1] : memref<1x10000x128xf32, #tpu.memory_space<vmem>>, vector<1x10000x128xf32>
    %get3A_3 = vector.shape_cast %get3A_2 : vector<1x10000x128xf32> to vector<10000x128xf32>
    %get3A_4 = arith.constant 0 : index
    %get3A_5 = arith.constant 0 : index
    %get3A_6 = arith.constant 0 : index
    %get3A_7 = vector.load %arg2[%get3A_4, %get3A_5, %get3A_6] : memref<1x1x128xf32, #tpu.memory_space<vmem>>, vector<1x1x128xf32>
    %get3A_8 = vector.shape_cast %get3A_7 : vector<1x1x128xf32> to vector<128xf32>
    %broadcast_in_dim3A = vector.shape_cast %get3A_8 : vector<128xf32> to vector<1x128xf32>
    %add3A = vector.broadcast %broadcast_in_dim3A : vector<1x128xf32> to vector<10000x128xf32>
    %add3A_9 = arith.addf %get3A_3, %add3A : vector<10000x128xf32>
    %get3A_10 = arith.constant 0 : index
    %get3A_11 = arith.constant 0 : index
    %get3A_12 = arith.constant 0 : index
    %get3A_13 = vector.load %arg3[%get3A_10, %get3A_11, %get3A_12] : memref<1x1x128xf32, #tpu.memory_space<vmem>>, vector<1x1x128xf32>
    %get3A_14 = vector.shape_cast %get3A_13 : vector<1x1x128xf32> to vector<128xf32>
    %get3A_15 = arith.constant 0 : index
    %get3A_16 = arith.constant 0 : index
    %get3A_17 = arith.constant 0 : index
    %get3A_18 = vector.load %arg4[%get3A_15, %get3A_16, %get3A_17] : memref<1x1x128xf32, #tpu.memory_space<vmem>>, vector<1x1x128xf32>
    %get3A_19 = vector.shape_cast %get3A_18 : vector<1x1x128xf32> to vector<128xf32>
    %reduce_sum3A = arith.constant dense<0.000000e+00> : vector<128xf32>
    %reduce_sum3A_20 = vector.multi_reduction <add>, %add3A_9, %reduce_sum3A [0] : vector<10000x128xf32> to vector<128xf32>
    %div3A = arith.constant 1.000000e+04 : f32
    %div3A_21 = vector.broadcast %div3A : f32 to vector<128xf32>
    %div3A_22 = arith.divf %reduce_sum3A_20, %div3A_21 : vector<128xf32>
    %jit3A = arith.constant 0 : i32
    %reduce_sum3A_23 = arith.constant dense<0.000000e+00> : vector<128xf32>
    %reduce_sum3A_24 = vector.multi_reduction <add>, %add3A_9, %reduce_sum3A_23 [0] : vector<10000x128xf32> to vector<128xf32>
    %broadcast_in_dim3A_25 = vector.shape_cast %reduce_sum3A_24 : vector<128xf32> to vector<1x128xf32>
    %div3A_26 = arith.constant 1.000000e+04 : f32
    %div3A_27 = vector.broadcast %div3A_26 : f32 to vector<1x128xf32>
    %div3A_28 = arith.divf %broadcast_in_dim3A_25, %div3A_27 : vector<1x128xf32>
    %sub3A = vector.broadcast %div3A_28 : vector<1x128xf32> to vector<10000x128xf32>
    %sub3A_29 = arith.subf %add3A_9, %sub3A : vector<10000x128xf32>
    %square3A = arith.mulf %sub3A_29, %sub3A_29 : vector<10000x128xf32>
    %convert_element_type3A = arith.sitofp %jit3A : i32 to f32
    %sub3A_30 = arith.constant 1.000000e+04 : f32
    %sub3A_31 = arith.subf %sub3A_30, %convert_element_type3A : f32
    %reduce_sum3A_32 = arith.constant dense<0.000000e+00> : vector<128xf32>
    %reduce_sum3A_33 = vector.multi_reduction <add>, %square3A, %reduce_sum3A_32 [0] : vector<10000x128xf32> to vector<128xf32>
    %div3A_34 = vector.broadcast %sub3A_31 : f32 to vector<128xf32>
    %div3A_35 = arith.divf %reduce_sum3A_33, %div3A_34 : vector<128xf32>
    %gt3A = arith.constant 0.000000e+00 : f32
    %gt3A_36 = arith.cmpf ogt, %sub3A_31, %gt3A : f32
    %jit3A_37 = arith.constant 0x7FC00000 : f32
    %broadcast_in_dim3A_38 = vector.broadcast %jit3A_37 : f32 to vector<128xf32>
    %select_n3A = arith.select %gt3A_36, %div3A_35, %broadcast_in_dim3A_38 : vector<128xf32>
    %broadcast_in_dim3A_39 = vector.shape_cast %div3A_22 : vector<128xf32> to vector<1x128xf32>
    %sub3A_40 = vector.broadcast %broadcast_in_dim3A_39 : vector<1x128xf32> to vector<10000x128xf32>
    %sub3A_41 = arith.subf %add3A_9, %sub3A_40 : vector<10000x128xf32>
    %add3A_42 = arith.constant 9.99999974E-6 : f32
    %add3A_43 = vector.broadcast %add3A_42 : f32 to vector<128xf32>
    %add3A_44 = arith.addf %select_n3A, %add3A_43 : vector<128xf32>
    %sqrt3A = math.sqrt %add3A_44 : vector<128xf32>
    %broadcast_in_dim3A_45 = vector.shape_cast %sqrt3A : vector<128xf32> to vector<1x128xf32>
    %div3A_46 = vector.broadcast %broadcast_in_dim3A_45 : vector<1x128xf32> to vector<10000x128xf32>
    %div3A_47 = arith.divf %sub3A_41, %div3A_46 : vector<10000x128xf32>
    %broadcast_in_dim3A_48 = vector.shape_cast %get3A_14 : vector<128xf32> to vector<1x128xf32>
    %mul3A = vector.broadcast %broadcast_in_dim3A_48 : vector<1x128xf32> to vector<10000x128xf32>
    %mul3A_49 = arith.mulf %div3A_47, %mul3A : vector<10000x128xf32>
    %broadcast_in_dim3A_50 = vector.shape_cast %get3A_19 : vector<128xf32> to vector<1x128xf32>
    %add3A_51 = vector.broadcast %broadcast_in_dim3A_50 : vector<1x128xf32> to vector<10000x128xf32>
    %add3A_52 = arith.addf %mul3A_49, %add3A_51 : vector<10000x128xf32>
    %gt3A_53 = arith.constant 0.000000e+00 : f32
    %gt3A_54 = vector.broadcast %gt3A_53 : f32 to vector<10000x128xf32>
    %gt3A_55 = arith.cmpf ogt, %add3A_52, %gt3A_54 : vector<10000x128xf32>
    %min3A = arith.constant 0.000000e+00 : f32
    %min3A_56 = vector.broadcast %min3A : f32 to vector<10000x128xf32>
    %min3A_57 = arith.minimumf %add3A_52, %min3A_56 : vector<10000x128xf32>
    %exp3A = math.exp %min3A_57 : vector<10000x128xf32>
    %sub3A_58 = arith.constant 1.000000e+00 : f32
    %sub3A_59 = vector.broadcast %sub3A_58 : f32 to vector<10000x128xf32>
    %sub3A_60 = arith.subf %exp3A, %sub3A_59 : vector<10000x128xf32>
    %select_n3A_61 = arith.select %gt3A_55, %add3A_52, %sub3A_60 : vector<10000x128xi1>, vector<10000x128xf32>
    %broadcast_in_dim3A_62 = vector.shape_cast %select_n3A_61 : vector<10000x128xf32> to vector<1x10000x128xf32>
    %swap3A = arith.constant 0 : index
    %swap3A_63 = arith.constant 0 : index
    %swap3A_64 = arith.constant 0 : index
    %swap3A_65 = vector.load %arg5[%swap3A, %swap3A_63, %swap3A_64] : memref<1x10000x128xf32, #tpu.memory_space<vmem>>, vector<1x10000x128xf32>
    tpu.vector_store %arg5[%swap3A, %swap3A_63, %swap3A_64], %broadcast_in_dim3A_62 {strides = array<i32>} : memref<1x10000x128xf32, #tpu.memory_space<vmem>>, vector<1x10000x128xf32>,
    return
  }
  func.func @transform_0(%arg0: i32) -> (i32, i32, i32) {
    %c0_i32 = arith.constant 0 : i32
    %c0_i32_0 = arith.constant 0 : i32
    %c0_i32_1 = arith.constant 0 : i32
    return %arg0, %c0_i32, %c0_i32_0 : i32, i32, i32
  }
  func.func @transform_1(%arg0: i32) -> (i32, i32, i32) {
    %c0_i32 = arith.constant 0 : i32
    %c0_i32_0 = arith.constant 0 : i32
    %c0_i32_1 = arith.constant 0 : i32
    return %arg0, %c0_i32, %c0_i32_0 : i32, i32, i32
  }
  func.func @transform_2(%arg0: i32) -> (i32, i32, i32) {
    %c0_i32 = arith.constant 0 : i32
    %c0_i32_0 = arith.constant 0 : i32
    %c0_i32_1 = arith.constant 0 : i32
    return %arg0, %c0_i32, %c0_i32_0 : i32, i32, i32
  }
  func.func @transform_3(%arg0: i32) -> (i32, i32, i32) {
    %c0_i32 = arith.constant 0 : i32
    %c0_i32_0 = arith.constant 0 : i32
    %c0_i32_1 = arith.constant 0 : i32
    return %arg0, %c0_i32, %c0_i32_0 : i32, i32, i32
  }
  func.func @transform_4(%arg0: i32) -> (i32, i32, i32) {
    %c0_i32 = arith.constant 0 : i32
    %c0_i32_0 = arith.constant 0 : i32
    %c0_i32_1 = arith.constant 0 : i32
    return %arg0, %c0_i32, %c0_i32_0 : i32, i32, i32
  }
}

module attributes {stable_mosaic.version = 14 : i64} {
  func.func @body(%arg0: memref<2x10000x128xf32, #tpu.memory_space<vmem>>, %arg1: memref<10000x16xf32, #tpu.memory_space<vmem>>, %arg2: memref<2x10000x128xf32, #tpu.memory_space<vmem>>, %arg3: memref<128x64xf32, #tpu.memory_space<vmem>>, %arg4: memref<128x64xf32, #tpu.memory_space<vmem>>, %arg5: memref<128x64xf32, #tpu.memory_space<vmem>>, %arg6: memref<128x64xf32, #tpu.memory_space<vmem>>, %arg7: memref<1x64xf32, #tpu.memory_space<vmem>>, %arg8: memref<1x64xf32, #tpu.memory_space<vmem>>, %arg9: memref<1x64xf32, #tpu.memory_space<vmem>>, %arg10: memref<64x32xf32, #tpu.memory_space<vmem>>, %arg11: memref<1x32xf32, #tpu.memory_space<vmem>>, %arg12: memref<1x32xf32, #tpu.memory_space<vmem>>, %arg13: memref<1x32xf32, #tpu.memory_space<vmem>>, %arg14: memref<32x2xf32, #tpu.memory_space<vmem>>, %arg15: memref<1x2xf32, #tpu.memory_space<vmem>>, %arg16: memref<10000x2xf32, #tpu.memory_space<vmem>>) attributes {dimension_semantics = [], scalar_prefetch = 0 : i64, scratch_operands = 0 : i64, tpu.core_type = #tpu.core_type<tc>} {
    %get3A = arith.constant 0 : index
    %get3A_0 = arith.constant 0 : index
    %get3A_1 = vector.load %arg1[%get3A, %get3A_0] : memref<10000x16xf32, #tpu.memory_space<vmem>>, vector<10000x1xf32>
    %jit3A = arith.constant 1.000000e+00 : f32
    %max3A = vector.broadcast %jit3A : f32 to vector<10000x1xf32>
    %max3A_2 = arith.maximumf %max3A, %get3A_1 : vector<10000x1xf32>
    %get3A_3 = arith.constant 0 : index
    %get3A_4 = arith.constant 0 : index
    %get3A_5 = arith.constant 0 : index
    %get3A_6 = vector.load %arg0[%get3A_3, %get3A_4, %get3A_5] : memref<2x10000x128xf32, #tpu.memory_space<vmem>>, vector<1x10000x128xf32>
    %get3A_7 = vector.shape_cast %get3A_6 : vector<1x10000x128xf32> to vector<10000x128xf32>
    %div3A = vector.broadcast %max3A_2 : vector<10000x1xf32> to vector<10000x128xf32>
    %div3A_8 = arith.divf %get3A_7, %div3A : vector<10000x128xf32>
    %get3A_9 = arith.constant 0 : index
    %get3A_10 = arith.constant 0 : index
    %get3A_11 = vector.load %arg3[%get3A_9, %get3A_10] : memref<128x64xf32, #tpu.memory_space<vmem>>, vector<128x64xf32>
    %dot_general3A = arith.constant dense<0.000000e+00> : vector<10000x64xf32>
    %dot_general3A_12 = tpu.matmul %div3A_8, %get3A_11, %dot_general3A {dimension_numbers = #tpu.dot_dimension_numbers<[1], [0], [0], [1], [0, 0, 1, 1], [], []>, transpose_lhs_hint = false} : vector<10000x128xf32>, vector<128x64xf32>, vector<10000x64xf32> -> vector<10000x64xf32>
    %get3A_13 = arith.constant 1 : index
    %get3A_14 = arith.constant 0 : index
    %get3A_15 = arith.constant 0 : index
    %get3A_16 = vector.load %arg0[%get3A_13, %get3A_14, %get3A_15] : memref<2x10000x128xf32, #tpu.memory_space<vmem>>, vector<1x10000x128xf32>
    %get3A_17 = vector.shape_cast %get3A_16 : vector<1x10000x128xf32> to vector<10000x128xf32>
    %div3A_18 = vector.broadcast %max3A_2 : vector<10000x1xf32> to vector<10000x128xf32>
    %div3A_19 = arith.divf %get3A_17, %div3A_18 : vector<10000x128xf32>
    %get3A_20 = arith.constant 0 : index
    %get3A_21 = arith.constant 0 : index
    %get3A_22 = vector.load %arg4[%get3A_20, %get3A_21] : memref<128x64xf32, #tpu.memory_space<vmem>>, vector<128x64xf32>
    %dot_general3A_23 = arith.constant dense<0.000000e+00> : vector<10000x64xf32>
    %dot_general3A_24 = tpu.matmul %div3A_19, %get3A_22, %dot_general3A_23 {dimension_numbers = #tpu.dot_dimension_numbers<[1], [0], [0], [1], [0, 0, 1, 1], [], []>, transpose_lhs_hint = false} : vector<10000x128xf32>, vector<128x64xf32>, vector<10000x64xf32> -> vector<10000x64xf32>
    %add3A = arith.addf %dot_general3A_12, %dot_general3A_24 : vector<10000x64xf32>
    %get3A_25 = arith.constant 0 : index
    %get3A_26 = arith.constant 0 : index
    %get3A_27 = arith.constant 0 : index
    %get3A_28 = vector.load %arg2[%get3A_25, %get3A_26, %get3A_27] : memref<2x10000x128xf32, #tpu.memory_space<vmem>>, vector<1x10000x128xf32>
    %get3A_29 = vector.shape_cast %get3A_28 : vector<1x10000x128xf32> to vector<10000x128xf32>
    %get3A_30 = arith.constant 0 : index
    %get3A_31 = arith.constant 0 : index
    %get3A_32 = vector.load %arg5[%get3A_30, %get3A_31] : memref<128x64xf32, #tpu.memory_space<vmem>>, vector<128x64xf32>
    %dot_general3A_33 = arith.constant dense<0.000000e+00> : vector<10000x64xf32>
    %dot_general3A_34 = tpu.matmul %get3A_29, %get3A_32, %dot_general3A_33 {dimension_numbers = #tpu.dot_dimension_numbers<[1], [0], [0], [1], [0, 0, 1, 1], [], []>, transpose_lhs_hint = false} : vector<10000x128xf32>, vector<128x64xf32>, vector<10000x64xf32> -> vector<10000x64xf32>
    %add3A_35 = arith.addf %add3A, %dot_general3A_34 : vector<10000x64xf32>
    %get3A_36 = arith.constant 1 : index
    %get3A_37 = arith.constant 0 : index
    %get3A_38 = arith.constant 0 : index
    %get3A_39 = vector.load %arg2[%get3A_36, %get3A_37, %get3A_38] : memref<2x10000x128xf32, #tpu.memory_space<vmem>>, vector<1x10000x128xf32>
    %get3A_40 = vector.shape_cast %get3A_39 : vector<1x10000x128xf32> to vector<10000x128xf32>
    %get3A_41 = arith.constant 0 : index
    %get3A_42 = arith.constant 0 : index
    %get3A_43 = vector.load %arg6[%get3A_41, %get3A_42] : memref<128x64xf32, #tpu.memory_space<vmem>>, vector<128x64xf32>
    %dot_general3A_44 = arith.constant dense<0.000000e+00> : vector<10000x64xf32>
    %dot_general3A_45 = tpu.matmul %get3A_40, %get3A_43, %dot_general3A_44 {dimension_numbers = #tpu.dot_dimension_numbers<[1], [0], [0], [1], [0, 0, 1, 1], [], []>, transpose_lhs_hint = false} : vector<10000x128xf32>, vector<128x64xf32>, vector<10000x64xf32> -> vector<10000x64xf32>
    %add3A_46 = arith.addf %add3A_35, %dot_general3A_45 : vector<10000x64xf32>
    %get3A_47 = arith.constant 0 : index
    %get3A_48 = arith.constant 0 : index
    %get3A_49 = vector.load %arg7[%get3A_47, %get3A_48] : memref<1x64xf32, #tpu.memory_space<vmem>>, vector<1x64xf32>
    %get3A_50 = vector.shape_cast %get3A_49 : vector<1x64xf32> to vector<64xf32>
    %broadcast_in_dim3A = vector.shape_cast %get3A_50 : vector<64xf32> to vector<1x64xf32>
    %add3A_51 = vector.broadcast %broadcast_in_dim3A : vector<1x64xf32> to vector<10000x64xf32>
    %add3A_52 = arith.addf %add3A_46, %add3A_51 : vector<10000x64xf32>
    %get3A_53 = arith.constant 0 : index
    %get3A_54 = arith.constant 0 : index
    %get3A_55 = vector.load %arg8[%get3A_53, %get3A_54] : memref<1x64xf32, #tpu.memory_space<vmem>>, vector<1x64xf32>
    %get3A_56 = vector.shape_cast %get3A_55 : vector<1x64xf32> to vector<64xf32>
    %get3A_57 = arith.constant 0 : index
    %get3A_58 = arith.constant 0 : index
    %get3A_59 = vector.load %arg9[%get3A_57, %get3A_58] : memref<1x64xf32, #tpu.memory_space<vmem>>, vector<1x64xf32>
    %get3A_60 = vector.shape_cast %get3A_59 : vector<1x64xf32> to vector<64xf32>
    %reduce_sum3A = arith.constant dense<0.000000e+00> : vector<64xf32>
    %reduce_sum3A_61 = vector.multi_reduction <add>, %add3A_52, %reduce_sum3A [0] : vector<10000x64xf32> to vector<64xf32>
    %div3A_62 = arith.constant 1.000000e+04 : f32
    %div3A_63 = vector.broadcast %div3A_62 : f32 to vector<64xf32>
    %div3A_64 = arith.divf %reduce_sum3A_61, %div3A_63 : vector<64xf32>
    %jit3A_65 = arith.constant 0 : i32
    %reduce_sum3A_66 = arith.constant dense<0.000000e+00> : vector<64xf32>
    %reduce_sum3A_67 = vector.multi_reduction <add>, %add3A_52, %reduce_sum3A_66 [0] : vector<10000x64xf32> to vector<64xf32>
    %broadcast_in_dim3A_68 = vector.shape_cast %reduce_sum3A_67 : vector<64xf32> to vector<1x64xf32>
    %div3A_69 = arith.constant 1.000000e+04 : f32
    %div3A_70 = vector.broadcast %div3A_69 : f32 to vector<1x64xf32>
    %div3A_71 = arith.divf %broadcast_in_dim3A_68, %div3A_70 : vector<1x64xf32>
    %sub3A = vector.broadcast %div3A_71 : vector<1x64xf32> to vector<10000x64xf32>
    %sub3A_72 = arith.subf %add3A_52, %sub3A : vector<10000x64xf32>
    %square3A = arith.mulf %sub3A_72, %sub3A_72 : vector<10000x64xf32>
    %convert_element_type3A = arith.sitofp %jit3A_65 : i32 to f32
    %sub3A_73 = arith.constant 1.000000e+04 : f32
    %sub3A_74 = arith.subf %sub3A_73, %convert_element_type3A : f32
    %reduce_sum3A_75 = arith.constant dense<0.000000e+00> : vector<64xf32>
    %reduce_sum3A_76 = vector.multi_reduction <add>, %square3A, %reduce_sum3A_75 [0] : vector<10000x64xf32> to vector<64xf32>
    %div3A_77 = vector.broadcast %sub3A_74 : f32 to vector<64xf32>
    %div3A_78 = arith.divf %reduce_sum3A_76, %div3A_77 : vector<64xf32>
    %gt3A = arith.constant 0.000000e+00 : f32
    %gt3A_79 = arith.cmpf ogt, %sub3A_74, %gt3A : f32
    %jit3A_80 = arith.constant 0x7FC00000 : f32
    %broadcast_in_dim3A_81 = vector.broadcast %jit3A_80 : f32 to vector<64xf32>
    %select_n3A = arith.select %gt3A_79, %div3A_78, %broadcast_in_dim3A_81 : vector<64xf32>
    %broadcast_in_dim3A_82 = vector.shape_cast %div3A_64 : vector<64xf32> to vector<1x64xf32>
    %sub3A_83 = vector.broadcast %broadcast_in_dim3A_82 : vector<1x64xf32> to vector<10000x64xf32>
    %sub3A_84 = arith.subf %add3A_52, %sub3A_83 : vector<10000x64xf32>
    %add3A_85 = arith.constant 9.99999974E-6 : f32
    %add3A_86 = vector.broadcast %add3A_85 : f32 to vector<64xf32>
    %add3A_87 = arith.addf %select_n3A, %add3A_86 : vector<64xf32>
    %sqrt3A = math.sqrt %add3A_87 : vector<64xf32>
    %broadcast_in_dim3A_88 = vector.shape_cast %sqrt3A : vector<64xf32> to vector<1x64xf32>
    %div3A_89 = vector.broadcast %broadcast_in_dim3A_88 : vector<1x64xf32> to vector<10000x64xf32>
    %div3A_90 = arith.divf %sub3A_84, %div3A_89 : vector<10000x64xf32>
    %broadcast_in_dim3A_91 = vector.shape_cast %get3A_56 : vector<64xf32> to vector<1x64xf32>
    %mul3A = vector.broadcast %broadcast_in_dim3A_91 : vector<1x64xf32> to vector<10000x64xf32>
    %mul3A_92 = arith.mulf %div3A_90, %mul3A : vector<10000x64xf32>
    %broadcast_in_dim3A_93 = vector.shape_cast %get3A_60 : vector<64xf32> to vector<1x64xf32>
    %add3A_94 = vector.broadcast %broadcast_in_dim3A_93 : vector<1x64xf32> to vector<10000x64xf32>
    %add3A_95 = arith.addf %mul3A_92, %add3A_94 : vector<10000x64xf32>
    %gt3A_96 = arith.constant 0.000000e+00 : f32
    %gt3A_97 = vector.broadcast %gt3A_96 : f32 to vector<10000x64xf32>
    %gt3A_98 = arith.cmpf ogt, %add3A_95, %gt3A_97 : vector<10000x64xf32>
    %min3A = arith.constant 0.000000e+00 : f32
    %min3A_99 = vector.broadcast %min3A : f32 to vector<10000x64xf32>
    %min3A_100 = arith.minimumf %add3A_95, %min3A_99 : vector<10000x64xf32>
    %exp3A = math.exp %min3A_100 : vector<10000x64xf32>
    %sub3A_101 = arith.constant 1.000000e+00 : f32
    %sub3A_102 = vector.broadcast %sub3A_101 : f32 to vector<10000x64xf32>
    %sub3A_103 = arith.subf %exp3A, %sub3A_102 : vector<10000x64xf32>
    %select_n3A_104 = arith.select %gt3A_98, %add3A_95, %sub3A_103 : vector<10000x64xi1>, vector<10000x64xf32>
    %get3A_105 = arith.constant 0 : index
    %get3A_106 = arith.constant 0 : index
    %get3A_107 = vector.load %arg10[%get3A_105, %get3A_106] : memref<64x32xf32, #tpu.memory_space<vmem>>, vector<64x32xf32>
    %dot_general3A_108 = arith.constant dense<0.000000e+00> : vector<10000x32xf32>
    %dot_general3A_109 = tpu.matmul %select_n3A_104, %get3A_107, %dot_general3A_108 {dimension_numbers = #tpu.dot_dimension_numbers<[1], [0], [0], [1], [0, 0, 1, 1], [], []>, transpose_lhs_hint = false} : vector<10000x64xf32>, vector<64x32xf32>, vector<10000x32xf32> -> vector<10000x32xf32>
    %get3A_110 = arith.constant 0 : index
    %get3A_111 = arith.constant 0 : index
    %get3A_112 = vector.load %arg11[%get3A_110, %get3A_111] : memref<1x32xf32, #tpu.memory_space<vmem>>, vector<1x32xf32>
    %get3A_113 = vector.shape_cast %get3A_112 : vector<1x32xf32> to vector<32xf32>
    %broadcast_in_dim3A_114 = vector.shape_cast %get3A_113 : vector<32xf32> to vector<1x32xf32>
    %add3A_115 = vector.broadcast %broadcast_in_dim3A_114 : vector<1x32xf32> to vector<10000x32xf32>
    %add3A_116 = arith.addf %dot_general3A_109, %add3A_115 : vector<10000x32xf32>
    %get3A_117 = arith.constant 0 : index
    %get3A_118 = arith.constant 0 : index
    %get3A_119 = vector.load %arg12[%get3A_117, %get3A_118] : memref<1x32xf32, #tpu.memory_space<vmem>>, vector<1x32xf32>
    %get3A_120 = vector.shape_cast %get3A_119 : vector<1x32xf32> to vector<32xf32>
    %get3A_121 = arith.constant 0 : index
    %get3A_122 = arith.constant 0 : index
    %get3A_123 = vector.load %arg13[%get3A_121, %get3A_122] : memref<1x32xf32, #tpu.memory_space<vmem>>, vector<1x32xf32>
    %get3A_124 = vector.shape_cast %get3A_123 : vector<1x32xf32> to vector<32xf32>
    %reduce_sum3A_125 = arith.constant dense<0.000000e+00> : vector<32xf32>
    %reduce_sum3A_126 = vector.multi_reduction <add>, %add3A_116, %reduce_sum3A_125 [0] : vector<10000x32xf32> to vector<32xf32>
    %div3A_127 = arith.constant 1.000000e+04 : f32
    %div3A_128 = vector.broadcast %div3A_127 : f32 to vector<32xf32>
    %div3A_129 = arith.divf %reduce_sum3A_126, %div3A_128 : vector<32xf32>
    %jit3A_130 = arith.constant 0 : i32
    %reduce_sum3A_131 = arith.constant dense<0.000000e+00> : vector<32xf32>
    %reduce_sum3A_132 = vector.multi_reduction <add>, %add3A_116, %reduce_sum3A_131 [0] : vector<10000x32xf32> to vector<32xf32>
    %broadcast_in_dim3A_133 = vector.shape_cast %reduce_sum3A_132 : vector<32xf32> to vector<1x32xf32>
    %div3A_134 = arith.constant 1.000000e+04 : f32
    %div3A_135 = vector.broadcast %div3A_134 : f32 to vector<1x32xf32>
    %div3A_136 = arith.divf %broadcast_in_dim3A_133, %div3A_135 : vector<1x32xf32>
    %sub3A_137 = vector.broadcast %div3A_136 : vector<1x32xf32> to vector<10000x32xf32>
    %sub3A_138 = arith.subf %add3A_116, %sub3A_137 : vector<10000x32xf32>
    %square3A_139 = arith.mulf %sub3A_138, %sub3A_138 : vector<10000x32xf32>
    %convert_element_type3A_140 = arith.sitofp %jit3A_130 : i32 to f32
    %sub3A_141 = arith.constant 1.000000e+04 : f32
    %sub3A_142 = arith.subf %sub3A_141, %convert_element_type3A_140 : f32
    %reduce_sum3A_143 = arith.constant dense<0.000000e+00> : vector<32xf32>
    %reduce_sum3A_144 = vector.multi_reduction <add>, %square3A_139, %reduce_sum3A_143 [0] : vector<10000x32xf32> to vector<32xf32>
    %div3A_145 = vector.broadcast %sub3A_142 : f32 to vector<32xf32>
    %div3A_146 = arith.divf %reduce_sum3A_144, %div3A_145 : vector<32xf32>
    %gt3A_147 = arith.constant 0.000000e+00 : f32
    %gt3A_148 = arith.cmpf ogt, %sub3A_142, %gt3A_147 : f32
    %jit3A_149 = arith.constant 0x7FC00000 : f32
    %broadcast_in_dim3A_150 = vector.broadcast %jit3A_149 : f32 to vector<32xf32>
    %select_n3A_151 = arith.select %gt3A_148, %div3A_146, %broadcast_in_dim3A_150 : vector<32xf32>
    %broadcast_in_dim3A_152 = vector.shape_cast %div3A_129 : vector<32xf32> to vector<1x32xf32>
    %sub3A_153 = vector.broadcast %broadcast_in_dim3A_152 : vector<1x32xf32> to vector<10000x32xf32>
    %sub3A_154 = arith.subf %add3A_116, %sub3A_153 : vector<10000x32xf32>
    %add3A_155 = arith.constant 9.99999974E-6 : f32
    %add3A_156 = vector.broadcast %add3A_155 : f32 to vector<32xf32>
    %add3A_157 = arith.addf %select_n3A_151, %add3A_156 : vector<32xf32>
    %sqrt3A_158 = math.sqrt %add3A_157 : vector<32xf32>
    %broadcast_in_dim3A_159 = vector.shape_cast %sqrt3A_158 : vector<32xf32> to vector<1x32xf32>
    %div3A_160 = vector.broadcast %broadcast_in_dim3A_159 : vector<1x32xf32> to vector<10000x32xf32>
    %div3A_161 = arith.divf %sub3A_154, %div3A_160 : vector<10000x32xf32>
    %broadcast_in_dim3A_162 = vector.shape_cast %get3A_120 : vector<32xf32> to vector<1x32xf32>
    %mul3A_163 = vector.broadcast %broadcast_in_dim3A_162 : vector<1x32xf32> to vector<10000x32xf32>
    %mul3A_164 = arith.mulf %div3A_161, %mul3A_163 : vector<10000x32xf32>
    %broadcast_in_dim3A_165 = vector.shape_cast %get3A_124 : vector<32xf32> to vector<1x32xf32>
    %add3A_166 = vector.broadcast %broadcast_in_dim3A_165 : vector<1x32xf32> to vector<10000x32xf32>
    %add3A_167 = arith.addf %mul3A_164, %add3A_166 : vector<10000x32xf32>
    %gt3A_168 = arith.constant 0.000000e+00 : f32
    %gt3A_169 = vector.broadcast %gt3A_168 : f32 to vector<10000x32xf32>
    %gt3A_170 = arith.cmpf ogt, %add3A_167, %gt3A_169 : vector<10000x32xf32>
    %min3A_171 = arith.constant 0.000000e+00 : f32
    %min3A_172 = vector.broadcast %min3A_171 : f32 to vector<10000x32xf32>
    %min3A_173 = arith.minimumf %add3A_167, %min3A_172 : vector<10000x32xf32>
    %exp3A_174 = math.exp %min3A_173 : vector<10000x32xf32>
    %sub3A_175 = arith.constant 1.000000e+00 : f32
    %sub3A_176 = vector.broadcast %sub3A_175 : f32 to vector<10000x32xf32>
    %sub3A_177 = arith.subf %exp3A_174, %sub3A_176 : vector<10000x32xf32>
    %select_n3A_178 = arith.select %gt3A_170, %add3A_167, %sub3A_177 : vector<10000x32xi1>, vector<10000x32xf32>
    %get3A_179 = arith.constant 0 : index
    %get3A_180 = arith.constant 0 : index
    %get3A_181 = vector.load %arg14[%get3A_179, %get3A_180] : memref<32x2xf32, #tpu.memory_space<vmem>>, vector<32x2xf32>
    %dot_general3A_182 = arith.constant dense<0.000000e+00> : vector<10000x2xf32>
    %dot_general3A_183 = tpu.matmul %select_n3A_178, %get3A_181, %dot_general3A_182 {dimension_numbers = #tpu.dot_dimension_numbers<[1], [0], [0], [1], [0, 0, 1, 1], [], []>, transpose_lhs_hint = false} : vector<10000x32xf32>, vector<32x2xf32>, vector<10000x2xf32> -> vector<10000x2xf32>
    %get3A_184 = arith.constant 0 : index
    %get3A_185 = arith.constant 0 : index
    %get3A_186 = vector.load %arg15[%get3A_184, %get3A_185] : memref<1x2xf32, #tpu.memory_space<vmem>>, vector<1x2xf32>
    %get3A_187 = vector.shape_cast %get3A_186 : vector<1x2xf32> to vector<2xf32>
    %broadcast_in_dim3A_188 = vector.shape_cast %get3A_187 : vector<2xf32> to vector<1x2xf32>
    %add3A_189 = vector.broadcast %broadcast_in_dim3A_188 : vector<1x2xf32> to vector<10000x2xf32>
    %add3A_190 = arith.addf %dot_general3A_183, %add3A_189 : vector<10000x2xf32>
    %swap3A = arith.constant 0 : index
    %swap3A_191 = arith.constant 0 : index
    %swap3A_192 = vector.load %arg16[%swap3A, %swap3A_191] : memref<10000x2xf32, #tpu.memory_space<vmem>>, vector<10000x2xf32>
    tpu.vector_store %arg16[%swap3A, %swap3A_191], %add3A_190 {strides = array<i32>} : memref<10000x2xf32, #tpu.memory_space<vmem>>, vector<10000x2xf32>,
    return
  }
}

</mosaic_0001>

<sc_bundles>
// kernel: kernel.15.cloned.1.call-start
scs
__scs_entry_jumppad:
0x0: {  	(pc) =	sbr.rel $0x88, $3  }
0x1: {  	(tag) =	ssettag $0x0;
	lr =	simm.s32 $0x1  }
0x2: {  	[smem:$0x3F87] =	sst lr;
	_ =	strace $0xD0000000  }
0x3: {  	_ = 	snop  }
0x4: {  	_ = 	snop  }
0x5: {  	_ = 	snop  }
0x6: {  	_ = 	snop  }
0x7: {  	_ = 	snop  }
__scs_overlays_trampoline_lowered:
0x8: {  	[smem:$0x3F96] =	sst s0  }
0x9: {  	[smem:$0x3F97] =	sst s1  }
0xa: {  	[smem:$0x3F98] =	sst s2  }
0xb: {  	[smem:$0x3F99] =	sst s3  }
0xc: {  	[smem:$0x3F9A] =	sst s4  }
0xd: {  	[smem:$0x3F9B] =	sst s5  }
0xe: {  	[smem:$0x3F9C] =	sst s6  }
0xf: {  	[smem:$0x3F9D] =	sst s7  }
0x10: {  	[smem:$0x3F9E] =	sst s8  }
0x11: {  	[smem:$0x3F9F] =	sst s9;
	s0 =	simm.s32 @!p0 $0x0  }
0x12: {  	s1 =	sld [smem:$0x3F85];
	s0 =	simm.s32 @p0 $0x1  }
0x13: {  	[smem:$0x3FA0] =	sst s0;
	s0 =	simm.s32 @!p1 $0x0  }
0x14: {  	s2 =	sld [smem:$0x3F84];
	s0 =	simm.s32 @p1 $0x1  }
0x15: {  	[smem:$0x3FA1] =	sst s0;
	s0 =	simm.s32 @!p2 $0x0  }
0x16: {  	s3 =	sld [smem:$0x3FDB];
	s0 =	simm.s32 @p2 $0x1  }
0x17: {  	s4 =	simm.s32 $0x1BF5;
	[smem:$0x3FA3] =	sst s0  }
0x18: {  	s0 =	sld [smem:$0x3F86];
	_ =	swait.ge [sflag:s4], $0x0  }
0x19: {  	s7 =	sld [smem:$0x3F87]  }
0x1a: {  	s8 =	sadd.s32 $0xFFFFE003, lr  }
0x1b: {  	s9 =	sadd.s32 $0xFFFFFEF7, lr;
	s5 =	simm.s32 $0xFFFFFFFF;
	p2 =	slt.u32 s8, $0xFFFFF086  }
0x1c: {  	p1 =	slt.u32 s9, $0xF7A;
	s5 =	simm.s32 @!p2 $0x0  }
0x1d: {  	s5 =	simm.s32 @p1 $0x1;
	p0 =	seq.s32 s7, s2  }
0x1e: {  	s7 =	smul.u32 @!p0 $0xF7A, s2;
	p2 =	seq.s32 @!p0 s5, $0x0  }
0x1f: {  	s9 =	smul.u32 $0xF7A, s1;
	s8 =	simm.s32 @!p0 $0x1BF5;
	p2 =	por !p2, p0  }
0x20: {  	[sflag:s8] =	ssyncset.s32 @!p0 $0xFFFFF086;
	s6 =	sadd.s32 @!p0 s3, s7;
	s7 =	simm.s32 @!p0 $0x108  }
0x21: {  	s3 =	sadd.s32 s3, s9;
	s6 =	sadd.s32 @!p0 $0x88, s6;
	s7 =	simm.s32 @p2 $0x1082  }
0x22: {  	[simem:s7], [sflag:s8] =	dma.local @!p0 [hbm:s6], $0xF7A  }
0x23: {  	s9 =	sor.u32 $0xD0000000, s2;
	s6 =	simm.s32 $0x108;
	_ =	swait.ge @!p0 [sflag:s8], $0x0  }
0x24: {  	s3 =	sadd.s32 $0x88, s3;
	s6 =	simm.s32 @!p1 $0x1082;
	[sflag:s4] =	ssyncset.s32 $0xFFFFF086  }
0x25: {  	[simem:s6], [sflag:s4] =	dma.local [hbm:s3], $0xF7A  }
0x26: {  	[smem:$0x3F87] =	sst s1;
	(tag) =	ssettag s2;
	_ =	strace s9  }
0x27: {  	s1 =	sld [smem:$0x3F97]  }
0x28: {  	s2 =	sld [smem:$0x3F98]  }
0x29: {  	s4 =	sld [smem:$0x3F9A]  }
0x2a: {  	p0 =	seq.s32 s5, $0x0;
	s5 =	sld [smem:$0x3F9B]  }
0x2b: {  	s6 =	sld [smem:$0x3F9C]  }
0x2c: {  	s7 =	sld [smem:$0x3F9D]  }
0x2d: {  	s3 =	simm.s32 $0x108;
	s8 =	sld [smem:$0x3F9E]  }
0x2e: {  	s3 =	simm.s32 @!p0 $0x1082;
	s9 =	sld [smem:$0x3F9F]  }
0x2f: {  	lr =	sadd.s32 s0, s3;
	s0 =	sld [smem:$0x3F96]  }
0x30: {  	s3 =	sld [smem:$0x3F99]  }
0x31: {  	[smem:$0x3FA2] =	sst s10  }
0x32: {  	s10 =	sld [smem:$0x3FA0];
	_ =	sdelay $0x3  }
0x33: {  	p0 =	seq.s32 s10, $0x1;
	s10 =	sld [smem:$0x3FA2];
	_ =	sdelay $0x3  }
0x34: {  	[smem:$0x3FA2] =	sst s10  }
0x35: {  	s10 =	sld [smem:$0x3FA1];
	_ =	sdelay $0x3  }
0x36: {  	p1 =	seq.s32 s10, $0x1;
	s10 =	sld [smem:$0x3FA2];
	_ =	sdelay $0x3  }
0x37: {  	[smem:$0x3FA2] =	sst s10  }
0x38: {  	s10 =	sld [smem:$0x3FA3]  }
0x39: {  	_ = 	snop;
	(pc) =	sbr.ind lr, $3  }
0x3a: {  	_ = 	snop  }
0x3b: {  	_ = 	snop  }
0x3c: {  	p2 =	seq.s32 s10, $0x1;
	s10 =	sld [smem:$0x3FA2]  }
0x3d: {  	_ =	shalt  }
0x3e: {  	_ =	shalt  }
0x3f: {  	_ =	shalt  }
0x40: {  	_ =	shalt  }
0x41: {  	_ =	shalt  }
0x42: {  	_ =	shalt  }
0x43: {  	_ =	shalt  }
0x44: {  	_ =	shalt  }
0x45: {  	_ =	shalt  }
0x46: {  	_ =	shalt  }
0x47: {  	_ =	shalt  }
0x48: {  	_ =	shalt  }
0x49: {  	_ =	shalt  }
0x4a: {  	_ =	shalt  }
0x4b: {  	_ =	shalt  }
0x4c: {  	_ =	shalt  }
0x4d: {  	_ =	shalt  }
0x4e: {  	_ =	shalt  }
0x4f: {  	_ =	shalt  }
0x50: {  	_ =	shalt  }
0x51: {  	_ =	shalt  }
0x52: {  	_ =	shalt  }
0x53: {  	_ =	shalt  }
0x54: {  	_ =	shalt  }
0x55: {  	_ =	shalt  }
0x56: {  	_ =	shalt  }
0x57: {  	_ =	shalt  }
0x58: {  	_ =	shalt  }
0x59: {  	_ =	shalt  }
0x5a: {  	_ =	shalt  }
0x5b: {  	_ =	shalt  }
0x5c: {  	_ =	shalt  }
0x5d: {  	_ =	shalt  }
0x5e: {  	_ =	shalt  }
0x5f: {  	_ =	shalt  }
0x60: {  	_ =	shalt  }
0x61: {  	_ =	shalt  }
0x62: {  	_ =	shalt  }
0x63: {  	_ =	shalt  }
0x64: {  	_ =	shalt  }
0x65: {  	_ =	shalt  }
0x66: {  	_ =	shalt  }
0x67: {  	_ =	shalt  }
0x68: {  	_ =	shalt  }
0x69: {  	_ =	shalt  }
0x6a: {  	_ =	shalt  }
0x6b: {  	_ =	shalt  }
0x6c: {  	_ =	shalt  }
0x6d: {  	_ =	shalt  }
0x6e: {  	_ =	shalt  }
0x6f: {  	_ =	shalt  }
0x70: {  	_ =	shalt  }
0x71: {  	_ =	shalt  }
0x72: {  	_ =	shalt  }
0x73: {  	_ =	shalt  }
0x74: {  	_ =	shalt  }
0x75: {  	_ =	shalt  }
0x76: {  	_ =	shalt  }
0x77: {  	_ =	shalt  }
0x78: {  	_ =	shalt  }
0x79: {  	_ =	shalt  }
0x7a: {  	_ =	shalt  }
0x7b: {  	_ =	shalt  }
0x7c: {  	_ =	shalt  }
0x7d: {  	_ =	shalt  }
0x7e: {  	_ =	shalt  }
0x7f: {  	_ =	shalt  }
0x80: {  	_ =	shalt  }
0x81: {  	_ =	shalt  }
0x82: {  	_ =	shalt  }
0x83: {  	_ =	shalt  }
0x84: {  	_ =	shalt  }
0x85: {  	_ =	shalt  }
0x86: {  	_ =	shalt  }
0x87: {  	_ =	shalt  }
.Lfunc_end0:
.L_simem_size_0:
called_computation_lowered:
.L_overlay_start_0:
0x88: {  	s2 =	sld [smem:$0x3FD9]  }
0x89: {  	s3 =	sld [smem:$0x3FFE];
	_ =	sdelay $0x1  }
0x8a: {  	s1 =	srdreg.scid  }
0x8b: {  	s0 =	sand.u32 $0x1, s1  }
0x8c: {  	s17 =	sshll.u32 s0, $0xA;
	s2 =	sadd.s32 s3, s2  }
0x8d: {  	s2 =	sadd.s32 s2, s17  }
0x8e: {  	[smem:$0x3FAE] =	sst s2  }
0x8f: {  	_ = 	snop  }
0x90: {  	s2 =	sld [smem:$0x3FD0];
	(tm) =	ssettm $0x1  }
0x91: {  	s18 =	sld [smem:$0x3FFB];
	_ =	sdelay $0x3  }
0x92: {  	_ =	strace s18  }
0x93: {  	s3 =	sld [smem:$0x3FFC];
	_ =	sdelay $0x3  }
0x94: {  	_ =	strace s3  }
0x95: {  	s3 =	sld [smem:$0x3FFD];
	_ =	sdelay $0x3  }
0x96: {  	_ =	strace s3  }
0x97: {  	_ =	strace $0x8FFFFFFF  }
0x98: {  	s19 =	sld [smem:$0x3FDB];
	_ =	sdelay $0x1  }
0x99: {  	s4 =	simm.s32 $_scs_section_size  }
0x9a: {  	s5 =	simm.s32 $_size__tile_overlayer_lowered;
	s6 =	simm.s32 $_tile_overlayer_lowered  }
0x9b: {  	s22 =	simm.s32 $0x1BFF;
	s21 =	sshll.u32 s6, $0x1;
	s3 =	sadd.s32 s4, s19  }
0x9c: {  	s7 =	simm.s32 $0x0;
	s20 =	sshll.u32 s5, $0x1;
	s5 =	sadd.s32 s21, s3  }
0x9d: {  	[timem:s7], [sflag:s22] =	dma.local [hbm:s5], s20  }
0x9e: {  	_ =	swait.ge [sflag:s22], s20  }
0x9f: {  	s4 =	ssub.s32 $0x0, s20;
	[sflag:s22] =	ssyncset.done $0x0  }
0xa0: {  	[sflag:s22] =	ssyncadd.s32 s4;
	_ =	sdelay $0x1  }
0xa1: {  	s23 =	simm.s32 $0x1B8B  }
0xa2: {  	_ =	swait.ge [sflag:s23], $0x1  }
0xa3: {  	[sflag:s23] =	ssyncset.done $0x0  }
0xa4: {  	s25 =	simm.s32 $0x1B8E;
	s24 =	sld [smem:$0x3FFE];
	[sflag:s23] =	ssyncadd.s32 $0xFFFFFFFF  }
0xa5: {  	s26 =	simm.s32 $execute0_lowered;
	[smem:$0x3FD2] =	sst s25  }
0xa6: {  	s5 =	sshll.u32 s26, $0x1;
	_ =	strace $0x80000046;
	[dreg:$0x1] =	wrdreg $0xFFFFFFFF  }
0xa7: {  	s28 =	simm.s32 $_size_execute0_lowered;
	s3 =	sadd.s32 s3, s5;
	[dreg:$0x0] =	wrdreg $0x0  }
0xa8: {  	s5 =	sshll.u32 s28, $0x1;
	[dreg:$0x2] =	wrdreg s3  }
0xa9: {  	[dreg:$0x3] =	wrdreg s5  }
0xaa: {  	[dreg:$0x4] =	wrdreg $0xC0  }
0xab: {  	_ =	task [dreg:s7], $0x5FFFF  }
0xac: {  	[dreg:$0x1] =	wrdreg $0xFFFFFFFF  }
0xad: {  	[dreg:$0x0] =	wrdreg $0x60  }
0xae: {  	[dreg:$0x2] =	wrdreg s24  }
0xaf: {  	[dreg:$0x3] =	wrdreg s2  }
0xb0: {  	[dreg:$0x4] =	wrdreg $0x5AA00  }
0xb1: {  	[dreg:$0x5] =	wrdreg $0xF8A00  }
0xb2: {  	[dreg:$0x6] =	wrdreg $0x9  }
0xb3: {  	_ =	task.clear_ibuf [dreg:s7], $0x7FFFF;
	_ =	strace $0x90000046  }
0xb4: {  	s29 =	simm.s32 $0x9;
	_ =	strace $0x80000048  }
0xb5: {  	_ =	swait.ge [sflag:s29], $0x1  }
0xb6: {  	[sflag:s29] =	ssyncadd.s32 $0xFFFFFFFF  }
0xb7: {  	_ =	strace $0x90000048  }
0xb8: {  	_ =	sfence  }
0xb9: {  	s30 =	sld [smem:$0x0];
	_ =	sdelay $0x2  }
0xba: {  	s31 =	sshll.u32 s1, $0xD;
	s1 =	sshrl.u32 s1, $0x2  }
0xbb: {  	s3 =	sand.u32 $0x4000, s31;
	s1 =	sadd.s32 s1, s30  }
0xbc: {  	s0 =	sor.u32 s3, s0;
	s1 =	sshll.u32 s1, $0x11  }
0xbd: {  	s0 =	sor.u32 s1, s0  }
0xbe: {  	s0 =	sadd.s32 $0x8F2B, s0  }
0xbf: {  	[sflag:s0] =	ssyncadd.remote.s32 $0x1  }
0xc0: {  	_ =	sfence.sel $0xFFFF  }
0xc1: {  	[dreg:$0x0] =	wrdreg $0xFFFFFFFF;
	(pc) =	sbr.abs _section_cstart, $3  }
0xc2: {  	[dreg:$0x1] =	wrdreg $0xFFFFFFFF  }
0xc3: {  	_ =	task.clear_ibuf [dreg:s7], $0x2FFFF;
	_ =	strace $0x9FFFFFFF  }
0xc4: {  	(tm) =	ssettm $0x7FFFFFFF  }
0xc5: {  	_ =	shalt  }
tec
execute0_lowered:
.L_overlay_start_1:
0x0: {  	(tag) =	ssettag $0x1  }
0x1: {  	s6 =	rddreg [dreg:$0x0]  }
0x2: {  	s0 =	rddreg [dreg:$0x1]  }
0x3: {  	s2 =	rddreg [dreg:$0x2]  }
0x4: {  	s1 =	srdreg.scid;
	s4 =	rddreg [dreg:$0x3]  }
0x5: {  	s3 =	stileid.u32;
	s5 =	simm.s32 $0x0;
	s19 =	simm.s32 $0x2710  }
0x6: {  	s20 =	simm.s32 $0x5820;
	s22 =	simm.s32 $0x4E20;
	s8 =	smul.u32 $0x4E2, s3  }
0x7: {  	s23 =	simm.s32 $0x1;
	s24 =	simm.s32 $0x3;
	s9 =	smul.u32 $0x9E00, s3  }
0x8: {  	s25 =	simm.s32 $0x0;
	s21 =	sand.u32 $0x1, s1;
	s11 =	smul.u32 $0x2780, s3  }
0x9: {  	[smem:$0x7FF] =	sst s5;
	s31 =	sshll.u32 s3, $0x6;
	s7 =	smul.u32 $0x13880, s21  }
0xa: {  	_ =	strace $0x80000047;
	s10 =	smul.u32 $0x9E000, s21;
	s14 =	ssub.s32 $0x2, s21  }
0xb: {  	p0 =	sne.s32 s21, $0x0;
	s21 =	simm.s32 $0x28;
	s26 =	sshrl.u32 s9, $0x3  }
0xc: {  	s13 =	sadd.s32 s8, s6;
	s29 =	sshrl.u32 s11, $0x3;
	s30 =	sshrl.u32 s14, $0x1  }
0xd: {  	s18 =	sadd.s32 s9, s2;
	s12 =	sadd.s32 s7, s6;
	s7 =	sadd.s32 s26, s6  }
0xe: {  	s28 =	sadd.s32 s9, s10;
	s16 =	sadd.s32 s29, s6;
	s17 =	ssub.s32 s14, s30  }
0xf: {  	s10 =	sadd.s32 $0xCA00, s13;
	s8 =	sshrl.u32 s28, $0x3;
	s9 =	sadd.s32 $0x38C00, s16  }
0x10: {  	s12 =	sadd.s32 $0x11A00, s12;
	s14 =	sadd.s32 $0x51800, s16;
	s16 =	sshrl.u32 s18, $0x3  }
0x11: {  	s15 =	sadd.s32 s8, s6;
	s6 =	sadd.s32 $0x3DC00, s7;
	s7 =	sor.u32 $0x1C02, s31  }
0x12: {  	s8 =	sadd.s32 s11, s4;
	s11 =	sadd.s32 $0x7A00, s13;
	s13 =	sadd.s32 $0x56800, s15  }
0x13: {  	s15 =	smax.u32 s17, $0x1;
	s17 =	simm.s32 $0x2;
	s18 =	sshrl.u32 s8, $0x3  }
.LBB2_1:
0x14: {  	[spmem:s16], [sflag:s7] =	dma.local [hbm:s6], $0x13C0  }
0x15: {  	_ =	swait.ge [sflag:s17], $0x13C0  }
0x16: {  	[sflag:s17] =	ssyncset.done $0x0  }
0x17: {  	[sflag:s17] =	ssyncadd.s32 $0xFFFFEC40  }
0x18: {  	[spmem:s18], [sflag:s7] =	dma.local [hbm:s9], $0x4F0  }
0x19: {  	_ =	swait.ge [sflag:s17], $0x4F0  }
0x1a: {  	[sflag:s17] =	ssyncset.done $0x0  }
0x1b: {  	[sflag:s17] =	ssyncadd.s32 $0xFFFFFB10  }
0x1c: {  	[tilespmem:s5], [sflag:$0x2] =	stream.linear.gather [hbm4b:s10+s5], $0x2710, $0x38;
	[tilespmem:$0x12020] =	vst v63  }
0x1d: {  	_ =	swait.ge [sflag:s17], $0x2710  }
0x1e: {  	[sflag:s17] =	ssyncset.done $0x0  }
0x1f: {  	[sflag:s17] =	ssyncadd.s32 $0xFFFFD8F0  }
0x20: {  	[tilespmem:s19], [sflag:$0x2] =	stream.linear.gather [hbm4b:s11+s5], $0x2710, $0x38;
	[tilespmem:$0x12020] =	vst v63  }
0x21: {  	_ =	swait.ge [sflag:s17], $0x2710  }
0x22: {  	[sflag:s17] =	ssyncset.done $0x0  }
0x23: {  	[sflag:s17] =	ssyncadd.s32 $0xFFFFD8F0  }
0x24: {  	[tilespmem:s20], [sflag:$0x2] =	stream.linear.gather [hbm4b:s0+s5], $0x280, $0x38;
	[tilespmem:$0x12020] =	vst v63  }
0x25: {  	_ =	swait.ge [sflag:s17], $0x280  }
0x26: {  	[sflag:s17] =	ssyncset.done $0x0  }
0x27: {  	[sflag:s17] =	ssyncadd.s32 $0xFFFFFD80  }
0x28: {  	s26 =	simm.s32 $0x0;
	[bflag:$0x0] =	sbarrier.arrive $0xFFFF  }
0x29: {  	[tilespmem:s22], [sflag:$0x1] =	stream.indirect.gather [hbm4b:s12+s21], $0x40, s26, s21, $0xb8;
	[tilespmem:$0x12020] =	vst v63  }
0x2a: {  	_ =	swait.ge [sflag:s23], $0xA00  }
0x2b: {  	[sflag:s23] =	ssyncset.done $0x0  }
0x2c: {  	s30 =	simm.s32 $0x2710;
	[sflag:s23] =	ssyncadd.s32 $0xFFFFF600  }
0x2d: {  	[spmem:s2] =	stream.indirect.scatter.add.f32 [tilespmem:s22], [sflag:$0x3], $0x40, s30, s21, $0xb8;
	[tilespmem:$0x12020] =	vst v63  }
0x2e: {  	_ =	swait.ge [sflag:s24], $0xA00  }
0x2f: {  	s28 =	simm.s32 @!p0 $0x28;
	[sflag:s24] =	ssyncset.done $0x0  }
0x30: {  	s29 =	simm.s32 @!p0 $0x5820;
	s26 =	simm.s32 @!p0 $0x2;
	[sflag:s24] =	ssyncadd.s32 $0xFFFFF600  }
0x31: {  	[spmem:s4] =	stream.indirect.scatter.add.f32 @!p0 [tilespmem:s29], [sflag:$0x2], $0x10, s30, s28, $0xb8;
	[tilespmem:$0x12020] =	vst v63  }
0x32: {  	_ =	swait.ge @!p0 [sflag:s26], $0x280  }
0x33: {  	s31 =	simm.s32 $0x140;
	s30 =	simm.s32 $0xA0;
	[sflag:s26] =	ssyncset.done @!p0 $0x0  }
.LBB2_2:
0x34: {  	s1 =	sshra.s32 s30, $0x2  }
0x35: {  	[sflag:s26] =	ssyncadd.s32 @!p0 $0xFFFFFD80;
	s30 =	smov.u32 s31;
	s31 =	sadd.s32 $0xA0, s31  }
0x36: {  	[tilespmem:s22], [sflag:$0x1] =	stream.indirect.gather [hbm4b:s12+s21], $0x40, s1, s21, $0xb8;
	[tilespmem:$0x12020] =	vst v63  }
0x37: {  	p1 =	sne.s32 s31, $0x9C40;
	_ =	swait.ge [sflag:s23], $0xA00  }
0x38: {  	[sflag:s23] =	ssyncset.done $0x0  }
0x39: {  	s1 =	sadd.s32 $0x2710, s1;
	[sflag:s23] =	ssyncadd.s32 $0xFFFFF600  }
0x3a: {  	[spmem:s2] =	stream.indirect.scatter.add.f32 [tilespmem:s22], [sflag:$0x3], $0x40, s1, s21, $0xb8;
	[tilespmem:$0x12020] =	vst v63  }
0x3b: {  	_ =	swait.ge [sflag:s24], $0xA00  }
.Ltmp0:
0x3c: {  	[sflag:s24] =	ssyncset.done $0x0;
	(pc) =	sbr.rel @p1 .LBB2_2-.Ltmp0, $4  }
0x3d: {  	[sflag:s24] =	ssyncadd.s32 $0xFFFFF600  }
0x3e: {  	[spmem:s4] =	stream.indirect.scatter.add.f32 @!p0 [tilespmem:s29], [sflag:$0x2], $0x10, s1, s28, $0xb8;
	[tilespmem:$0x12020] =	vst v63  }
0x3f: {  	_ =	swait.ge @!p0 [sflag:s26], $0x280  }
0x40: {  	[sflag:s26] =	ssyncset.done @!p0 $0x0  }
0x41: {  	s1 =	sshra.s32 s30, $0x2;
	[sflag:s26] =	ssyncadd.s32 @!p0 $0xFFFFFD80  }
0x42: {  	[tilespmem:s22], [sflag:$0x1] =	stream.indirect.gather [hbm4b:s12+s21], $0x40, s1, s21, $0xb8;
	[tilespmem:$0x12020] =	vst v63  }
0x43: {  	_ =	swait.ge [sflag:s23], $0xA00  }
0x44: {  	[sflag:s23] =	ssyncset.done $0x0  }
0x45: {  	s1 =	sadd.s32 $0x2710, s1;
	[sflag:s23] =	ssyncadd.s32 $0xFFFFF600  }
0x46: {  	[spmem:s2] =	stream.indirect.scatter.add.f32 [tilespmem:s22], [sflag:$0x3], $0x40, s1, s21, $0xb8;
	[tilespmem:$0x12020] =	vst v63  }
0x47: {  	_ =	swait.ge [sflag:s24], $0xA00  }
0x48: {  	s26 =	simm.s32 @!p0 $0x2;
	[sflag:s24] =	ssyncset.done $0x0  }
0x49: {  	s28 =	simm.s32 @!p0 $0x28;
	s29 =	simm.s32 @!p0 $0x5820;
	[sflag:s24] =	ssyncadd.s32 $0xFFFFF600  }
0x4a: {  	[spmem:s4] =	stream.indirect.scatter.add.f32 @!p0 [tilespmem:s29], [sflag:$0x2], $0x10, s1, s28, $0xb8;
	[tilespmem:$0x12020] =	vst v63  }
0x4b: {  	_ =	swait.ge @!p0 [sflag:s26], $0x280  }
0x4c: {  	[sflag:s26] =	ssyncset.done @!p0 $0x0  }
0x4d: {  	[sflag:s26] =	ssyncadd.s32 @!p0 $0xFFFFFD80  }
0x4e: {  	[bflag:$0x0] =	sbarrier.arrive $0xFFFF  }
0x4f: {  	[hbm:s13], [sflag:s7] =	dma.local [spmem:s16], $0x13C0  }
0x50: {  	s25 =	sadd.s32 $0x1, s25;
	_ =	swait.ge [sflag:s17], $0x13C0  }
0x51: {  	p1 =	sne.s32 s25, s15;
	[sflag:s17] =	ssyncset.done $0x0  }
.Ltmp1:
0x52: {  	s1 =	sshrl.u32 @!p0 s8, $0x3;
	[sflag:s17] =	ssyncadd.s32 $0xFFFFEC40;
	(pc) =	sbr.rel @p1 .LBB2_1-.Ltmp1, $4  }
0x53: {  	[hbm:s14], [sflag:s7] =	dma.local @!p0 [spmem:s1], $0x4F0  }
0x54: {  	_ =	swait.ge @!p0 [sflag:s26], $0x4F0  }
0x55: {  	[sflag:s26] =	ssyncset.done @!p0 $0x0  }
0x56: {  	[sflag:s26] =	ssyncadd.s32 @!p0 $0xFFFFFB10  }
0x57: {  	_ =	sfence.sel $0x180000  }
0x58: {  	[bflag:$0x0] =	sbarrier.arrive $0xFFFF  }
0x59: {  	_ =	strace $0x90000047  }
0x5a: {  	[bflag:$0x2] =	sbarrier.arrive $0xFFFF  }
0x5b: {  	p0 =	sne.s32 s3, $0x0;
	s0 =	rddreg [dreg:$0x4]  }
0x5c: {  	s0 =	sadd.s32 @!p0 $0x100000, s0  }
0x5d: {  	[sflag:s0] =	ssyncadd.tile.s32 @!p0 $0x1;
	_ =	shalt  }
.Lfunc_end2:
_tile_overlayer_lowered:
.L_overlay_start_2:
0x5e: {  	(tag) =	ssettag $0x2  }
0x5f: {  	s0 =	rddreg [dreg:$0x0];
	s2 =	stileid.u32  }
0x60: {  	s1 =	rddreg [dreg:$0x1];
	p0 =	sne.s32 s2, $0x0  }
0x61: {  	s3 =	rddreg [dreg:$0x2];
	[bflag:$0x3] =	sbarrier.arrive $0xFFFF;
	s2 =	simm.s32 @!p0 $0x1C02  }
0x62: {  	[timem:s3], [sflag:s2] =	dma.local @!p0 [hbm:s0], s1  }
0x63: {  	s0 =	simm.s32 @!p0 $0x2  }
0x64: {  	_ =	swait.ge @!p0 [sflag:s0], s1  }
0x65: {  	s1 =	ssub.s32 @!p0 $0x0, s1;
	[sflag:s0] =	ssyncset.done @!p0 $0x0  }
0x66: {  	[sflag:s0] =	ssyncadd.s32 @!p0 s1  }
0x67: {  	[bflag:$0x3] =	sbarrier.arrive $0xFFFF  }
0x68: {  	_ =	shalt  }

// kernel: kernel.18.cloned.1.call-start
scs
__scs_entry_jumppad:
0x0: {  	(pc) =	sbr.rel $0x88, $3  }
0x1: {  	(tag) =	ssettag $0x0;
	lr =	simm.s32 $0x1  }
0x2: {  	[smem:$0x3F87] =	sst lr;
	_ =	strace $0xD0000000  }
0x3: {  	_ = 	snop  }
0x4: {  	_ = 	snop  }
0x5: {  	_ = 	snop  }
0x6: {  	_ = 	snop  }
0x7: {  	_ = 	snop  }
__scs_overlays_trampoline_lowered:
0x8: {  	[smem:$0x3F96] =	sst s0  }
0x9: {  	[smem:$0x3F97] =	sst s1  }
0xa: {  	[smem:$0x3F98] =	sst s2  }
0xb: {  	[smem:$0x3F99] =	sst s3  }
0xc: {  	[smem:$0x3F9A] =	sst s4  }
0xd: {  	[smem:$0x3F9B] =	sst s5  }
0xe: {  	[smem:$0x3F9C] =	sst s6  }
0xf: {  	[smem:$0x3F9D] =	sst s7  }
0x10: {  	[smem:$0x3F9E] =	sst s8  }
0x11: {  	[smem:$0x3F9F] =	sst s9;
	s0 =	simm.s32 @!p0 $0x0  }
0x12: {  	s1 =	sld [smem:$0x3F85];
	s0 =	simm.s32 @p0 $0x1  }
0x13: {  	[smem:$0x3FA0] =	sst s0;
	s0 =	simm.s32 @!p1 $0x0  }
0x14: {  	s2 =	sld [smem:$0x3F84];
	s0 =	simm.s32 @p1 $0x1  }
0x15: {  	[smem:$0x3FA1] =	sst s0;
	s0 =	simm.s32 @!p2 $0x0  }
0x16: {  	s3 =	sld [smem:$0x3FDB];
	s0 =	simm.s32 @p2 $0x1  }
0x17: {  	s4 =	simm.s32 $0x1BF5;
	[smem:$0x3FA3] =	sst s0  }
0x18: {  	s0 =	sld [smem:$0x3F86];
	_ =	swait.ge [sflag:s4], $0x0  }
0x19: {  	s7 =	sld [smem:$0x3F87]  }
0x1a: {  	s8 =	sadd.s32 $0xFFFFE003, lr  }
0x1b: {  	s9 =	sadd.s32 $0xFFFFFEF7, lr;
	s5 =	simm.s32 $0xFFFFFFFF;
	p2 =	slt.u32 s8, $0xFFFFF086  }
0x1c: {  	p1 =	slt.u32 s9, $0xF7A;
	s5 =	simm.s32 @!p2 $0x0  }
0x1d: {  	s5 =	simm.s32 @p1 $0x1;
	p0 =	seq.s32 s7, s2  }
0x1e: {  	s7 =	smul.u32 @!p0 $0xF7A, s2;
	p2 =	seq.s32 @!p0 s5, $0x0  }
0x1f: {  	s9 =	smul.u32 $0xF7A, s1;
	s8 =	simm.s32 @!p0 $0x1BF5;
	p2 =	por !p2, p0  }
0x20: {  	[sflag:s8] =	ssyncset.s32 @!p0 $0xFFFFF086;
	s6 =	sadd.s32 @!p0 s3, s7;
	s7 =	simm.s32 @!p0 $0x108  }
0x21: {  	s3 =	sadd.s32 s3, s9;
	s6 =	sadd.s32 @!p0 $0x88, s6;
	s7 =	simm.s32 @p2 $0x1082  }
0x22: {  	[simem:s7], [sflag:s8] =	dma.local @!p0 [hbm:s6], $0xF7A  }
0x23: {  	s9 =	sor.u32 $0xD0000000, s2;
	s6 =	simm.s32 $0x108;
	_ =	swait.ge @!p0 [sflag:s8], $0x0  }
0x24: {  	s3 =	sadd.s32 $0x88, s3;
	s6 =	simm.s32 @!p1 $0x1082;
	[sflag:s4] =	ssyncset.s32 $0xFFFFF086  }
0x25: {  	[simem:s6], [sflag:s4] =	dma.local [hbm:s3], $0xF7A  }
0x26: {  	[smem:$0x3F87] =	sst s1;
	(tag) =	ssettag s2;
	_ =	strace s9  }
0x27: {  	s1 =	sld [smem:$0x3F97]  }
0x28: {  	s2 =	sld [smem:$0x3F98]  }
0x29: {  	s4 =	sld [smem:$0x3F9A]  }
0x2a: {  	p0 =	seq.s32 s5, $0x0;
	s5 =	sld [smem:$0x3F9B]  }
0x2b: {  	s6 =	sld [smem:$0x3F9C]  }
0x2c: {  	s7 =	sld [smem:$0x3F9D]  }
0x2d: {  	s3 =	simm.s32 $0x108;
	s8 =	sld [smem:$0x3F9E]  }
0x2e: {  	s3 =	simm.s32 @!p0 $0x1082;
	s9 =	sld [smem:$0x3F9F]  }
0x2f: {  	lr =	sadd.s32 s0, s3;
	s0 =	sld [smem:$0x3F96]  }
0x30: {  	s3 =	sld [smem:$0x3F99]  }
0x31: {  	[smem:$0x3FA2] =	sst s10  }
0x32: {  	s10 =	sld [smem:$0x3FA0];
	_ =	sdelay $0x3  }
0x33: {  	p0 =	seq.s32 s10, $0x1;
	s10 =	sld [smem:$0x3FA2];
	_ =	sdelay $0x3  }
0x34: {  	[smem:$0x3FA2] =	sst s10  }
0x35: {  	s10 =	sld [smem:$0x3FA1];
	_ =	sdelay $0x3  }
0x36: {  	p1 =	seq.s32 s10, $0x1;
	s10 =	sld [smem:$0x3FA2];
	_ =	sdelay $0x3  }
0x37: {  	[smem:$0x3FA2] =	sst s10  }
0x38: {  	s10 =	sld [smem:$0x3FA3]  }
0x39: {  	_ = 	snop;
	(pc) =	sbr.ind lr, $3  }
0x3a: {  	_ = 	snop  }
0x3b: {  	_ = 	snop  }
0x3c: {  	p2 =	seq.s32 s10, $0x1;
	s10 =	sld [smem:$0x3FA2]  }
0x3d: {  	_ =	shalt  }
0x3e: {  	_ =	shalt  }
0x3f: {  	_ =	shalt  }
0x40: {  	_ =	shalt  }
0x41: {  	_ =	shalt  }
0x42: {  	_ =	shalt  }
0x43: {  	_ =	shalt  }
0x44: {  	_ =	shalt  }
0x45: {  	_ =	shalt  }
0x46: {  	_ =	shalt  }
0x47: {  	_ =	shalt  }
0x48: {  	_ =	shalt  }
0x49: {  	_ =	shalt  }
0x4a: {  	_ =	shalt  }
0x4b: {  	_ =	shalt  }
0x4c: {  	_ =	shalt  }
0x4d: {  	_ =	shalt  }
0x4e: {  	_ =	shalt  }
0x4f: {  	_ =	shalt  }
0x50: {  	_ =	shalt  }
0x51: {  	_ =	shalt  }
0x52: {  	_ =	shalt  }
0x53: {  	_ =	shalt  }
0x54: {  	_ =	shalt  }
0x55: {  	_ =	shalt  }
0x56: {  	_ =	shalt  }
0x57: {  	_ =	shalt  }
0x58: {  	_ =	shalt  }
0x59: {  	_ =	shalt  }
0x5a: {  	_ =	shalt  }
0x5b: {  	_ =	shalt  }
0x5c: {  	_ =	shalt  }
0x5d: {  	_ =	shalt  }
0x5e: {  	_ =	shalt  }
0x5f: {  	_ =	shalt  }
0x60: {  	_ =	shalt  }
0x61: {  	_ =	shalt  }
0x62: {  	_ =	shalt  }
0x63: {  	_ =	shalt  }
0x64: {  	_ =	shalt  }
0x65: {  	_ =	shalt  }
0x66: {  	_ =	shalt  }
0x67: {  	_ =	shalt  }
0x68: {  	_ =	shalt  }
0x69: {  	_ =	shalt  }
0x6a: {  	_ =	shalt  }
0x6b: {  	_ =	shalt  }
0x6c: {  	_ =	shalt  }
0x6d: {  	_ =	shalt  }
0x6e: {  	_ =	shalt  }
0x6f: {  	_ =	shalt  }
0x70: {  	_ =	shalt  }
0x71: {  	_ =	shalt  }
0x72: {  	_ =	shalt  }
0x73: {  	_ =	shalt  }
0x74: {  	_ =	shalt  }
0x75: {  	_ =	shalt  }
0x76: {  	_ =	shalt  }
0x77: {  	_ =	shalt  }
0x78: {  	_ =	shalt  }
0x79: {  	_ =	shalt  }
0x7a: {  	_ =	shalt  }
0x7b: {  	_ =	shalt  }
0x7c: {  	_ =	shalt  }
0x7d: {  	_ =	shalt  }
0x7e: {  	_ =	shalt  }
0x7f: {  	_ =	shalt  }
0x80: {  	_ =	shalt  }
0x81: {  	_ =	shalt  }
0x82: {  	_ =	shalt  }
0x83: {  	_ =	shalt  }
0x84: {  	_ =	shalt  }
0x85: {  	_ =	shalt  }
0x86: {  	_ =	shalt  }
0x87: {  	_ =	shalt  }
.Lfunc_end0:
.L_simem_size_0:
called_computation.1_lowered:
.L_overlay_start_0:
0x88: {  	s2 =	sld [smem:$0x3FD9]  }
0x89: {  	s3 =	sld [smem:$0x3FFE];
	_ =	sdelay $0x1  }
0x8a: {  	s1 =	srdreg.scid  }
0x8b: {  	s0 =	sand.u32 $0x1, s1  }
0x8c: {  	s16 =	sshll.u32 s0, $0xA;
	s2 =	sadd.s32 s3, s2  }
0x8d: {  	s2 =	sadd.s32 s2, s16  }
0x8e: {  	[smem:$0x3FAE] =	sst s2  }
0x8f: {  	_ = 	snop  }
0x90: {  	(tm) =	ssettm $0x1  }
0x91: {  	s17 =	sld [smem:$0x3FFB];
	_ =	sdelay $0x3  }
0x92: {  	_ =	strace s17  }
0x93: {  	s2 =	sld [smem:$0x3FFC];
	_ =	sdelay $0x3  }
0x94: {  	_ =	strace s2  }
0x95: {  	s2 =	sld [smem:$0x3FFD];
	_ =	sdelay $0x3  }
0x96: {  	_ =	strace s2  }
0x97: {  	_ =	strace $0x8FFFFFFF  }
0x98: {  	s18 =	sld [smem:$0x3FDB];
	_ =	sdelay $0x1  }
0x99: {  	s19 =	simm.s32 $_scs_section_size  }
0x9a: {  	s4 =	simm.s32 $_size__tile_overlayer_lowered;
	s5 =	simm.s32 $_tile_overlayer_lowered  }
0x9b: {  	s22 =	simm.s32 $0x1BFF;
	s21 =	sshll.u32 s5, $0x1;
	s2 =	sadd.s32 s19, s18  }
0x9c: {  	s6 =	simm.s32 $0x0;
	s20 =	sshll.u32 s4, $0x1;
	s4 =	sadd.s32 s21, s2  }
0x9d: {  	[timem:s6], [sflag:s22] =	dma.local [hbm:s4], s20  }
0x9e: {  	_ =	swait.ge [sflag:s22], s20  }
0x9f: {  	s3 =	ssub.s32 $0x0, s20;
	[sflag:s22] =	ssyncset.done $0x0  }
0xa0: {  	[sflag:s22] =	ssyncadd.s32 s3;
	_ =	sdelay $0x1  }
0xa1: {  	s23 =	simm.s32 $0x1B8B  }
0xa2: {  	_ =	swait.ge [sflag:s23], $0x1  }
0xa3: {  	[sflag:s23] =	ssyncset.done $0x0  }
0xa4: {  	s25 =	simm.s32 $0x1B8E;
	s24 =	sld [smem:$0x3FFE];
	[sflag:s23] =	ssyncadd.s32 $0xFFFFFFFF  }
0xa5: {  	s26 =	simm.s32 $execute0_lowered;
	[smem:$0x3FD2] =	sst s25  }
0xa6: {  	s4 =	sshll.u32 s26, $0x1;
	_ =	strace $0x80000049;
	[dreg:$0x1] =	wrdreg $0xFFFFFFFF  }
0xa7: {  	s28 =	simm.s32 $_size_execute0_lowered;
	s2 =	sadd.s32 s2, s4;
	[dreg:$0x0] =	wrdreg $0x0  }
0xa8: {  	s4 =	sshll.u32 s28, $0x1;
	[dreg:$0x2] =	wrdreg s2  }
0xa9: {  	[dreg:$0x3] =	wrdreg s4  }
0xaa: {  	[dreg:$0x4] =	wrdreg $0xC0  }
0xab: {  	_ =	task [dreg:s6], $0x5FFFF  }
0xac: {  	[dreg:$0x1] =	wrdreg $0xFFFFFFFF  }
0xad: {  	[dreg:$0x0] =	wrdreg $0x60  }
0xae: {  	[dreg:$0x2] =	wrdreg s24  }
0xaf: {  	[dreg:$0x3] =	wrdreg $0x9  }
0xb0: {  	_ =	task.clear_ibuf [dreg:s6], $0x4FFFF;
	_ =	strace $0x90000049  }
0xb1: {  	s29 =	simm.s32 $0x9;
	_ =	strace $0x8000004B  }
0xb2: {  	_ =	swait.ge [sflag:s29], $0x1  }
0xb3: {  	[sflag:s29] =	ssyncadd.s32 $0xFFFFFFFF  }
0xb4: {  	_ =	strace $0x9000004B  }
0xb5: {  	_ =	sfence  }
0xb6: {  	s30 =	sld [smem:$0x0];
	_ =	sdelay $0x2  }
0xb7: {  	s31 =	sshll.u32 s1, $0xD;
	s1 =	sshrl.u32 s1, $0x2  }
0xb8: {  	s3 =	sand.u32 $0x4000, s31;
	s1 =	sadd.s32 s1, s30  }
0xb9: {  	s0 =	sor.u32 s3, s0;
	s1 =	sshll.u32 s1, $0x11  }
0xba: {  	s0 =	sor.u32 s1, s0  }
0xbb: {  	s0 =	sadd.s32 $0x8F2B, s0  }
0xbc: {  	[sflag:s0] =	ssyncadd.remote.s32 $0x1  }
0xbd: {  	_ =	sfence.sel $0xFFFF  }
0xbe: {  	[dreg:$0x0] =	wrdreg $0xFFFFFFFF;
	(pc) =	sbr.abs _section_cstart, $3  }
0xbf: {  	[dreg:$0x1] =	wrdreg $0xFFFFFFFF  }
0xc0: {  	_ =	task.clear_ibuf [dreg:s6], $0x2FFFF;
	_ =	strace $0x9FFFFFFF  }
0xc1: {  	(tm) =	ssettm $0x7FFFFFFF  }
tec
execute0_lowered:
.L_overlay_start_1:
0x0: {  	(tag) =	ssettag $0x1  }
0x1: {  	s0 =	srdreg.scid  }
0x2: {  	s5 =	rddreg [dreg:$0x0];
	s3 =	sand.u32 $0x1, s0  }
0x3: {  	s0 =	stileid.u32;
	s4 =	smul.u32 $0x27100, s3  }
0x4: {  	s1 =	rddreg [dreg:$0x1];
	s2 =	simm.s32 $0x0;
	s6 =	smul.u32 $0x2710, s0  }
0x5: {  	s10 =	simm.s32 $0x1;
	s11 =	simm.s32 $0x0;
	s7 =	smul.u32 $0x271000, s3  }
0x6: {  	[smem:$0x7FF] =	sst s2;
	s9 =	smul.u32 $0x27100, s0;
	s3 =	ssub.s32 $0x2, s3  }
0x7: {  	_ =	strace $0x8000004A;
	s30 =	sshrl.u32 s3, $0x1;
	s8 =	sshrl.u32 s4, $0x3  }
0x8: {  	s4 =	sadd.s32 s6, s4;
	s29 =	sadd.s32 s9, s7;
	s31 =	ssub.s32 s3, s30  }
0x9: {  	s7 =	simm.s32 $0x2;
	s9 =	simm.s32 $0x2710;
	s4 =	sshrl.u32 s4, $0x3  }
0xa: {  	s8 =	sadd.s32 s8, s5;
	s6 =	sshrl.u32 s29, $0x3;
	s4 =	sadd.s32 s4, s5  }
0xb: {  	s6 =	sadd.s32 s6, s5;
	s5 =	smax.u32 s31, $0x1;
	s3 =	sadd.s32 $0x7E000, s4  }
0xc: {  	s4 =	sadd.s32 $0x3DC00, s8;
	s6 =	sadd.s32 $0x124200, s6;
	s8 =	simm.s32 $0x28  }
.LBB2_1:
0xd: {  	[tilespmem:s2], [sflag:$0x2] =	stream.linear.gather [hbm4b:s3+s2], $0x2710, $0x38;
	[tilespmem:$0x2990] =	vst v63  }
0xe: {  	_ =	swait.ge [sflag:s7], $0x2710  }
0xf: {  	[sflag:s7] =	ssyncset.done $0x0  }
0x10: {  	[sflag:s7] =	ssyncadd.s32 $0xFFFFD8F0  }
0x11: {  	[tilespmem:s9], [sflag:$0x1] =	stream.indirect.gather [hbm4b:s4+s8], $0x10, s2, s8, $0xb8;
	[tilespmem:$0x2990] =	vst v63  }
0x12: {  	_ =	swait.ge [sflag:s10], $0x280  }
0x13: {  	[sflag:s10] =	ssyncset.done $0x0  }
0x14: {  	s12 =	sadd.s32 $0x0, s6;
	[sflag:s10] =	ssyncadd.s32 $0xFFFFFD80  }
0x15: {  	[hbm4b:s12+s2] =	stream.linear.scatter [tilespmem:s9], [sflag:$0x2], $0x280, $0x38;
	[tilespmem:$0x2990] =	vst v63  }
0x16: {  	_ =	swait.ge [sflag:s7], $0x280  }
0x17: {  	s13 =	simm.s32 $0x0;
	s12 =	simm.s32 $0x50;
	[sflag:s7] =	ssyncset.done $0x0  }
.LBB2_2:
0x18: {  	p0 =	sne.s32 s12, $0x4DD0;
	[sflag:s7] =	ssyncadd.s32 $0xFFFFFD80;
	s13 =	sadd.s32 $0x28, s13  }
0x19: {  	[tilespmem:s9], [sflag:$0x1] =	stream.indirect.gather [hbm4b:s4+s8], $0x10, s13, s8, $0xb8;
	[tilespmem:$0x2990] =	vst v63  }
0x1a: {  	s14 =	smov.u32 s12;
	s12 =	sadd.s32 $0x50, s12;
	_ =	swait.ge [sflag:s10], $0x280  }
.Ltmp0:
0x1b: {  	[sflag:s10] =	ssyncset.done $0x0;
	(pc) =	sbr.rel @p0 .LBB2_2-.Ltmp0, $4  }
0x1c: {  	s14 =	sadd.s32 s14, s6;
	[sflag:s10] =	ssyncadd.s32 $0xFFFFFD80  }
0x1d: {  	[hbm4b:s14+s2] =	stream.linear.scatter [tilespmem:s9], [sflag:$0x2], $0x280, $0x38;
	[tilespmem:$0x2990] =	vst v63  }
0x1e: {  	_ =	swait.ge [sflag:s7], $0x280  }
0x1f: {  	[sflag:s7] =	ssyncset.done $0x0  }
0x20: {  	s11 =	sadd.s32 $0x1, s11  }
0x21: {  	p0 =	sne.s32 s11, s5  }
.Ltmp1:
0x22: {  	_ = 	snop;
	(pc) =	sbr.rel @p0 .LBB2_1-.Ltmp1, $2  }
0x23: {  	_ =	sdelay $0x2  }
0x24: {  	[sflag:s7] =	ssyncadd.s32 $0xFFFFFD80  }
0x25: {  	_ =	sfence.sel $0x180000  }
0x26: {  	[bflag:$0x0] =	sbarrier.arrive $0xFFFF  }
0x27: {  	p0 =	sne.s32 s0, $0x0;
	_ =	strace $0x9000004A  }
0x28: {  	s0 =	sadd.s32 @!p0 $0x100000, s1;
	[bflag:$0x2] =	sbarrier.arrive $0xFFFF  }
0x29: {  	[sflag:s0] =	ssyncadd.tile.s32 @!p0 $0x1;
	_ =	shalt  }
.Lfunc_end2:
_tile_overlayer_lowered:
.L_overlay_start_2:
0x2a: {  	(tag) =	ssettag $0x2  }
0x2b: {  	s0 =	rddreg [dreg:$0x0];
	s2 =	stileid.u32  }
0x2c: {  	s1 =	rddreg [dreg:$0x1];
	p0 =	sne.s32 s2, $0x0  }
0x2d: {  	s3 =	rddreg [dreg:$0x2];
	[bflag:$0x3] =	sbarrier.arrive $0xFFFF;
	s2 =	simm.s32 @!p0 $0x1C02  }
0x2e: {  	[timem:s3], [sflag:s2] =	dma.local @!p0 [hbm:s0], s1  }
0x2f: {  	s0 =	simm.s32 @!p0 $0x2  }
0x30: {  	_ =	swait.ge @!p0 [sflag:s0], s1  }
0x31: {  	s1 =	ssub.s32 @!p0 $0x0, s1;
	[sflag:s0] =	ssyncset.done @!p0 $0x0  }
0x32: {  	[sflag:s0] =	ssyncadd.s32 @!p0 s1  }
0x33: {  	[bflag:$0x3] =	sbarrier.arrive $0xFFFF  }
0x34: {  	_ =	shalt  }

// kernel: kernel.21.cloned.1.call-start
scs
__scs_entry_jumppad:
0x0: {  	(pc) =	sbr.rel $0x88, $3  }
0x1: {  	(tag) =	ssettag $0x0;
	lr =	simm.s32 $0x1  }
0x2: {  	[smem:$0x3F87] =	sst lr;
	_ =	strace $0xD0000000  }
0x3: {  	_ = 	snop  }
0x4: {  	_ = 	snop  }
0x5: {  	_ = 	snop  }
0x6: {  	_ = 	snop  }
0x7: {  	_ = 	snop  }
__scs_overlays_trampoline_lowered:
0x8: {  	[smem:$0x3F96] =	sst s0  }
0x9: {  	[smem:$0x3F97] =	sst s1  }
0xa: {  	[smem:$0x3F98] =	sst s2  }
0xb: {  	[smem:$0x3F99] =	sst s3  }
0xc: {  	[smem:$0x3F9A] =	sst s4  }
0xd: {  	[smem:$0x3F9B] =	sst s5  }
0xe: {  	[smem:$0x3F9C] =	sst s6  }
0xf: {  	[smem:$0x3F9D] =	sst s7  }
0x10: {  	[smem:$0x3F9E] =	sst s8  }
0x11: {  	[smem:$0x3F9F] =	sst s9;
	s0 =	simm.s32 @!p0 $0x0  }
0x12: {  	s1 =	sld [smem:$0x3F85];
	s0 =	simm.s32 @p0 $0x1  }
0x13: {  	[smem:$0x3FA0] =	sst s0;
	s0 =	simm.s32 @!p1 $0x0  }
0x14: {  	s2 =	sld [smem:$0x3F84];
	s0 =	simm.s32 @p1 $0x1  }
0x15: {  	[smem:$0x3FA1] =	sst s0;
	s0 =	simm.s32 @!p2 $0x0  }
0x16: {  	s3 =	sld [smem:$0x3FDB];
	s0 =	simm.s32 @p2 $0x1  }
0x17: {  	s4 =	simm.s32 $0x1BF5;
	[smem:$0x3FA3] =	sst s0  }
0x18: {  	s0 =	sld [smem:$0x3F86];
	_ =	swait.ge [sflag:s4], $0x0  }
0x19: {  	s7 =	sld [smem:$0x3F87]  }
0x1a: {  	s8 =	sadd.s32 $0xFFFFE003, lr  }
0x1b: {  	s9 =	sadd.s32 $0xFFFFFEF7, lr;
	s5 =	simm.s32 $0xFFFFFFFF;
	p2 =	slt.u32 s8, $0xFFFFF086  }
0x1c: {  	p1 =	slt.u32 s9, $0xF7A;
	s5 =	simm.s32 @!p2 $0x0  }
0x1d: {  	s5 =	simm.s32 @p1 $0x1;
	p0 =	seq.s32 s7, s2  }
0x1e: {  	s7 =	smul.u32 @!p0 $0xF7A, s2;
	p2 =	seq.s32 @!p0 s5, $0x0  }
0x1f: {  	s9 =	smul.u32 $0xF7A, s1;
	s8 =	simm.s32 @!p0 $0x1BF5;
	p2 =	por !p2, p0  }
0x20: {  	[sflag:s8] =	ssyncset.s32 @!p0 $0xFFFFF086;
	s6 =	sadd.s32 @!p0 s3, s7;
	s7 =	simm.s32 @!p0 $0x108  }
0x21: {  	s3 =	sadd.s32 s3, s9;
	s6 =	sadd.s32 @!p0 $0x88, s6;
	s7 =	simm.s32 @p2 $0x1082  }
0x22: {  	[simem:s7], [sflag:s8] =	dma.local @!p0 [hbm:s6], $0xF7A  }
0x23: {  	s9 =	sor.u32 $0xD0000000, s2;
	s6 =	simm.s32 $0x108;
	_ =	swait.ge @!p0 [sflag:s8], $0x0  }
0x24: {  	s3 =	sadd.s32 $0x88, s3;
	s6 =	simm.s32 @!p1 $0x1082;
	[sflag:s4] =	ssyncset.s32 $0xFFFFF086  }
0x25: {  	[simem:s6], [sflag:s4] =	dma.local [hbm:s3], $0xF7A  }
0x26: {  	[smem:$0x3F87] =	sst s1;
	(tag) =	ssettag s2;
	_ =	strace s9  }
0x27: {  	s1 =	sld [smem:$0x3F97]  }
0x28: {  	s2 =	sld [smem:$0x3F98]  }
0x29: {  	s4 =	sld [smem:$0x3F9A]  }
0x2a: {  	p0 =	seq.s32 s5, $0x0;
	s5 =	sld [smem:$0x3F9B]  }
0x2b: {  	s6 =	sld [smem:$0x3F9C]  }
0x2c: {  	s7 =	sld [smem:$0x3F9D]  }
0x2d: {  	s3 =	simm.s32 $0x108;
	s8 =	sld [smem:$0x3F9E]  }
0x2e: {  	s3 =	simm.s32 @!p0 $0x1082;
	s9 =	sld [smem:$0x3F9F]  }
0x2f: {  	lr =	sadd.s32 s0, s3;
	s0 =	sld [smem:$0x3F96]  }
0x30: {  	s3 =	sld [smem:$0x3F99]  }
0x31: {  	[smem:$0x3FA2] =	sst s10  }
0x32: {  	s10 =	sld [smem:$0x3FA0];
	_ =	sdelay $0x3  }
0x33: {  	p0 =	seq.s32 s10, $0x1;
	s10 =	sld [smem:$0x3FA2];
	_ =	sdelay $0x3  }
0x34: {  	[smem:$0x3FA2] =	sst s10  }
0x35: {  	s10 =	sld [smem:$0x3FA1];
	_ =	sdelay $0x3  }
0x36: {  	p1 =	seq.s32 s10, $0x1;
	s10 =	sld [smem:$0x3FA2];
	_ =	sdelay $0x3  }
0x37: {  	[smem:$0x3FA2] =	sst s10  }
0x38: {  	s10 =	sld [smem:$0x3FA3]  }
0x39: {  	_ = 	snop;
	(pc) =	sbr.ind lr, $3  }
0x3a: {  	_ = 	snop  }
0x3b: {  	_ = 	snop  }
0x3c: {  	p2 =	seq.s32 s10, $0x1;
	s10 =	sld [smem:$0x3FA2]  }
0x3d: {  	_ =	shalt  }
0x3e: {  	_ =	shalt  }
0x3f: {  	_ =	shalt  }
0x40: {  	_ =	shalt  }
0x41: {  	_ =	shalt  }
0x42: {  	_ =	shalt  }
0x43: {  	_ =	shalt  }
0x44: {  	_ =	shalt  }
0x45: {  	_ =	shalt  }
0x46: {  	_ =	shalt  }
0x47: {  	_ =	shalt  }
0x48: {  	_ =	shalt  }
0x49: {  	_ =	shalt  }
0x4a: {  	_ =	shalt  }
0x4b: {  	_ =	shalt  }
0x4c: {  	_ =	shalt  }
0x4d: {  	_ =	shalt  }
0x4e: {  	_ =	shalt  }
0x4f: {  	_ =	shalt  }
0x50: {  	_ =	shalt  }
0x51: {  	_ =	shalt  }
0x52: {  	_ =	shalt  }
0x53: {  	_ =	shalt  }
0x54: {  	_ =	shalt  }
0x55: {  	_ =	shalt  }
0x56: {  	_ =	shalt  }
0x57: {  	_ =	shalt  }
0x58: {  	_ =	shalt  }
0x59: {  	_ =	shalt  }
0x5a: {  	_ =	shalt  }
0x5b: {  	_ =	shalt  }
0x5c: {  	_ =	shalt  }
0x5d: {  	_ =	shalt  }
0x5e: {  	_ =	shalt  }
0x5f: {  	_ =	shalt  }
0x60: {  	_ =	shalt  }
0x61: {  	_ =	shalt  }
0x62: {  	_ =	shalt  }
0x63: {  	_ =	shalt  }
0x64: {  	_ =	shalt  }
0x65: {  	_ =	shalt  }
0x66: {  	_ =	shalt  }
0x67: {  	_ =	shalt  }
0x68: {  	_ =	shalt  }
0x69: {  	_ =	shalt  }
0x6a: {  	_ =	shalt  }
0x6b: {  	_ =	shalt  }
0x6c: {  	_ =	shalt  }
0x6d: {  	_ =	shalt  }
0x6e: {  	_ =	shalt  }
0x6f: {  	_ =	shalt  }
0x70: {  	_ =	shalt  }
0x71: {  	_ =	shalt  }
0x72: {  	_ =	shalt  }
0x73: {  	_ =	shalt  }
0x74: {  	_ =	shalt  }
0x75: {  	_ =	shalt  }
0x76: {  	_ =	shalt  }
0x77: {  	_ =	shalt  }
0x78: {  	_ =	shalt  }
0x79: {  	_ =	shalt  }
0x7a: {  	_ =	shalt  }
0x7b: {  	_ =	shalt  }
0x7c: {  	_ =	shalt  }
0x7d: {  	_ =	shalt  }
0x7e: {  	_ =	shalt  }
0x7f: {  	_ =	shalt  }
0x80: {  	_ =	shalt  }
0x81: {  	_ =	shalt  }
0x82: {  	_ =	shalt  }
0x83: {  	_ =	shalt  }
0x84: {  	_ =	shalt  }
0x85: {  	_ =	shalt  }
0x86: {  	_ =	shalt  }
0x87: {  	_ =	shalt  }
.Lfunc_end0:
.L_simem_size_0:
called_computation.2_lowered:
.L_overlay_start_0:
0x88: {  	s2 =	sld [smem:$0x3FD9]  }
0x89: {  	s3 =	sld [smem:$0x3FFE];
	_ =	sdelay $0x1  }
0x8a: {  	s1 =	srdreg.scid  }
0x8b: {  	s0 =	sand.u32 $0x1, s1  }
0x8c: {  	s16 =	sshll.u32 s0, $0xA;
	s2 =	sadd.s32 s3, s2  }
0x8d: {  	s2 =	sadd.s32 s2, s16  }
0x8e: {  	[smem:$0x3FAE] =	sst s2  }
0x8f: {  	_ = 	snop  }
0x90: {  	(tm) =	ssettm $0x1  }
0x91: {  	s17 =	sld [smem:$0x3FFB];
	_ =	sdelay $0x3  }
0x92: {  	_ =	strace s17  }
0x93: {  	s2 =	sld [smem:$0x3FFC];
	_ =	sdelay $0x3  }
0x94: {  	_ =	strace s2  }
0x95: {  	s2 =	sld [smem:$0x3FFD];
	_ =	sdelay $0x3  }
0x96: {  	_ =	strace s2  }
0x97: {  	_ =	strace $0x8FFFFFFF  }
0x98: {  	s18 =	sld [smem:$0x3FDB];
	_ =	sdelay $0x1  }
0x99: {  	s19 =	simm.s32 $_scs_section_size  }
0x9a: {  	s4 =	simm.s32 $_size__tile_overlayer_lowered;
	s5 =	simm.s32 $_tile_overlayer_lowered  }
0x9b: {  	s22 =	simm.s32 $0x1BFF;
	s21 =	sshll.u32 s5, $0x1;
	s2 =	sadd.s32 s19, s18  }
0x9c: {  	s6 =	simm.s32 $0x0;
	s20 =	sshll.u32 s4, $0x1;
	s4 =	sadd.s32 s21, s2  }
0x9d: {  	[timem:s6], [sflag:s22] =	dma.local [hbm:s4], s20  }
0x9e: {  	_ =	swait.ge [sflag:s22], s20  }
0x9f: {  	s3 =	ssub.s32 $0x0, s20;
	[sflag:s22] =	ssyncset.done $0x0  }
0xa0: {  	[sflag:s22] =	ssyncadd.s32 s3;
	_ =	sdelay $0x1  }
0xa1: {  	s23 =	simm.s32 $0x1B8B  }
0xa2: {  	_ =	swait.ge [sflag:s23], $0x1  }
0xa3: {  	[sflag:s23] =	ssyncset.done $0x0  }
0xa4: {  	s25 =	simm.s32 $0x1B8E;
	s24 =	sld [smem:$0x3FFE];
	[sflag:s23] =	ssyncadd.s32 $0xFFFFFFFF  }
0xa5: {  	s26 =	simm.s32 $execute0_lowered;
	[smem:$0x3FD2] =	sst s25  }
0xa6: {  	s4 =	sshll.u32 s26, $0x1;
	_ =	strace $0x8000004C;
	[dreg:$0x1] =	wrdreg $0xFFFFFFFF  }
0xa7: {  	s28 =	simm.s32 $_size_execute0_lowered;
	s2 =	sadd.s32 s2, s4;
	[dreg:$0x0] =	wrdreg $0x0  }
0xa8: {  	s4 =	sshll.u32 s28, $0x1;
	[dreg:$0x2] =	wrdreg s2  }
0xa9: {  	[dreg:$0x3] =	wrdreg s4  }
0xaa: {  	[dreg:$0x4] =	wrdreg $0xC0  }
0xab: {  	_ =	task [dreg:s6], $0x5FFFF  }
0xac: {  	[dreg:$0x1] =	wrdreg $0xFFFFFFFF  }
0xad: {  	[dreg:$0x0] =	wrdreg $0x60  }
0xae: {  	[dreg:$0x2] =	wrdreg s24  }
0xaf: {  	[dreg:$0x3] =	wrdreg $0x29900  }
0xb0: {  	[dreg:$0x4] =	wrdreg $0xA  }
0xb1: {  	_ =	task.clear_ibuf [dreg:s6], $0x5FFFF;
	_ =	strace $0x9000004C  }
0xb2: {  	s29 =	simm.s32 $0xA;
	_ =	strace $0x8000004E  }
0xb3: {  	_ =	swait.ge [sflag:s29], $0x1  }
0xb4: {  	[sflag:s29] =	ssyncadd.s32 $0xFFFFFFFF  }
0xb5: {  	_ =	strace $0x9000004E  }
0xb6: {  	_ =	sfence  }
0xb7: {  	s30 =	sld [smem:$0x0];
	_ =	sdelay $0x2  }
0xb8: {  	s31 =	sshll.u32 s1, $0xD;
	s1 =	sshrl.u32 s1, $0x2  }
0xb9: {  	s3 =	sand.u32 $0x4000, s31;
	s1 =	sadd.s32 s1, s30  }
0xba: {  	s0 =	sor.u32 s3, s0;
	s1 =	sshll.u32 s1, $0x11  }
0xbb: {  	s0 =	sor.u32 s1, s0  }
0xbc: {  	s0 =	sadd.s32 $0x8F2B, s0  }
0xbd: {  	[sflag:s0] =	ssyncadd.remote.s32 $0x1  }
0xbe: {  	_ =	sfence.sel $0xFFFF  }
0xbf: {  	[dreg:$0x0] =	wrdreg $0xFFFFFFFF;
	(pc) =	sbr.abs _section_cstart, $3  }
0xc0: {  	[dreg:$0x1] =	wrdreg $0xFFFFFFFF  }
0xc1: {  	_ =	task.clear_ibuf [dreg:s6], $0x2FFFF;
	_ =	strace $0x9FFFFFFF  }
0xc2: {  	(tm) =	ssettm $0x7FFFFFFF  }
0xc3: {  	_ =	shalt  }
tec
execute0_lowered:
.L_overlay_start_1:
0x0: {  	(tag) =	ssettag $0x1  }
0x1: {  	s4 =	rddreg [dreg:$0x0]  }
0x2: {  	s2 =	rddreg [dreg:$0x1]  }
0x3: {  	s0 =	rddreg [dreg:$0x2];
	s1 =	stileid.u32  }
0x4: {  	s3 =	simm.s32 $0x0;
	s6 =	srdreg.scid;
	s5 =	smul.u32 $0x4E20, s1  }
0x5: {  	s12 =	simm.s32 $0x2710;
	s15 =	simm.s32 $0x0;
	s7 =	smul.u32 $0x2780, s1  }
0x6: {  	[smem:$0x7FF] =	sst s3;
	s13 =	sand.u32 $0x1, s6;
	s29 =	smul.u32 $0x4E2, s1  }
0x7: {  	s31 =	sshll.u32 s1, $0x6;
	_ =	strace $0x8000004D;
	s8 =	ssub.s32 $0x2, s13  }
0x8: {  	p0 =	sne.s32 s13, $0x0;
	s13 =	simm.s32 $0x28;
	s9 =	sadd.s32 s5, s4  }
0x9: {  	s30 =	sshrl.u32 s7, $0x3;
	s10 =	sshrl.u32 s8, $0x1;
	s6 =	sadd.s32 s29, s4  }
0xa: {  	s14 =	sadd.s32 s7, s2;
	s5 =	sor.u32 $0x1C01, s31;
	s11 =	sadd.s32 s30, s4  }
0xb: {  	s8 =	ssub.s32 s8, s10;
	s6 =	sadd.s32 $0x7A00, s6;
	s9 =	sadd.s32 $0x3DC00, s9  }
0xc: {  	s10 =	sshrl.u32 s14, $0x3;
	s14 =	sshrl.u32 @!p0 s14, $0x3;
	s4 =	sadd.s32 $0x38C00, s11  }
0xd: {  	s7 =	sadd.s32 $0x8BE00, s11;
	s8 =	smax.u32 s8, $0x1;
	s11 =	simm.s32 $0x1  }
.LBB2_1:
0xe: {  	[spmem:s10], [sflag:s5] =	dma.local [hbm:s4], $0x4F0  }
0xf: {  	_ =	swait.ge [sflag:s11], $0x4F0  }
0x10: {  	[sflag:s11] =	ssyncset.done $0x0  }
0x11: {  	[sflag:s11] =	ssyncadd.s32 $0xFFFFFB10  }
0x12: {  	[tilespmem:s3], [sflag:$0x1] =	stream.linear.gather [hbm4b:s6+s3], $0x2710, $0x38;
	[tilespmem:$0x5110] =	vst v63  }
0x13: {  	_ =	swait.ge [sflag:s11], $0x2710  }
0x14: {  	[sflag:s11] =	ssyncset.done $0x0  }
0x15: {  	[sflag:s11] =	ssyncadd.s32 $0xFFFFD8F0  }
0x16: {  	s16 =	sadd.s32 $0x0, s9;
	[bflag:$0x0] =	sbarrier.arrive $0xFFFF  }
0x17: {  	[tilespmem:s12], [sflag:$0x1] =	stream.linear.gather [hbm4b:s16+s3], $0x280, $0x38;
	[tilespmem:$0x5110] =	vst v63  }
0x18: {  	_ =	swait.ge [sflag:s11], $0x280  }
0x19: {  	[sflag:s11] =	ssyncset.done $0x0  }
0x1a: {  	[sflag:s11] =	ssyncadd.s32 $0xFFFFFD80  }
0x1b: {  	[spmem:s2] =	stream.indirect.scatter.add.f32 [tilespmem:s12], [sflag:$0x1], $0x10, s3, s13, $0xb8;
	[tilespmem:$0x5110] =	vst v63  }
0x1c: {  	s17 =	simm.s32 $0x50;
	_ =	swait.ge [sflag:s11], $0x280  }
0x1d: {  	s18 =	simm.s32 $0xA0;
	s16 =	simm.s32 $0x28;
	[sflag:s11] =	ssyncset.done $0x0  }
.LBB2_2:
0x1e: {  	s19 =	sadd.s32 s17, s9  }
0x1f: {  	[sflag:s11] =	ssyncadd.s32 $0xFFFFFD80;
	s17 =	smov.u32 s18;
	s20 =	sadd.s32 $0x50, s18  }
0x20: {  	[tilespmem:s12], [sflag:$0x1] =	stream.linear.gather [hbm4b:s19+s3], $0x280, $0x38;
	[tilespmem:$0x5110] =	vst v63  }
0x21: {  	p1 =	sne.s32 s18, $0x4DD0;
	_ =	swait.ge [sflag:s11], $0x280  }
.Ltmp0:
0x22: {  	[sflag:s11] =	ssyncset.done $0x0;
	(pc) =	sbr.rel @p1 .LBB2_2-.Ltmp0, $4  }
0x23: {  	[sflag:s11] =	ssyncadd.s32 $0xFFFFFD80  }
0x24: {  	[spmem:s2] =	stream.indirect.scatter.add.f32 [tilespmem:s12], [sflag:$0x1], $0x10, s16, s13, $0xb8;
	[tilespmem:$0x5110] =	vst v63  }
0x25: {  	_ =	swait.ge [sflag:s11], $0x280  }
0x26: {  	s18 =	smov.u32 s20;
	s16 =	sadd.s32 $0x28, s16;
	[sflag:s11] =	ssyncset.done $0x0  }
0x27: {  	s17 =	sadd.s32 s17, s9;
	[sflag:s11] =	ssyncadd.s32 $0xFFFFFD80  }
0x28: {  	[tilespmem:s12], [sflag:$0x1] =	stream.linear.gather [hbm4b:s17+s3], $0x280, $0x38;
	[tilespmem:$0x5110] =	vst v63  }
0x29: {  	_ =	swait.ge [sflag:s11], $0x280  }
0x2a: {  	[sflag:s11] =	ssyncset.done $0x0  }
0x2b: {  	[sflag:s11] =	ssyncadd.s32 $0xFFFFFD80  }
0x2c: {  	[spmem:s2] =	stream.indirect.scatter.add.f32 [tilespmem:s12], [sflag:$0x1], $0x10, s16, s13, $0xb8;
	[tilespmem:$0x5110] =	vst v63  }
0x2d: {  	_ =	swait.ge [sflag:s11], $0x280  }
0x2e: {  	s15 =	sadd.s32 $0x1, s15;
	[sflag:s11] =	ssyncset.done $0x0  }
0x2f: {  	p1 =	sne.s32 s15, s8;
	[sflag:s11] =	ssyncadd.s32 $0xFFFFFD80  }
.Ltmp1:
0x30: {  	s16 =	simm.s32 @!p0 $0x1;
	[bflag:$0x0] =	sbarrier.arrive $0xFFFF;
	(pc) =	sbr.rel @p1 .LBB2_1-.Ltmp1, $4  }
0x31: {  	[hbm:s7], [sflag:s5] =	dma.local @!p0 [spmem:s14], $0x4F0  }
0x32: {  	_ =	swait.ge @!p0 [sflag:s16], $0x4F0  }
0x33: {  	[sflag:s16] =	ssyncset.done @!p0 $0x0  }
0x34: {  	[sflag:s16] =	ssyncadd.s32 @!p0 $0xFFFFFB10  }
0x35: {  	_ =	sfence.sel $0x180000  }
0x36: {  	[bflag:$0x0] =	sbarrier.arrive $0xFFFF  }
0x37: {  	p0 =	sne.s32 s1, $0x0;
	_ =	strace $0x9000004D  }
0x38: {  	s0 =	sadd.s32 @!p0 $0x100000, s0;
	[bflag:$0x2] =	sbarrier.arrive $0xFFFF  }
0x39: {  	[sflag:s0] =	ssyncadd.tile.s32 @!p0 $0x1;
	_ =	shalt  }
.Lfunc_end2:
_tile_overlayer_lowered:
.L_overlay_start_2:
0x3a: {  	(tag) =	ssettag $0x2  }
0x3b: {  	s0 =	rddreg [dreg:$0x0];
	s2 =	stileid.u32  }
0x3c: {  	s1 =	rddreg [dreg:$0x1];
	p0 =	sne.s32 s2, $0x0  }
0x3d: {  	s3 =	rddreg [dreg:$0x2];
	[bflag:$0x3] =	sbarrier.arrive $0xFFFF;
	s2 =	simm.s32 @!p0 $0x1C01  }
0x3e: {  	[timem:s3], [sflag:s2] =	dma.local @!p0 [hbm:s0], s1  }
0x3f: {  	s0 =	simm.s32 @!p0 $0x1  }
0x40: {  	_ =	swait.ge @!p0 [sflag:s0], s1  }
0x41: {  	s1 =	ssub.s32 @!p0 $0x0, s1;
	[sflag:s0] =	ssyncset.done @!p0 $0x0  }
0x42: {  	[sflag:s0] =	ssyncadd.s32 @!p0 s1  }
0x43: {  	[bflag:$0x3] =	sbarrier.arrive $0xFFFF  }
0x44: {  	_ =	shalt  }

// kernel: kernel.24.cloned.1.call-start
scs
__scs_entry_jumppad:
0x0: {  	(pc) =	sbr.rel $0x88, $3  }
0x1: {  	(tag) =	ssettag $0x0;
	lr =	simm.s32 $0x1  }
0x2: {  	[smem:$0x3F87] =	sst lr;
	_ =	strace $0xD0000000  }
0x3: {  	_ = 	snop  }
0x4: {  	_ = 	snop  }
0x5: {  	_ = 	snop  }
0x6: {  	_ = 	snop  }
0x7: {  	_ = 	snop  }
__scs_overlays_trampoline_lowered:
0x8: {  	[smem:$0x3F96] =	sst s0  }
0x9: {  	[smem:$0x3F97] =	sst s1  }
0xa: {  	[smem:$0x3F98] =	sst s2  }
0xb: {  	[smem:$0x3F99] =	sst s3  }
0xc: {  	[smem:$0x3F9A] =	sst s4  }
0xd: {  	[smem:$0x3F9B] =	sst s5  }
0xe: {  	[smem:$0x3F9C] =	sst s6  }
0xf: {  	[smem:$0x3F9D] =	sst s7  }
0x10: {  	[smem:$0x3F9E] =	sst s8  }
0x11: {  	[smem:$0x3F9F] =	sst s9;
	s0 =	simm.s32 @!p0 $0x0  }
0x12: {  	s1 =	sld [smem:$0x3F85];
	s0 =	simm.s32 @p0 $0x1  }
0x13: {  	[smem:$0x3FA0] =	sst s0;
	s0 =	simm.s32 @!p1 $0x0  }
0x14: {  	s2 =	sld [smem:$0x3F84];
	s0 =	simm.s32 @p1 $0x1  }
0x15: {  	[smem:$0x3FA1] =	sst s0;
	s0 =	simm.s32 @!p2 $0x0  }
0x16: {  	s3 =	sld [smem:$0x3FDB];
	s0 =	simm.s32 @p2 $0x1  }
0x17: {  	s4 =	simm.s32 $0x1BF5;
	[smem:$0x3FA3] =	sst s0  }
0x18: {  	s0 =	sld [smem:$0x3F86];
	_ =	swait.ge [sflag:s4], $0x0  }
0x19: {  	s7 =	sld [smem:$0x3F87]  }
0x1a: {  	s8 =	sadd.s32 $0xFFFFE003, lr  }
0x1b: {  	s9 =	sadd.s32 $0xFFFFFEF7, lr;
	s5 =	simm.s32 $0xFFFFFFFF;
	p2 =	slt.u32 s8, $0xFFFFF086  }
0x1c: {  	p1 =	slt.u32 s9, $0xF7A;
	s5 =	simm.s32 @!p2 $0x0  }
0x1d: {  	s5 =	simm.s32 @p1 $0x1;
	p0 =	seq.s32 s7, s2  }
0x1e: {  	s7 =	smul.u32 @!p0 $0xF7A, s2;
	p2 =	seq.s32 @!p0 s5, $0x0  }
0x1f: {  	s9 =	smul.u32 $0xF7A, s1;
	s8 =	simm.s32 @!p0 $0x1BF5;
	p2 =	por !p2, p0  }
0x20: {  	[sflag:s8] =	ssyncset.s32 @!p0 $0xFFFFF086;
	s6 =	sadd.s32 @!p0 s3, s7;
	s7 =	simm.s32 @!p0 $0x108  }
0x21: {  	s3 =	sadd.s32 s3, s9;
	s6 =	sadd.s32 @!p0 $0x88, s6;
	s7 =	simm.s32 @p2 $0x1082  }
0x22: {  	[simem:s7], [sflag:s8] =	dma.local @!p0 [hbm:s6], $0xF7A  }
0x23: {  	s9 =	sor.u32 $0xD0000000, s2;
	s6 =	simm.s32 $0x108;
	_ =	swait.ge @!p0 [sflag:s8], $0x0  }
0x24: {  	s3 =	sadd.s32 $0x88, s3;
	s6 =	simm.s32 @!p1 $0x1082;
	[sflag:s4] =	ssyncset.s32 $0xFFFFF086  }
0x25: {  	[simem:s6], [sflag:s4] =	dma.local [hbm:s3], $0xF7A  }
0x26: {  	[smem:$0x3F87] =	sst s1;
	(tag) =	ssettag s2;
	_ =	strace s9  }
0x27: {  	s1 =	sld [smem:$0x3F97]  }
0x28: {  	s2 =	sld [smem:$0x3F98]  }
0x29: {  	s4 =	sld [smem:$0x3F9A]  }
0x2a: {  	p0 =	seq.s32 s5, $0x0;
	s5 =	sld [smem:$0x3F9B]  }
0x2b: {  	s6 =	sld [smem:$0x3F9C]  }
0x2c: {  	s7 =	sld [smem:$0x3F9D]  }
0x2d: {  	s3 =	simm.s32 $0x108;
	s8 =	sld [smem:$0x3F9E]  }
0x2e: {  	s3 =	simm.s32 @!p0 $0x1082;
	s9 =	sld [smem:$0x3F9F]  }
0x2f: {  	lr =	sadd.s32 s0, s3;
	s0 =	sld [smem:$0x3F96]  }
0x30: {  	s3 =	sld [smem:$0x3F99]  }
0x31: {  	[smem:$0x3FA2] =	sst s10  }
0x32: {  	s10 =	sld [smem:$0x3FA0];
	_ =	sdelay $0x3  }
0x33: {  	p0 =	seq.s32 s10, $0x1;
	s10 =	sld [smem:$0x3FA2];
	_ =	sdelay $0x3  }
0x34: {  	[smem:$0x3FA2] =	sst s10  }
0x35: {  	s10 =	sld [smem:$0x3FA1];
	_ =	sdelay $0x3  }
0x36: {  	p1 =	seq.s32 s10, $0x1;
	s10 =	sld [smem:$0x3FA2];
	_ =	sdelay $0x3  }
0x37: {  	[smem:$0x3FA2] =	sst s10  }
0x38: {  	s10 =	sld [smem:$0x3FA3]  }
0x39: {  	_ = 	snop;
	(pc) =	sbr.ind lr, $3  }
0x3a: {  	_ = 	snop  }
0x3b: {  	_ = 	snop  }
0x3c: {  	p2 =	seq.s32 s10, $0x1;
	s10 =	sld [smem:$0x3FA2]  }
0x3d: {  	_ =	shalt  }
0x3e: {  	_ =	shalt  }
0x3f: {  	_ =	shalt  }
0x40: {  	_ =	shalt  }
0x41: {  	_ =	shalt  }
0x42: {  	_ =	shalt  }
0x43: {  	_ =	shalt  }
0x44: {  	_ =	shalt  }
0x45: {  	_ =	shalt  }
0x46: {  	_ =	shalt  }
0x47: {  	_ =	shalt  }
0x48: {  	_ =	shalt  }
0x49: {  	_ =	shalt  }
0x4a: {  	_ =	shalt  }
0x4b: {  	_ =	shalt  }
0x4c: {  	_ =	shalt  }
0x4d: {  	_ =	shalt  }
0x4e: {  	_ =	shalt  }
0x4f: {  	_ =	shalt  }
0x50: {  	_ =	shalt  }
0x51: {  	_ =	shalt  }
0x52: {  	_ =	shalt  }
0x53: {  	_ =	shalt  }
0x54: {  	_ =	shalt  }
0x55: {  	_ =	shalt  }
0x56: {  	_ =	shalt  }
0x57: {  	_ =	shalt  }
0x58: {  	_ =	shalt  }
0x59: {  	_ =	shalt  }
0x5a: {  	_ =	shalt  }
0x5b: {  	_ =	shalt  }
0x5c: {  	_ =	shalt  }
0x5d: {  	_ =	shalt  }
0x5e: {  	_ =	shalt  }
0x5f: {  	_ =	shalt  }
0x60: {  	_ =	shalt  }
0x61: {  	_ =	shalt  }
0x62: {  	_ =	shalt  }
0x63: {  	_ =	shalt  }
0x64: {  	_ =	shalt  }
0x65: {  	_ =	shalt  }
0x66: {  	_ =	shalt  }
0x67: {  	_ =	shalt  }
0x68: {  	_ =	shalt  }
0x69: {  	_ =	shalt  }
0x6a: {  	_ =	shalt  }
0x6b: {  	_ =	shalt  }
0x6c: {  	_ =	shalt  }
0x6d: {  	_ =	shalt  }
0x6e: {  	_ =	shalt  }
0x6f: {  	_ =	shalt  }
0x70: {  	_ =	shalt  }
0x71: {  	_ =	shalt  }
0x72: {  	_ =	shalt  }
0x73: {  	_ =	shalt  }
0x74: {  	_ =	shalt  }
0x75: {  	_ =	shalt  }
0x76: {  	_ =	shalt  }
0x77: {  	_ =	shalt  }
0x78: {  	_ =	shalt  }
0x79: {  	_ =	shalt  }
0x7a: {  	_ =	shalt  }
0x7b: {  	_ =	shalt  }
0x7c: {  	_ =	shalt  }
0x7d: {  	_ =	shalt  }
0x7e: {  	_ =	shalt  }
0x7f: {  	_ =	shalt  }
0x80: {  	_ =	shalt  }
0x81: {  	_ =	shalt  }
0x82: {  	_ =	shalt  }
0x83: {  	_ =	shalt  }
0x84: {  	_ =	shalt  }
0x85: {  	_ =	shalt  }
0x86: {  	_ =	shalt  }
0x87: {  	_ =	shalt  }
.Lfunc_end0:
.L_simem_size_0:
called_computation.3_lowered:
.L_overlay_start_0:
0x88: {  	s2 =	sld [smem:$0x3FD9]  }
0x89: {  	s3 =	sld [smem:$0x3FFE];
	_ =	sdelay $0x1  }
0x8a: {  	s1 =	srdreg.scid  }
0x8b: {  	s0 =	sand.u32 $0x1, s1  }
0x8c: {  	s17 =	sshll.u32 s0, $0xA;
	s2 =	sadd.s32 s3, s2  }
0x8d: {  	s2 =	sadd.s32 s2, s17  }
0x8e: {  	[smem:$0x3FAE] =	sst s2  }
0x8f: {  	_ = 	snop  }
0x90: {  	(tm) =	ssettm $0x1  }
0x91: {  	s18 =	sld [smem:$0x3FFB];
	_ =	sdelay $0x3  }
0x92: {  	_ =	strace s18  }
0x93: {  	s2 =	sld [smem:$0x3FFC];
	_ =	sdelay $0x3  }
0x94: {  	_ =	strace s2  }
0x95: {  	s2 =	sld [smem:$0x3FFD];
	_ =	sdelay $0x3  }
0x96: {  	_ =	strace s2  }
0x97: {  	_ =	strace $0x8FFFFFFF  }
0x98: {  	s19 =	sld [smem:$0x3FDB];
	_ =	sdelay $0x1  }
0x99: {  	s20 =	simm.s32 $_scs_section_size  }
0x9a: {  	s4 =	simm.s32 $_size__tile_overlayer_lowered;
	s5 =	simm.s32 $_tile_overlayer_lowered  }
0x9b: {  	s6 =	simm.s32 $0x1BFF;
	s21 =	sshll.u32 s5, $0x1;
	s3 =	sadd.s32 s20, s19  }
0x9c: {  	s22 =	simm.s32 $0x0;
	s4 =	sshll.u32 s4, $0x1;
	s5 =	sadd.s32 s21, s3  }
0x9d: {  	[timem:s22], [sflag:s6] =	dma.local [hbm:s5], s4  }
0x9e: {  	_ =	swait.ge [sflag:s6], s4  }
0x9f: {  	s4 =	ssub.s32 $0x0, s4;
	[sflag:s6] =	ssyncset.done $0x0  }
0xa0: {  	[sflag:s6] =	ssyncadd.s32 s4;
	_ =	sdelay $0x1  }
0xa1: {  	s23 =	simm.s32 $0x1B8B  }
0xa2: {  	_ =	swait.ge [sflag:s23], $0x1  }
0xa3: {  	[sflag:s23] =	ssyncset.done $0x0  }
0xa4: {  	[sflag:s23] =	ssyncadd.s32 $0xFFFFFFFF  }
0xa5: {  	s4 =	sld [smem:$0x0]  }
0xa6: {  	s5 =	sand.u32 $0xFFFFFFFE, s1  }
0xa7: {  	p0 =	sne.s32 s1, s5  }
0xa8: {  	s5 =	sshll.u32 @p0 s5, $0xE  }
0xa9: {  	s5 =	sadd.s32 @p0 $0x11B8D, s5;
	s6 =	sshll.u32 @p0 s4, $0x11  }
0xaa: {  	s5 =	sor.u32 @p0 s6, s5  }
0xab: {  	[sflag:s5] =	ssyncadd.remote.s32 @p0 $0x1;
	_ =	sdelay $0x1  }
0xac: {  	s5 =	simm.s32 @p0 $0x1B8D  }
0xad: {  	_ =	swait.eq @p0 [sflag:s5], $0x1  }
0xae: {  	[sflag:s5] =	ssyncadd.s32 @p0 $0xFFFFFFFF  }
0xaf: {  	s6 =	sshll.u32 @!p0 s1, $0xE  }
0xb0: {  	s6 =	sor.u32 @!p0 $0x4000, s6;
	s5 =	simm.s32 @!p0 $0x1B8D  }
0xb1: {  	s4 =	sshll.u32 @!p0 s4, $0x11;
	s6 =	sadd.s32 @!p0 $0x11B8D, s6;
	_ =	swait.eq @!p0 [sflag:s5], $0x1  }
0xb2: {  	s4 =	sor.u32 @!p0 s4, s6;
	[sflag:s5] =	ssyncadd.s32 @!p0 $0xFFFFFFFF  }
0xb3: {  	s25 =	simm.s32 $0x1B8E;
	s24 =	sld [smem:$0x3FFE];
	[sflag:s4] =	ssyncadd.remote.s32 @!p0 $0x1  }
0xb4: {  	s26 =	simm.s32 $execute0_lowered;
	[smem:$0x3FD2] =	sst s25  }
0xb5: {  	s5 =	sshll.u32 s26, $0x1;
	_ =	strace $0x80000052;
	[dreg:$0x1] =	wrdreg $0xFFFFFFFF  }
0xb6: {  	s28 =	simm.s32 $_size_execute0_lowered;
	s3 =	sadd.s32 s3, s5;
	[dreg:$0x0] =	wrdreg $0x0  }
0xb7: {  	s5 =	sshll.u32 s28, $0x1;
	[dreg:$0x2] =	wrdreg s3  }
0xb8: {  	[dreg:$0x3] =	wrdreg s5  }
0xb9: {  	[dreg:$0x4] =	wrdreg $0xC0  }
0xba: {  	_ =	task [dreg:s22], $0x5FFFF  }
0xbb: {  	[dreg:$0x1] =	wrdreg $0xFFFFFFFF  }
0xbc: {  	[dreg:$0x0] =	wrdreg $0x60  }
0xbd: {  	[dreg:$0x2] =	wrdreg s24  }
0xbe: {  	[dreg:$0x3] =	wrdreg $0xA  }
0xbf: {  	_ =	task.clear_ibuf [dreg:s22], $0x4FFFF;
	_ =	strace $0x90000052  }
0xc0: {  	s29 =	simm.s32 $0xA;
	_ =	strace $0x80000054  }
0xc1: {  	_ =	swait.ge [sflag:s29], $0x1  }
0xc2: {  	[sflag:s29] =	ssyncadd.s32 $0xFFFFFFFF  }
0xc3: {  	_ =	strace $0x90000054  }
0xc4: {  	_ =	sfence  }
0xc5: {  	s30 =	sld [smem:$0x0];
	_ =	sdelay $0x2  }
0xc6: {  	s31 =	sshll.u32 s1, $0xD;
	s1 =	sshrl.u32 s1, $0x2  }
0xc7: {  	s4 =	sand.u32 $0x4000, s31;
	s1 =	sadd.s32 s1, s30  }
0xc8: {  	s0 =	sor.u32 s4, s0;
	s1 =	sshll.u32 s1, $0x11  }
0xc9: {  	s0 =	sor.u32 s1, s0  }
0xca: {  	s0 =	sadd.s32 $0x8F2B, s0  }
0xcb: {  	[sflag:s0] =	ssyncadd.remote.s32 $0x1  }
0xcc: {  	_ =	sfence.sel $0xFFFF  }
0xcd: {  	[dreg:$0x0] =	wrdreg $0xFFFFFFFF;
	(pc) =	sbr.abs _section_cstart, $3  }
0xce: {  	[dreg:$0x1] =	wrdreg $0xFFFFFFFF  }
0xcf: {  	_ =	task.clear_ibuf [dreg:s22], $0x2FFFF;
	_ =	strace $0x9FFFFFFF  }
0xd0: {  	(tm) =	ssettm $0x7FFFFFFF  }
0xd1: {  	_ =	shalt  }
tec
execute0_lowered:
.L_overlay_start_1:
0x0: {  	(tag) =	ssettag $0x1  }
0x1: {  	s1 =	srdreg.scid  }
0x2: {  	s0 =	stileid.u32;
	s4 =	rddreg [dreg:$0x0];
	s2 =	simm.s32 $0x0  }
0x3: {  	s11 =	simm.s32 $0x0;
	s5 =	sand.u32 $0x1, s1;
	s1 =	rddreg [dreg:$0x1]  }
0x4: {  	s3 =	sshll.u32 s0, $0x1;
	[smem:$0x7FF] =	sst s2;
	s7 =	smul.u32 $0x4E20, s0  }
0x5: {  	s3 =	sor.u32 s5, s3;
	_ =	strace $0x80000053;
	s10 =	smul.u32 $0x2710, s5  }
0x6: {  	s8 =	ssub.s32 $0x2, s5;
	s6 =	smul.u32 $0x271, s3;
	s3 =	sadd.s32 $0x8BE00, s4  }
0x7: {  	s9 =	sshrl.u32 s8, $0x1;
	s30 =	sadd.s32 s7, s4;
	s7 =	simm.s32 $0x2  }
0x8: {  	s31 =	ssub.s32 s8, s9;
	s8 =	simm.s32 $0x28;
	s9 =	simm.s32 $0x1388  }
0x9: {  	s29 =	sadd.s32 s6, s4;
	s5 =	smax.u32 s31, $0x1;
	s6 =	sadd.s32 s10, s30  }
0xa: {  	s10 =	simm.s32 $0x1;
	s4 =	sadd.s32 $0x7A00, s29;
	s6 =	sadd.s32 $0x3DC00, s6  }
.LBB2_1:
0xb: {  	[tilespmem:s2], [sflag:$0x2] =	stream.linear.gather [hbm4b:s4+s2], $0x1388, $0x38;
	[tilespmem:$0x1608] =	vst v63  }
0xc: {  	_ =	swait.ge [sflag:s7], $0x1388  }
0xd: {  	[sflag:s7] =	ssyncset.done $0x0  }
0xe: {  	[sflag:s7] =	ssyncadd.s32 $0xFFFFEC78  }
0xf: {  	[tilespmem:s9], [sflag:$0x1] =	stream.indirect.gather [hbm4b:s3+s8], $0x10, s2, s8, $0xb8;
	[tilespmem:$0x1608] =	vst v63  }
0x10: {  	_ =	swait.ge [sflag:s10], $0x280  }
0x11: {  	[sflag:s10] =	ssyncset.done $0x0  }
0x12: {  	s12 =	sadd.s32 $0x0, s6;
	[sflag:s10] =	ssyncadd.s32 $0xFFFFFD80  }
0x13: {  	[hbm4b:s12+s2] =	stream.linear.scatter [tilespmem:s9], [sflag:$0x2], $0x280, $0x38;
	[tilespmem:$0x1608] =	vst v63  }
0x14: {  	_ =	swait.ge [sflag:s7], $0x280  }
0x15: {  	s13 =	simm.s32 $0x0;
	s12 =	simm.s32 $0x50;
	[sflag:s7] =	ssyncset.done $0x0  }
.LBB2_2:
0x16: {  	p0 =	sne.s32 s12, $0x26C0;
	[sflag:s7] =	ssyncadd.s32 $0xFFFFFD80;
	s13 =	sadd.s32 $0x28, s13  }
0x17: {  	[tilespmem:s9], [sflag:$0x1] =	stream.indirect.gather [hbm4b:s3+s8], $0x10, s13, s8, $0xb8;
	[tilespmem:$0x1608] =	vst v63  }
0x18: {  	s14 =	smov.u32 s12;
	s12 =	sadd.s32 $0x50, s12;
	_ =	swait.ge [sflag:s10], $0x280  }
.Ltmp0:
0x19: {  	[sflag:s10] =	ssyncset.done $0x0;
	(pc) =	sbr.rel @p0 .LBB2_2-.Ltmp0, $4  }
0x1a: {  	s14 =	sadd.s32 s14, s6;
	[sflag:s10] =	ssyncadd.s32 $0xFFFFFD80  }
0x1b: {  	[hbm4b:s14+s2] =	stream.linear.scatter [tilespmem:s9], [sflag:$0x2], $0x280, $0x38;
	[tilespmem:$0x1608] =	vst v63  }
0x1c: {  	_ =	swait.ge [sflag:s7], $0x280  }
0x1d: {  	[sflag:s7] =	ssyncset.done $0x0  }
0x1e: {  	s11 =	sadd.s32 $0x1, s11  }
0x1f: {  	p0 =	sne.s32 s11, s5  }
.Ltmp1:
0x20: {  	_ = 	snop;
	(pc) =	sbr.rel @p0 .LBB2_1-.Ltmp1, $2  }
0x21: {  	_ =	sdelay $0x2  }
0x22: {  	[sflag:s7] =	ssyncadd.s32 $0xFFFFFD80  }
0x23: {  	_ =	sfence.sel $0x180000  }
0x24: {  	[bflag:$0x0] =	sbarrier.arrive $0xFFFF  }
0x25: {  	p0 =	sne.s32 s0, $0x0;
	_ =	strace $0x90000053  }
0x26: {  	s0 =	sadd.s32 @!p0 $0x100000, s1;
	[bflag:$0x2] =	sbarrier.arrive $0xFFFF  }
0x27: {  	[sflag:s0] =	ssyncadd.tile.s32 @!p0 $0x1;
	_ =	shalt  }
.Lfunc_end2:
_tile_overlayer_lowered:
.L_overlay_start_2:
0x28: {  	(tag) =	ssettag $0x2  }
0x29: {  	s0 =	rddreg [dreg:$0x0];
	s2 =	stileid.u32  }
0x2a: {  	s1 =	rddreg [dreg:$0x1];
	p0 =	sne.s32 s2, $0x0  }
0x2b: {  	s3 =	rddreg [dreg:$0x2];
	[bflag:$0x3] =	sbarrier.arrive $0xFFFF;
	s2 =	simm.s32 @!p0 $0x1C02  }
0x2c: {  	[timem:s3], [sflag:s2] =	dma.local @!p0 [hbm:s0], s1  }
0x2d: {  	s0 =	simm.s32 @!p0 $0x2  }
0x2e: {  	_ =	swait.ge @!p0 [sflag:s0], s1  }
0x2f: {  	s1 =	ssub.s32 @!p0 $0x0, s1;
	[sflag:s0] =	ssyncset.done @!p0 $0x0  }
0x30: {  	[sflag:s0] =	ssyncadd.s32 @!p0 s1  }
0x31: {  	[bflag:$0x3] =	sbarrier.arrive $0xFFFF  }
0x32: {  	_ =	shalt  }

// kernel: kernel.27.cloned.1.call-start
scs
__scs_entry_jumppad:
0x0: {  	(pc) =	sbr.rel $0x88, $3  }
0x1: {  	(tag) =	ssettag $0x0;
	lr =	simm.s32 $0x1  }
0x2: {  	[smem:$0x3F87] =	sst lr;
	_ =	strace $0xD0000000  }
0x3: {  	_ = 	snop  }
0x4: {  	_ = 	snop  }
0x5: {  	_ = 	snop  }
0x6: {  	_ = 	snop  }
0x7: {  	_ = 	snop  }
__scs_overlays_trampoline_lowered:
0x8: {  	[smem:$0x3F96] =	sst s0  }
0x9: {  	[smem:$0x3F97] =	sst s1  }
0xa: {  	[smem:$0x3F98] =	sst s2  }
0xb: {  	[smem:$0x3F99] =	sst s3  }
0xc: {  	[smem:$0x3F9A] =	sst s4  }
0xd: {  	[smem:$0x3F9B] =	sst s5  }
0xe: {  	[smem:$0x3F9C] =	sst s6  }
0xf: {  	[smem:$0x3F9D] =	sst s7  }
0x10: {  	[smem:$0x3F9E] =	sst s8  }
0x11: {  	[smem:$0x3F9F] =	sst s9;
	s0 =	simm.s32 @!p0 $0x0  }
0x12: {  	s1 =	sld [smem:$0x3F85];
	s0 =	simm.s32 @p0 $0x1  }
0x13: {  	[smem:$0x3FA0] =	sst s0;
	s0 =	simm.s32 @!p1 $0x0  }
0x14: {  	s2 =	sld [smem:$0x3F84];
	s0 =	simm.s32 @p1 $0x1  }
0x15: {  	[smem:$0x3FA1] =	sst s0;
	s0 =	simm.s32 @!p2 $0x0  }
0x16: {  	s3 =	sld [smem:$0x3FDB];
	s0 =	simm.s32 @p2 $0x1  }
0x17: {  	s4 =	simm.s32 $0x1BF5;
	[smem:$0x3FA3] =	sst s0  }
0x18: {  	s0 =	sld [smem:$0x3F86];
	_ =	swait.ge [sflag:s4], $0x0  }
0x19: {  	s7 =	sld [smem:$0x3F87]  }
0x1a: {  	s8 =	sadd.s32 $0xFFFFE003, lr  }
0x1b: {  	s9 =	sadd.s32 $0xFFFFFEF7, lr;
	s5 =	simm.s32 $0xFFFFFFFF;
	p2 =	slt.u32 s8, $0xFFFFF086  }
0x1c: {  	p1 =	slt.u32 s9, $0xF7A;
	s5 =	simm.s32 @!p2 $0x0  }
0x1d: {  	s5 =	simm.s32 @p1 $0x1;
	p0 =	seq.s32 s7, s2  }
0x1e: {  	s7 =	smul.u32 @!p0 $0xF7A, s2;
	p2 =	seq.s32 @!p0 s5, $0x0  }
0x1f: {  	s9 =	smul.u32 $0xF7A, s1;
	s8 =	simm.s32 @!p0 $0x1BF5;
	p2 =	por !p2, p0  }
0x20: {  	[sflag:s8] =	ssyncset.s32 @!p0 $0xFFFFF086;
	s6 =	sadd.s32 @!p0 s3, s7;
	s7 =	simm.s32 @!p0 $0x108  }
0x21: {  	s3 =	sadd.s32 s3, s9;
	s6 =	sadd.s32 @!p0 $0x88, s6;
	s7 =	simm.s32 @p2 $0x1082  }
0x22: {  	[simem:s7], [sflag:s8] =	dma.local @!p0 [hbm:s6], $0xF7A  }
0x23: {  	s9 =	sor.u32 $0xD0000000, s2;
	s6 =	simm.s32 $0x108;
	_ =	swait.ge @!p0 [sflag:s8], $0x0  }
0x24: {  	s3 =	sadd.s32 $0x88, s3;
	s6 =	simm.s32 @!p1 $0x1082;
	[sflag:s4] =	ssyncset.s32 $0xFFFFF086  }
0x25: {  	[simem:s6], [sflag:s4] =	dma.local [hbm:s3], $0xF7A  }
0x26: {  	[smem:$0x3F87] =	sst s1;
	(tag) =	ssettag s2;
	_ =	strace s9  }
0x27: {  	s1 =	sld [smem:$0x3F97]  }
0x28: {  	s2 =	sld [smem:$0x3F98]  }
0x29: {  	s4 =	sld [smem:$0x3F9A]  }
0x2a: {  	p0 =	seq.s32 s5, $0x0;
	s5 =	sld [smem:$0x3F9B]  }
0x2b: {  	s6 =	sld [smem:$0x3F9C]  }
0x2c: {  	s7 =	sld [smem:$0x3F9D]  }
0x2d: {  	s3 =	simm.s32 $0x108;
	s8 =	sld [smem:$0x3F9E]  }
0x2e: {  	s3 =	simm.s32 @!p0 $0x1082;
	s9 =	sld [smem:$0x3F9F]  }
0x2f: {  	lr =	sadd.s32 s0, s3;
	s0 =	sld [smem:$0x3F96]  }
0x30: {  	s3 =	sld [smem:$0x3F99]  }
0x31: {  	[smem:$0x3FA2] =	sst s10  }
0x32: {  	s10 =	sld [smem:$0x3FA0];
	_ =	sdelay $0x3  }
0x33: {  	p0 =	seq.s32 s10, $0x1;
	s10 =	sld [smem:$0x3FA2];
	_ =	sdelay $0x3  }
0x34: {  	[smem:$0x3FA2] =	sst s10  }
0x35: {  	s10 =	sld [smem:$0x3FA1];
	_ =	sdelay $0x3  }
0x36: {  	p1 =	seq.s32 s10, $0x1;
	s10 =	sld [smem:$0x3FA2];
	_ =	sdelay $0x3  }
0x37: {  	[smem:$0x3FA2] =	sst s10  }
0x38: {  	s10 =	sld [smem:$0x3FA3]  }
0x39: {  	_ = 	snop;
	(pc) =	sbr.ind lr, $3  }
0x3a: {  	_ = 	snop  }
0x3b: {  	_ = 	snop  }
0x3c: {  	p2 =	seq.s32 s10, $0x1;
	s10 =	sld [smem:$0x3FA2]  }
0x3d: {  	_ =	shalt  }
0x3e: {  	_ =	shalt  }
0x3f: {  	_ =	shalt  }
0x40: {  	_ =	shalt  }
0x41: {  	_ =	shalt  }
0x42: {  	_ =	shalt  }
0x43: {  	_ =	shalt  }
0x44: {  	_ =	shalt  }
0x45: {  	_ =	shalt  }
0x46: {  	_ =	shalt  }
0x47: {  	_ =	shalt  }
0x48: {  	_ =	shalt  }
0x49: {  	_ =	shalt  }
0x4a: {  	_ =	shalt  }
0x4b: {  	_ =	shalt  }
0x4c: {  	_ =	shalt  }
0x4d: {  	_ =	shalt  }
0x4e: {  	_ =	shalt  }
0x4f: {  	_ =	shalt  }
0x50: {  	_ =	shalt  }
0x51: {  	_ =	shalt  }
0x52: {  	_ =	shalt  }
0x53: {  	_ =	shalt  }
0x54: {  	_ =	shalt  }
0x55: {  	_ =	shalt  }
0x56: {  	_ =	shalt  }
0x57: {  	_ =	shalt  }
0x58: {  	_ =	shalt  }
0x59: {  	_ =	shalt  }
0x5a: {  	_ =	shalt  }
0x5b: {  	_ =	shalt  }
0x5c: {  	_ =	shalt  }
0x5d: {  	_ =	shalt  }
0x5e: {  	_ =	shalt  }
0x5f: {  	_ =	shalt  }
0x60: {  	_ =	shalt  }
0x61: {  	_ =	shalt  }
0x62: {  	_ =	shalt  }
0x63: {  	_ =	shalt  }
0x64: {  	_ =	shalt  }
0x65: {  	_ =	shalt  }
0x66: {  	_ =	shalt  }
0x67: {  	_ =	shalt  }
0x68: {  	_ =	shalt  }
0x69: {  	_ =	shalt  }
0x6a: {  	_ =	shalt  }
0x6b: {  	_ =	shalt  }
0x6c: {  	_ =	shalt  }
0x6d: {  	_ =	shalt  }
0x6e: {  	_ =	shalt  }
0x6f: {  	_ =	shalt  }
0x70: {  	_ =	shalt  }
0x71: {  	_ =	shalt  }
0x72: {  	_ =	shalt  }
0x73: {  	_ =	shalt  }
0x74: {  	_ =	shalt  }
0x75: {  	_ =	shalt  }
0x76: {  	_ =	shalt  }
0x77: {  	_ =	shalt  }
0x78: {  	_ =	shalt  }
0x79: {  	_ =	shalt  }
0x7a: {  	_ =	shalt  }
0x7b: {  	_ =	shalt  }
0x7c: {  	_ =	shalt  }
0x7d: {  	_ =	shalt  }
0x7e: {  	_ =	shalt  }
0x7f: {  	_ =	shalt  }
0x80: {  	_ =	shalt  }
0x81: {  	_ =	shalt  }
0x82: {  	_ =	shalt  }
0x83: {  	_ =	shalt  }
0x84: {  	_ =	shalt  }
0x85: {  	_ =	shalt  }
0x86: {  	_ =	shalt  }
0x87: {  	_ =	shalt  }
.Lfunc_end0:
.L_simem_size_0:
called_computation.4_lowered:
.L_overlay_start_0:
0x88: {  	s2 =	sld [smem:$0x3FD9]  }
0x89: {  	s3 =	sld [smem:$0x3FFE];
	_ =	sdelay $0x1  }
0x8a: {  	s1 =	srdreg.scid  }
0x8b: {  	s0 =	sand.u32 $0x1, s1  }
0x8c: {  	s17 =	sshll.u32 s0, $0xA;
	s2 =	sadd.s32 s3, s2  }
0x8d: {  	s2 =	sadd.s32 s2, s17  }
0x8e: {  	[smem:$0x3FAE] =	sst s2  }
0x8f: {  	_ = 	snop  }
0x90: {  	(tm) =	ssettm $0x1  }
0x91: {  	s18 =	sld [smem:$0x3FFB];
	_ =	sdelay $0x3  }
0x92: {  	_ =	strace s18  }
0x93: {  	s2 =	sld [smem:$0x3FFC];
	_ =	sdelay $0x3  }
0x94: {  	_ =	strace s2  }
0x95: {  	s2 =	sld [smem:$0x3FFD];
	_ =	sdelay $0x3  }
0x96: {  	_ =	strace s2  }
0x97: {  	_ =	strace $0x8FFFFFFF  }
0x98: {  	s19 =	sld [smem:$0x3FDB];
	_ =	sdelay $0x1  }
0x99: {  	s20 =	simm.s32 $_scs_section_size  }
0x9a: {  	s4 =	simm.s32 $_size__tile_overlayer_lowered;
	s5 =	simm.s32 $_tile_overlayer_lowered  }
0x9b: {  	s6 =	simm.s32 $0x1BFF;
	s21 =	sshll.u32 s5, $0x1;
	s3 =	sadd.s32 s20, s19  }
0x9c: {  	s22 =	simm.s32 $0x0;
	s4 =	sshll.u32 s4, $0x1;
	s5 =	sadd.s32 s21, s3  }
0x9d: {  	[timem:s22], [sflag:s6] =	dma.local [hbm:s5], s4  }
0x9e: {  	_ =	swait.ge [sflag:s6], s4  }
0x9f: {  	s4 =	ssub.s32 $0x0, s4;
	[sflag:s6] =	ssyncset.done $0x0  }
0xa0: {  	[sflag:s6] =	ssyncadd.s32 s4;
	_ =	sdelay $0x1  }
0xa1: {  	s23 =	simm.s32 $0x1B8B  }
0xa2: {  	_ =	swait.ge [sflag:s23], $0x1  }
0xa3: {  	[sflag:s23] =	ssyncset.done $0x0  }
0xa4: {  	[sflag:s23] =	ssyncadd.s32 $0xFFFFFFFF  }
0xa5: {  	s4 =	sld [smem:$0x0]  }
0xa6: {  	s5 =	sand.u32 $0xFFFFFFFE, s1  }
0xa7: {  	p0 =	sne.s32 s1, s5  }
0xa8: {  	s5 =	sshll.u32 @p0 s5, $0xE  }
0xa9: {  	s5 =	sadd.s32 @p0 $0x11B8D, s5;
	s6 =	sshll.u32 @p0 s4, $0x11  }
0xaa: {  	s5 =	sor.u32 @p0 s6, s5  }
0xab: {  	[sflag:s5] =	ssyncadd.remote.s32 @p0 $0x1;
	_ =	sdelay $0x1  }
0xac: {  	s5 =	simm.s32 @p0 $0x1B8D  }
0xad: {  	_ =	swait.eq @p0 [sflag:s5], $0x1  }
0xae: {  	[sflag:s5] =	ssyncadd.s32 @p0 $0xFFFFFFFF  }
0xaf: {  	s6 =	sshll.u32 @!p0 s1, $0xE  }
0xb0: {  	s6 =	sor.u32 @!p0 $0x4000, s6;
	s5 =	simm.s32 @!p0 $0x1B8D  }
0xb1: {  	s4 =	sshll.u32 @!p0 s4, $0x11;
	s6 =	sadd.s32 @!p0 $0x11B8D, s6;
	_ =	swait.eq @!p0 [sflag:s5], $0x1  }
0xb2: {  	s4 =	sor.u32 @!p0 s4, s6;
	[sflag:s5] =	ssyncadd.s32 @!p0 $0xFFFFFFFF  }
0xb3: {  	s25 =	simm.s32 $0x1B8E;
	s24 =	sld [smem:$0x3FFE];
	[sflag:s4] =	ssyncadd.remote.s32 @!p0 $0x1  }
0xb4: {  	s26 =	simm.s32 $execute0_lowered;
	[smem:$0x3FD2] =	sst s25  }
0xb5: {  	s5 =	sshll.u32 s26, $0x1;
	_ =	strace $0x8000004F;
	[dreg:$0x1] =	wrdreg $0xFFFFFFFF  }
0xb6: {  	s28 =	simm.s32 $_size_execute0_lowered;
	s3 =	sadd.s32 s3, s5;
	[dreg:$0x0] =	wrdreg $0x0  }
0xb7: {  	s5 =	sshll.u32 s28, $0x1;
	[dreg:$0x2] =	wrdreg s3  }
0xb8: {  	[dreg:$0x3] =	wrdreg s5  }
0xb9: {  	[dreg:$0x4] =	wrdreg $0xC0  }
0xba: {  	_ =	task [dreg:s22], $0x5FFFF  }
0xbb: {  	[dreg:$0x1] =	wrdreg $0xFFFFFFFF  }
0xbc: {  	[dreg:$0x0] =	wrdreg $0x60  }
0xbd: {  	[dreg:$0x2] =	wrdreg s24  }
0xbe: {  	[dreg:$0x3] =	wrdreg $0x9  }
0xbf: {  	_ =	task.clear_ibuf [dreg:s22], $0x4FFFF;
	_ =	strace $0x9000004F  }
0xc0: {  	s29 =	simm.s32 $0x9;
	_ =	strace $0x80000051  }
0xc1: {  	_ =	swait.ge [sflag:s29], $0x1  }
0xc2: {  	[sflag:s29] =	ssyncadd.s32 $0xFFFFFFFF  }
0xc3: {  	_ =	strace $0x90000051  }
0xc4: {  	_ =	sfence  }
0xc5: {  	s30 =	sld [smem:$0x0];
	_ =	sdelay $0x2  }
0xc6: {  	s31 =	sshll.u32 s1, $0xD;
	s1 =	sshrl.u32 s1, $0x2  }
0xc7: {  	s4 =	sand.u32 $0x4000, s31;
	s1 =	sadd.s32 s1, s30  }
0xc8: {  	s0 =	sor.u32 s4, s0;
	s1 =	sshll.u32 s1, $0x11  }
0xc9: {  	s0 =	sor.u32 s1, s0  }
0xca: {  	s0 =	sadd.s32 $0x8F2B, s0  }
0xcb: {  	[sflag:s0] =	ssyncadd.remote.s32 $0x1  }
0xcc: {  	_ =	sfence.sel $0xFFFF  }
0xcd: {  	[dreg:$0x0] =	wrdreg $0xFFFFFFFF;
	(pc) =	sbr.abs _section_cstart, $3  }
0xce: {  	[dreg:$0x1] =	wrdreg $0xFFFFFFFF  }
0xcf: {  	_ =	task.clear_ibuf [dreg:s22], $0x2FFFF;
	_ =	strace $0x9FFFFFFF  }
0xd0: {  	(tm) =	ssettm $0x7FFFFFFF  }
0xd1: {  	_ =	shalt  }
tec
execute0_lowered:
.L_overlay_start_1:
0x0: {  	(tag) =	ssettag $0x1  }
0x1: {  	s1 =	srdreg.scid  }
0x2: {  	s0 =	stileid.u32;
	s4 =	rddreg [dreg:$0x0];
	s2 =	simm.s32 $0x0  }
0x3: {  	s11 =	simm.s32 $0x0;
	s5 =	sand.u32 $0x1, s1;
	s1 =	rddreg [dreg:$0x1]  }
0x4: {  	s3 =	sshll.u32 s0, $0x1;
	[smem:$0x7FF] =	sst s2;
	s7 =	smul.u32 $0x4E200, s0  }
0x5: {  	s3 =	sor.u32 s5, s3;
	_ =	strace $0x80000050;
	s10 =	smul.u32 $0x27100, s5  }
0x6: {  	s8 =	ssub.s32 $0x2, s5;
	s6 =	smul.u32 $0x271, s3;
	s3 =	sadd.s32 $0x90E00, s4  }
0x7: {  	s9 =	sshrl.u32 s8, $0x1;
	s30 =	sadd.s32 s7, s4;
	s7 =	simm.s32 $0x2  }
0x8: {  	s31 =	ssub.s32 s8, s9;
	s8 =	simm.s32 $0x28;
	s9 =	simm.s32 $0x1388  }
0x9: {  	s29 =	sadd.s32 s6, s4;
	s5 =	smax.u32 s31, $0x1;
	s6 =	sadd.s32 s10, s30  }
0xa: {  	s10 =	simm.s32 $0x1;
	s4 =	sadd.s32 $0xCA00, s29;
	s6 =	sadd.s32 $0xDF000, s6  }
.LBB2_1:
0xb: {  	[tilespmem:s2], [sflag:$0x2] =	stream.linear.gather [hbm4b:s4+s2], $0x1388, $0x38;
	[tilespmem:$0x3B88] =	vst v63  }
0xc: {  	_ =	swait.ge [sflag:s7], $0x1388  }
0xd: {  	[sflag:s7] =	ssyncset.done $0x0  }
0xe: {  	s12 =	simm.s32 $0x0;
	[sflag:s7] =	ssyncadd.s32 $0xFFFFEC78  }
0xf: {  	[tilespmem:s9], [sflag:$0x1] =	stream.indirect.gather [hbm4b:s3+s8], $0x100, s12, s8, $0xb8;
	[tilespmem:$0x3B88] =	vst v63  }
0x10: {  	_ =	swait.ge [sflag:s10], $0x2800  }
0x11: {  	[sflag:s10] =	ssyncset.done $0x0  }
0x12: {  	[sflag:s10] =	ssyncadd.s32 $0xFFFFD800  }
0x13: {  	[hbm4b:s6+s2] =	stream.linear.scatter [tilespmem:s9], [sflag:$0x2], $0x2800, $0x38;
	[tilespmem:$0x3B88] =	vst v63  }
0x14: {  	s13 =	simm.s32 $0xA0;
	_ =	swait.ge [sflag:s7], $0x2800  }
0x15: {  	s14 =	simm.s32 $0x140;
	s12 =	sadd.s32 $0x500, s6;
	[sflag:s7] =	ssyncset.done $0x0  }
.LBB2_2:
0x16: {  	s15 =	sshra.s32 s13, $0x2  }
0x17: {  	[sflag:s7] =	ssyncadd.s32 $0xFFFFD800;
	s13 =	smov.u32 s14;
	s16 =	sadd.s32 $0xA0, s14  }
0x18: {  	[tilespmem:s9], [sflag:$0x1] =	stream.indirect.gather [hbm4b:s3+s8], $0x100, s15, s8, $0xb8;
	[tilespmem:$0x3B88] =	vst v63  }
0x19: {  	p0 =	sne.s32 s14, $0x4D80;
	_ =	swait.ge [sflag:s10], $0x2800  }
.Ltmp0:
0x1a: {  	[sflag:s10] =	ssyncset.done $0x0;
	(pc) =	sbr.rel @p0 .LBB2_2-.Ltmp0, $4  }
0x1b: {  	[sflag:s10] =	ssyncadd.s32 $0xFFFFD800  }
0x1c: {  	[hbm4b:s12+s2] =	stream.linear.scatter [tilespmem:s9], [sflag:$0x2], $0x2800, $0x38;
	[tilespmem:$0x3B88] =	vst v63  }
0x1d: {  	_ =	swait.ge [sflag:s7], $0x2800  }
0x1e: {  	s14 =	smov.u32 s16;
	s12 =	sadd.s32 $0x500, s12;
	[sflag:s7] =	ssyncset.done $0x0  }
0x1f: {  	s13 =	sshra.s32 s13, $0x2;
	[sflag:s7] =	ssyncadd.s32 $0xFFFFD800  }
0x20: {  	[tilespmem:s9], [sflag:$0x1] =	stream.indirect.gather [hbm4b:s3+s8], $0x100, s13, s8, $0xb8;
	[tilespmem:$0x3B88] =	vst v63  }
0x21: {  	s11 =	sadd.s32 $0x1, s11;
	_ =	swait.ge [sflag:s10], $0x2800  }
0x22: {  	p0 =	sne.s32 s11, s5;
	[sflag:s10] =	ssyncset.done $0x0  }
.Ltmp1:
0x23: {  	[sflag:s10] =	ssyncadd.s32 $0xFFFFD800;
	(pc) =	sbr.rel @p0 .LBB2_1-.Ltmp1, $4  }
0x24: {  	[hbm4b:s12+s2] =	stream.linear.scatter [tilespmem:s9], [sflag:$0x2], $0x2800, $0x38;
	[tilespmem:$0x3B88] =	vst v63  }
0x25: {  	_ =	swait.ge [sflag:s7], $0x2800  }
0x26: {  	[sflag:s7] =	ssyncset.done $0x0  }
0x27: {  	[sflag:s7] =	ssyncadd.s32 $0xFFFFD800  }
0x28: {  	_ =	sfence.sel $0x180000  }
0x29: {  	[bflag:$0x0] =	sbarrier.arrive $0xFFFF  }
0x2a: {  	p0 =	sne.s32 s0, $0x0;
	_ =	strace $0x90000050  }
0x2b: {  	s0 =	sadd.s32 @!p0 $0x100000, s1;
	[bflag:$0x2] =	sbarrier.arrive $0xFFFF  }
0x2c: {  	[sflag:s0] =	ssyncadd.tile.s32 @!p0 $0x1;
	_ =	shalt  }
.Lfunc_end2:
_tile_overlayer_lowered:
.L_overlay_start_2:
0x2d: {  	(tag) =	ssettag $0x2  }
0x2e: {  	s0 =	rddreg [dreg:$0x0];
	s2 =	stileid.u32  }
0x2f: {  	s1 =	rddreg [dreg:$0x1];
	p0 =	sne.s32 s2, $0x0  }
0x30: {  	s3 =	rddreg [dreg:$0x2];
	[bflag:$0x3] =	sbarrier.arrive $0xFFFF;
	s2 =	simm.s32 @!p0 $0x1C02  }
0x31: {  	[timem:s3], [sflag:s2] =	dma.local @!p0 [hbm:s0], s1  }
0x32: {  	s0 =	simm.s32 @!p0 $0x2  }
0x33: {  	_ =	swait.ge @!p0 [sflag:s0], s1  }
0x34: {  	s1 =	ssub.s32 @!p0 $0x0, s1;
	[sflag:s0] =	ssyncset.done @!p0 $0x0  }
0x35: {  	[sflag:s0] =	ssyncadd.s32 @!p0 s1  }
0x36: {  	[bflag:$0x3] =	sbarrier.arrive $0xFFFF  }
0x37: {  	_ =	shalt  }

// kernel: kernel.30.cloned.1.call-start
scs
__scs_entry_jumppad:
0x0: {  	(pc) =	sbr.rel $0x88, $3  }
0x1: {  	(tag) =	ssettag $0x0;
	lr =	simm.s32 $0x1  }
0x2: {  	[smem:$0x3F87] =	sst lr;
	_ =	strace $0xD0000000  }
0x3: {  	_ = 	snop  }
0x4: {  	_ = 	snop  }
0x5: {  	_ = 	snop  }
0x6: {  	_ = 	snop  }
0x7: {  	_ = 	snop  }
__scs_overlays_trampoline_lowered:
0x8: {  	[smem:$0x3F96] =	sst s0  }
0x9: {  	[smem:$0x3F97] =	sst s1  }
0xa: {  	[smem:$0x3F98] =	sst s2  }
0xb: {  	[smem:$0x3F99] =	sst s3  }
0xc: {  	[smem:$0x3F9A] =	sst s4  }
0xd: {  	[smem:$0x3F9B] =	sst s5  }
0xe: {  	[smem:$0x3F9C] =	sst s6  }
0xf: {  	[smem:$0x3F9D] =	sst s7  }
0x10: {  	[smem:$0x3F9E] =	sst s8  }
0x11: {  	[smem:$0x3F9F] =	sst s9;
	s0 =	simm.s32 @!p0 $0x0  }
0x12: {  	s1 =	sld [smem:$0x3F85];
	s0 =	simm.s32 @p0 $0x1  }
0x13: {  	[smem:$0x3FA0] =	sst s0;
	s0 =	simm.s32 @!p1 $0x0  }
0x14: {  	s2 =	sld [smem:$0x3F84];
	s0 =	simm.s32 @p1 $0x1  }
0x15: {  	[smem:$0x3FA1] =	sst s0;
	s0 =	simm.s32 @!p2 $0x0  }
0x16: {  	s3 =	sld [smem:$0x3FDB];
	s0 =	simm.s32 @p2 $0x1  }
0x17: {  	s4 =	simm.s32 $0x1BF5;
	[smem:$0x3FA3] =	sst s0  }
0x18: {  	s0 =	sld [smem:$0x3F86];
	_ =	swait.ge [sflag:s4], $0x0  }
0x19: {  	s7 =	sld [smem:$0x3F87]  }
0x1a: {  	s8 =	sadd.s32 $0xFFFFE003, lr  }
0x1b: {  	s9 =	sadd.s32 $0xFFFFFEF7, lr;
	s5 =	simm.s32 $0xFFFFFFFF;
	p2 =	slt.u32 s8, $0xFFFFF086  }
0x1c: {  	p1 =	slt.u32 s9, $0xF7A;
	s5 =	simm.s32 @!p2 $0x0  }
0x1d: {  	s5 =	simm.s32 @p1 $0x1;
	p0 =	seq.s32 s7, s2  }
0x1e: {  	s7 =	smul.u32 @!p0 $0xF7A, s2;
	p2 =	seq.s32 @!p0 s5, $0x0  }
0x1f: {  	s9 =	smul.u32 $0xF7A, s1;
	s8 =	simm.s32 @!p0 $0x1BF5;
	p2 =	por !p2, p0  }
0x20: {  	[sflag:s8] =	ssyncset.s32 @!p0 $0xFFFFF086;
	s6 =	sadd.s32 @!p0 s3, s7;
	s7 =	simm.s32 @!p0 $0x108  }
0x21: {  	s3 =	sadd.s32 s3, s9;
	s6 =	sadd.s32 @!p0 $0x88, s6;
	s7 =	simm.s32 @p2 $0x1082  }
0x22: {  	[simem:s7], [sflag:s8] =	dma.local @!p0 [hbm:s6], $0xF7A  }
0x23: {  	s9 =	sor.u32 $0xD0000000, s2;
	s6 =	simm.s32 $0x108;
	_ =	swait.ge @!p0 [sflag:s8], $0x0  }
0x24: {  	s3 =	sadd.s32 $0x88, s3;
	s6 =	simm.s32 @!p1 $0x1082;
	[sflag:s4] =	ssyncset.s32 $0xFFFFF086  }
0x25: {  	[simem:s6], [sflag:s4] =	dma.local [hbm:s3], $0xF7A  }
0x26: {  	[smem:$0x3F87] =	sst s1;
	(tag) =	ssettag s2;
	_ =	strace s9  }
0x27: {  	s1 =	sld [smem:$0x3F97]  }
0x28: {  	s2 =	sld [smem:$0x3F98]  }
0x29: {  	s4 =	sld [smem:$0x3F9A]  }
0x2a: {  	p0 =	seq.s32 s5, $0x0;
	s5 =	sld [smem:$0x3F9B]  }
0x2b: {  	s6 =	sld [smem:$0x3F9C]  }
0x2c: {  	s7 =	sld [smem:$0x3F9D]  }
0x2d: {  	s3 =	simm.s32 $0x108;
	s8 =	sld [smem:$0x3F9E]  }
0x2e: {  	s3 =	simm.s32 @!p0 $0x1082;
	s9 =	sld [smem:$0x3F9F]  }
0x2f: {  	lr =	sadd.s32 s0, s3;
	s0 =	sld [smem:$0x3F96]  }
0x30: {  	s3 =	sld [smem:$0x3F99]  }
0x31: {  	[smem:$0x3FA2] =	sst s10  }
0x32: {  	s10 =	sld [smem:$0x3FA0];
	_ =	sdelay $0x3  }
0x33: {  	p0 =	seq.s32 s10, $0x1;
	s10 =	sld [smem:$0x3FA2];
	_ =	sdelay $0x3  }
0x34: {  	[smem:$0x3FA2] =	sst s10  }
0x35: {  	s10 =	sld [smem:$0x3FA1];
	_ =	sdelay $0x3  }
0x36: {  	p1 =	seq.s32 s10, $0x1;
	s10 =	sld [smem:$0x3FA2];
	_ =	sdelay $0x3  }
0x37: {  	[smem:$0x3FA2] =	sst s10  }
0x38: {  	s10 =	sld [smem:$0x3FA3]  }
0x39: {  	_ = 	snop;
	(pc) =	sbr.ind lr, $3  }
0x3a: {  	_ = 	snop  }
0x3b: {  	_ = 	snop  }
0x3c: {  	p2 =	seq.s32 s10, $0x1;
	s10 =	sld [smem:$0x3FA2]  }
0x3d: {  	_ =	shalt  }
0x3e: {  	_ =	shalt  }
0x3f: {  	_ =	shalt  }
0x40: {  	_ =	shalt  }
0x41: {  	_ =	shalt  }
0x42: {  	_ =	shalt  }
0x43: {  	_ =	shalt  }
0x44: {  	_ =	shalt  }
0x45: {  	_ =	shalt  }
0x46: {  	_ =	shalt  }
0x47: {  	_ =	shalt  }
0x48: {  	_ =	shalt  }
0x49: {  	_ =	shalt  }
0x4a: {  	_ =	shalt  }
0x4b: {  	_ =	shalt  }
0x4c: {  	_ =	shalt  }
0x4d: {  	_ =	shalt  }
0x4e: {  	_ =	shalt  }
0x4f: {  	_ =	shalt  }
0x50: {  	_ =	shalt  }
0x51: {  	_ =	shalt  }
0x52: {  	_ =	shalt  }
0x53: {  	_ =	shalt  }
0x54: {  	_ =	shalt  }
0x55: {  	_ =	shalt  }
0x56: {  	_ =	shalt  }
0x57: {  	_ =	shalt  }
0x58: {  	_ =	shalt  }
0x59: {  	_ =	shalt  }
0x5a: {  	_ =	shalt  }
0x5b: {  	_ =	shalt  }
0x5c: {  	_ =	shalt  }
0x5d: {  	_ =	shalt  }
0x5e: {  	_ =	shalt  }
0x5f: {  	_ =	shalt  }
0x60: {  	_ =	shalt  }
0x61: {  	_ =	shalt  }
0x62: {  	_ =	shalt  }
0x63: {  	_ =	shalt  }
0x64: {  	_ =	shalt  }
0x65: {  	_ =	shalt  }
0x66: {  	_ =	shalt  }
0x67: {  	_ =	shalt  }
0x68: {  	_ =	shalt  }
0x69: {  	_ =	shalt  }
0x6a: {  	_ =	shalt  }
0x6b: {  	_ =	shalt  }
0x6c: {  	_ =	shalt  }
0x6d: {  	_ =	shalt  }
0x6e: {  	_ =	shalt  }
0x6f: {  	_ =	shalt  }
0x70: {  	_ =	shalt  }
0x71: {  	_ =	shalt  }
0x72: {  	_ =	shalt  }
0x73: {  	_ =	shalt  }
0x74: {  	_ =	shalt  }
0x75: {  	_ =	shalt  }
0x76: {  	_ =	shalt  }
0x77: {  	_ =	shalt  }
0x78: {  	_ =	shalt  }
0x79: {  	_ =	shalt  }
0x7a: {  	_ =	shalt  }
0x7b: {  	_ =	shalt  }
0x7c: {  	_ =	shalt  }
0x7d: {  	_ =	shalt  }
0x7e: {  	_ =	shalt  }
0x7f: {  	_ =	shalt  }
0x80: {  	_ =	shalt  }
0x81: {  	_ =	shalt  }
0x82: {  	_ =	shalt  }
0x83: {  	_ =	shalt  }
0x84: {  	_ =	shalt  }
0x85: {  	_ =	shalt  }
0x86: {  	_ =	shalt  }
0x87: {  	_ =	shalt  }
.Lfunc_end0:
.L_simem_size_0:
called_computation.5_lowered:
.L_overlay_start_0:
0x88: {  	s2 =	sld [smem:$0x3FD9]  }
0x89: {  	s3 =	sld [smem:$0x3FFE];
	_ =	sdelay $0x1  }
0x8a: {  	s1 =	srdreg.scid  }
0x8b: {  	s0 =	sand.u32 $0x1, s1  }
0x8c: {  	s16 =	sshll.u32 s0, $0xA;
	s2 =	sadd.s32 s3, s2  }
0x8d: {  	s2 =	sadd.s32 s2, s16  }
0x8e: {  	[smem:$0x3FAE] =	sst s2  }
0x8f: {  	_ = 	snop  }
0x90: {  	(tm) =	ssettm $0x1  }
0x91: {  	s17 =	sld [smem:$0x3FFB];
	_ =	sdelay $0x3  }
0x92: {  	_ =	strace s17  }
0x93: {  	s2 =	sld [smem:$0x3FFC];
	_ =	sdelay $0x3  }
0x94: {  	_ =	strace s2  }
0x95: {  	s2 =	sld [smem:$0x3FFD];
	_ =	sdelay $0x3  }
0x96: {  	_ =	strace s2  }
0x97: {  	_ =	strace $0x8FFFFFFF  }
0x98: {  	s18 =	sld [smem:$0x3FDB];
	_ =	sdelay $0x1  }
0x99: {  	s19 =	simm.s32 $_scs_section_size  }
0x9a: {  	s4 =	simm.s32 $_size__tile_overlayer_lowered;
	s5 =	simm.s32 $_tile_overlayer_lowered  }
0x9b: {  	s22 =	simm.s32 $0x1BFF;
	s21 =	sshll.u32 s5, $0x1;
	s2 =	sadd.s32 s19, s18  }
0x9c: {  	s6 =	simm.s32 $0x0;
	s20 =	sshll.u32 s4, $0x1;
	s4 =	sadd.s32 s21, s2  }
0x9d: {  	[timem:s6], [sflag:s22] =	dma.local [hbm:s4], s20  }
0x9e: {  	_ =	swait.ge [sflag:s22], s20  }
0x9f: {  	s3 =	ssub.s32 $0x0, s20;
	[sflag:s22] =	ssyncset.done $0x0  }
0xa0: {  	[sflag:s22] =	ssyncadd.s32 s3;
	_ =	sdelay $0x1  }
0xa1: {  	s23 =	simm.s32 $0x1B8B  }
0xa2: {  	_ =	swait.ge [sflag:s23], $0x1  }
0xa3: {  	[sflag:s23] =	ssyncset.done $0x0  }
0xa4: {  	s25 =	simm.s32 $0x1B8E;
	s24 =	sld [smem:$0x3FFE];
	[sflag:s23] =	ssyncadd.s32 $0xFFFFFFFF  }
0xa5: {  	s26 =	simm.s32 $execute0_lowered;
	[smem:$0x3FD2] =	sst s25  }
0xa6: {  	s4 =	sshll.u32 s26, $0x1;
	_ =	strace $0x80000055;
	[dreg:$0x1] =	wrdreg $0xFFFFFFFF  }
0xa7: {  	s28 =	simm.s32 $_size_execute0_lowered;
	s2 =	sadd.s32 s2, s4;
	[dreg:$0x0] =	wrdreg $0x0  }
0xa8: {  	s4 =	sshll.u32 s28, $0x1;
	[dreg:$0x2] =	wrdreg s2  }
0xa9: {  	[dreg:$0x3] =	wrdreg s4  }
0xaa: {  	[dreg:$0x4] =	wrdreg $0xC0  }
0xab: {  	_ =	task [dreg:s6], $0x5FFFF  }
0xac: {  	[dreg:$0x1] =	wrdreg $0xFFFFFFFF  }
0xad: {  	[dreg:$0x0] =	wrdreg $0x60  }
0xae: {  	[dreg:$0x2] =	wrdreg s24  }
0xaf: {  	[dreg:$0x3] =	wrdreg $0x3B100  }
0xb0: {  	[dreg:$0x4] =	wrdreg $0x9  }
0xb1: {  	_ =	task.clear_ibuf [dreg:s6], $0x5FFFF;
	_ =	strace $0x90000055  }
0xb2: {  	s29 =	simm.s32 $0x9;
	_ =	strace $0x80000057  }
0xb3: {  	_ =	swait.ge [sflag:s29], $0x1  }
0xb4: {  	[sflag:s29] =	ssyncadd.s32 $0xFFFFFFFF  }
0xb5: {  	_ =	strace $0x90000057  }
0xb6: {  	_ =	sfence  }
0xb7: {  	s30 =	sld [smem:$0x0];
	_ =	sdelay $0x2  }
0xb8: {  	s31 =	sshll.u32 s1, $0xD;
	s1 =	sshrl.u32 s1, $0x2  }
0xb9: {  	s3 =	sand.u32 $0x4000, s31;
	s1 =	sadd.s32 s1, s30  }
0xba: {  	s0 =	sor.u32 s3, s0;
	s1 =	sshll.u32 s1, $0x11  }
0xbb: {  	s0 =	sor.u32 s1, s0  }
0xbc: {  	s0 =	sadd.s32 $0x8F2B, s0  }
0xbd: {  	[sflag:s0] =	ssyncadd.remote.s32 $0x1  }
0xbe: {  	_ =	sfence.sel $0xFFFF  }
0xbf: {  	[dreg:$0x0] =	wrdreg $0xFFFFFFFF;
	(pc) =	sbr.abs _section_cstart, $3  }
0xc0: {  	[dreg:$0x1] =	wrdreg $0xFFFFFFFF  }
0xc1: {  	_ =	task.clear_ibuf [dreg:s6], $0x2FFFF;
	_ =	strace $0x9FFFFFFF  }
0xc2: {  	(tm) =	ssettm $0x7FFFFFFF  }
0xc3: {  	_ =	shalt  }
tec
execute0_lowered:
.L_overlay_start_1:
0x0: {  	(tag) =	ssettag $0x1  }
0x1: {  	s0 =	srdreg.scid  }
0x2: {  	s4 =	rddreg [dreg:$0x0];
	s5 =	sand.u32 $0x1, s0  }
0x3: {  	s0 =	stileid.u32;
	s6 =	smul.u32 $0x1388000, s5  }
0x4: {  	s2 =	rddreg [dreg:$0x1];
	s7 =	smul.u32 $0x138800, s0  }
0x5: {  	s1 =	rddreg [dreg:$0x2];
	s8 =	smul.u32 $0x4E2, s0  }
0x6: {  	s3 =	simm.s32 $0x0;
	s13 =	simm.s32 $0x28;
	s28 =	smul.u32 $0x13C00, s0  }
0x7: {  	s14 =	simm.s32 $0x0;
	[smem:$0x7FF] =	sst s3;
	s9 =	smul.u32 $0x13C000, s5  }
0x8: {  	_ =	strace $0x80000056;
	s5 =	ssub.s32 $0x2, s5;
	s31 =	sshll.u32 s0, $0x6  }
0x9: {  	s11 =	sshrl.u32 s5, $0x1;
	s6 =	sadd.s32 s7, s6;
	s29 =	sadd.s32 s8, s4  }
0xa: {  	s30 =	sshrl.u32 s28, $0x3;
	s9 =	sadd.s32 s28, s9;
	s11 =	ssub.s32 s5, s11  }
0xb: {  	s12 =	sadd.s32 s28, s2;
	s5 =	sor.u32 $0x1C01, s31;
	s6 =	sshrl.u32 s6, $0x3  }
0xc: {  	s8 =	sadd.s32 s30, s4;
	s9 =	sshrl.u32 s9, $0x3;
	s10 =	sadd.s32 s6, s4  }
0xd: {  	s9 =	sadd.s32 s9, s4;
	s4 =	sadd.s32 $0x3DC00, s8;
	s6 =	sadd.s32 $0x7A00, s29  }
0xe: {  	s8 =	smax.u32 s11, $0x1;
	s11 =	simm.s32 $0x1;
	s7 =	sadd.s32 $0x65400, s9  }
0xf: {  	s9 =	sadd.s32 $0x2FCE00, s10;
	s10 =	sshrl.u32 s12, $0x3;
	s12 =	simm.s32 $0x2710  }
.LBB2_1:
0x10: {  	[spmem:s10], [sflag:s5] =	dma.local [hbm:s4], $0x2780  }
0x11: {  	_ =	swait.ge [sflag:s11], $0x2780  }
0x12: {  	[sflag:s11] =	ssyncset.done $0x0  }
0x13: {  	[sflag:s11] =	ssyncadd.s32 $0xFFFFD880  }
0x14: {  	[tilespmem:s3], [sflag:$0x1] =	stream.linear.gather [hbm4b:s6+s3], $0x2710, $0x38;
	[tilespmem:$0x17710] =	vst v63  }
0x15: {  	_ =	swait.ge [sflag:s11], $0x2710  }
0x16: {  	[sflag:s11] =	ssyncset.done $0x0  }
0x17: {  	[sflag:s11] =	ssyncadd.s32 $0xFFFFD8F0  }
0x18: {  	[bflag:$0x0] =	sbarrier.arrive $0xFFFF  }
0x19: {  	[tilespmem:s12], [sflag:$0x1] =	stream.linear.gather [hbm4b:s9+s3], $0x1400, $0x38;
	[tilespmem:$0x17710] =	vst v63  }
0x1a: {  	_ =	swait.ge [sflag:s11], $0x1400  }
0x1b: {  	[sflag:s11] =	ssyncset.done $0x0  }
0x1c: {  	s15 =	simm.s32 $0x0;
	[sflag:s11] =	ssyncadd.s32 $0xFFFFEC00  }
0x1d: {  	[spmem:s2] =	stream.indirect.scatter.add.f32 [tilespmem:s12], [sflag:$0x1], $0x80, s15, s13, $0xb8;
	[tilespmem:$0x17710] =	vst v63  }
0x1e: {  	_ =	swait.ge [sflag:s11], $0x1400  }
0x1f: {  	s16 =	smov.u32 s9;
	s15 =	simm.s32 $0xA0;
	[sflag:s11] =	ssyncset.done $0x0  }
.LBB2_2:
0x20: {  	p0 =	sne.s32 s15, $0x9BA0;
	[sflag:s11] =	ssyncadd.s32 $0xFFFFEC00;
	s16 =	sadd.s32 $0x280, s16  }
0x21: {  	[tilespmem:s12], [sflag:$0x1] =	stream.linear.gather [hbm4b:s16+s3], $0x1400, $0x38;
	[tilespmem:$0x17710] =	vst v63  }
0x22: {  	s17 =	smov.u32 s15;
	s15 =	sadd.s32 $0xA0, s15;
	_ =	swait.ge [sflag:s11], $0x1400  }
.Ltmp0:
0x23: {  	[sflag:s11] =	ssyncset.done $0x0;
	(pc) =	sbr.rel @p0 .LBB2_2-.Ltmp0, $4  }
0x24: {  	s17 =	sshra.s32 s17, $0x2;
	[sflag:s11] =	ssyncadd.s32 $0xFFFFEC00  }
0x25: {  	[spmem:s2] =	stream.indirect.scatter.add.f32 [tilespmem:s12], [sflag:$0x1], $0x80, s17, s13, $0xb8;
	[tilespmem:$0x17710] =	vst v63  }
0x26: {  	_ =	swait.ge [sflag:s11], $0x1400  }
0x27: {  	[sflag:s11] =	ssyncset.done $0x0  }
0x28: {  	s14 =	sadd.s32 $0x1, s14  }
0x29: {  	[sflag:s11] =	ssyncadd.s32 $0xFFFFEC00;
	p0 =	sne.s32 s14, s8  }
.Ltmp1:
0x2a: {  	[bflag:$0x0] =	sbarrier.arrive $0xFFFF;
	(pc) =	sbr.rel @p0 .LBB2_1-.Ltmp1, $4  }
0x2b: {  	[hbm:s7], [sflag:s5] =	dma.local [spmem:s10], $0x2780  }
0x2c: {  	_ =	swait.ge [sflag:s11], $0x2780  }
0x2d: {  	[sflag:s11] =	ssyncset.done $0x0  }
0x2e: {  	[sflag:s11] =	ssyncadd.s32 $0xFFFFD880  }
0x2f: {  	_ =	sfence.sel $0x180000  }
0x30: {  	[bflag:$0x0] =	sbarrier.arrive $0xFFFF  }
0x31: {  	p0 =	sne.s32 s0, $0x0;
	_ =	strace $0x90000056  }
0x32: {  	s0 =	sadd.s32 @!p0 $0x100000, s1;
	[bflag:$0x2] =	sbarrier.arrive $0xFFFF  }
0x33: {  	[sflag:s0] =	ssyncadd.tile.s32 @!p0 $0x1;
	_ =	shalt  }
.Lfunc_end2:
_tile_overlayer_lowered:
.L_overlay_start_2:
0x34: {  	(tag) =	ssettag $0x2  }
0x35: {  	s0 =	rddreg [dreg:$0x0];
	s2 =	stileid.u32  }
0x36: {  	s1 =	rddreg [dreg:$0x1];
	p0 =	sne.s32 s2, $0x0  }
0x37: {  	s3 =	rddreg [dreg:$0x2];
	[bflag:$0x3] =	sbarrier.arrive $0xFFFF;
	s2 =	simm.s32 @!p0 $0x1C01  }
0x38: {  	[timem:s3], [sflag:s2] =	dma.local @!p0 [hbm:s0], s1  }
0x39: {  	s0 =	simm.s32 @!p0 $0x1  }
0x3a: {  	_ =	swait.ge @!p0 [sflag:s0], s1  }
0x3b: {  	s1 =	ssub.s32 @!p0 $0x0, s1;
	[sflag:s0] =	ssyncset.done @!p0 $0x0  }
0x3c: {  	[sflag:s0] =	ssyncadd.s32 @!p0 s1  }
0x3d: {  	[bflag:$0x3] =	sbarrier.arrive $0xFFFF  }
0x3e: {  	_ =	shalt  }

// kernel: kernel.33.cloned.1.call-start
scs
__scs_entry_jumppad:
0x0: {  	(pc) =	sbr.rel $0x88, $3  }
0x1: {  	(tag) =	ssettag $0x0;
	lr =	simm.s32 $0x1  }
0x2: {  	[smem:$0x3F87] =	sst lr;
	_ =	strace $0xD0000000  }
0x3: {  	_ = 	snop  }
0x4: {  	_ = 	snop  }
0x5: {  	_ = 	snop  }
0x6: {  	_ = 	snop  }
0x7: {  	_ = 	snop  }
__scs_overlays_trampoline_lowered:
0x8: {  	[smem:$0x3F96] =	sst s0  }
0x9: {  	[smem:$0x3F97] =	sst s1  }
0xa: {  	[smem:$0x3F98] =	sst s2  }
0xb: {  	[smem:$0x3F99] =	sst s3  }
0xc: {  	[smem:$0x3F9A] =	sst s4  }
0xd: {  	[smem:$0x3F9B] =	sst s5  }
0xe: {  	[smem:$0x3F9C] =	sst s6  }
0xf: {  	[smem:$0x3F9D] =	sst s7  }
0x10: {  	[smem:$0x3F9E] =	sst s8  }
0x11: {  	[smem:$0x3F9F] =	sst s9;
	s0 =	simm.s32 @!p0 $0x0  }
0x12: {  	s1 =	sld [smem:$0x3F85];
	s0 =	simm.s32 @p0 $0x1  }
0x13: {  	[smem:$0x3FA0] =	sst s0;
	s0 =	simm.s32 @!p1 $0x0  }
0x14: {  	s2 =	sld [smem:$0x3F84];
	s0 =	simm.s32 @p1 $0x1  }
0x15: {  	[smem:$0x3FA1] =	sst s0;
	s0 =	simm.s32 @!p2 $0x0  }
0x16: {  	s3 =	sld [smem:$0x3FDB];
	s0 =	simm.s32 @p2 $0x1  }
0x17: {  	s4 =	simm.s32 $0x1BF5;
	[smem:$0x3FA3] =	sst s0  }
0x18: {  	s0 =	sld [smem:$0x3F86];
	_ =	swait.ge [sflag:s4], $0x0  }
0x19: {  	s7 =	sld [smem:$0x3F87]  }
0x1a: {  	s8 =	sadd.s32 $0xFFFFE003, lr  }
0x1b: {  	s9 =	sadd.s32 $0xFFFFFEF7, lr;
	s5 =	simm.s32 $0xFFFFFFFF;
	p2 =	slt.u32 s8, $0xFFFFF086  }
0x1c: {  	p1 =	slt.u32 s9, $0xF7A;
	s5 =	simm.s32 @!p2 $0x0  }
0x1d: {  	s5 =	simm.s32 @p1 $0x1;
	p0 =	seq.s32 s7, s2  }
0x1e: {  	s7 =	smul.u32 @!p0 $0xF7A, s2;
	p2 =	seq.s32 @!p0 s5, $0x0  }
0x1f: {  	s9 =	smul.u32 $0xF7A, s1;
	s8 =	simm.s32 @!p0 $0x1BF5;
	p2 =	por !p2, p0  }
0x20: {  	[sflag:s8] =	ssyncset.s32 @!p0 $0xFFFFF086;
	s6 =	sadd.s32 @!p0 s3, s7;
	s7 =	simm.s32 @!p0 $0x108  }
0x21: {  	s3 =	sadd.s32 s3, s9;
	s6 =	sadd.s32 @!p0 $0x88, s6;
	s7 =	simm.s32 @p2 $0x1082  }
0x22: {  	[simem:s7], [sflag:s8] =	dma.local @!p0 [hbm:s6], $0xF7A  }
0x23: {  	s9 =	sor.u32 $0xD0000000, s2;
	s6 =	simm.s32 $0x108;
	_ =	swait.ge @!p0 [sflag:s8], $0x0  }
0x24: {  	s3 =	sadd.s32 $0x88, s3;
	s6 =	simm.s32 @!p1 $0x1082;
	[sflag:s4] =	ssyncset.s32 $0xFFFFF086  }
0x25: {  	[simem:s6], [sflag:s4] =	dma.local [hbm:s3], $0xF7A  }
0x26: {  	[smem:$0x3F87] =	sst s1;
	(tag) =	ssettag s2;
	_ =	strace s9  }
0x27: {  	s1 =	sld [smem:$0x3F97]  }
0x28: {  	s2 =	sld [smem:$0x3F98]  }
0x29: {  	s4 =	sld [smem:$0x3F9A]  }
0x2a: {  	p0 =	seq.s32 s5, $0x0;
	s5 =	sld [smem:$0x3F9B]  }
0x2b: {  	s6 =	sld [smem:$0x3F9C]  }
0x2c: {  	s7 =	sld [smem:$0x3F9D]  }
0x2d: {  	s3 =	simm.s32 $0x108;
	s8 =	sld [smem:$0x3F9E]  }
0x2e: {  	s3 =	simm.s32 @!p0 $0x1082;
	s9 =	sld [smem:$0x3F9F]  }
0x2f: {  	lr =	sadd.s32 s0, s3;
	s0 =	sld [smem:$0x3F96]  }
0x30: {  	s3 =	sld [smem:$0x3F99]  }
0x31: {  	[smem:$0x3FA2] =	sst s10  }
0x32: {  	s10 =	sld [smem:$0x3FA0];
	_ =	sdelay $0x3  }
0x33: {  	p0 =	seq.s32 s10, $0x1;
	s10 =	sld [smem:$0x3FA2];
	_ =	sdelay $0x3  }
0x34: {  	[smem:$0x3FA2] =	sst s10  }
0x35: {  	s10 =	sld [smem:$0x3FA1];
	_ =	sdelay $0x3  }
0x36: {  	p1 =	seq.s32 s10, $0x1;
	s10 =	sld [smem:$0x3FA2];
	_ =	sdelay $0x3  }
0x37: {  	[smem:$0x3FA2] =	sst s10  }
0x38: {  	s10 =	sld [smem:$0x3FA3]  }
0x39: {  	_ = 	snop;
	(pc) =	sbr.ind lr, $3  }
0x3a: {  	_ = 	snop  }
0x3b: {  	_ = 	snop  }
0x3c: {  	p2 =	seq.s32 s10, $0x1;
	s10 =	sld [smem:$0x3FA2]  }
0x3d: {  	_ =	shalt  }
0x3e: {  	_ =	shalt  }
0x3f: {  	_ =	shalt  }
0x40: {  	_ =	shalt  }
0x41: {  	_ =	shalt  }
0x42: {  	_ =	shalt  }
0x43: {  	_ =	shalt  }
0x44: {  	_ =	shalt  }
0x45: {  	_ =	shalt  }
0x46: {  	_ =	shalt  }
0x47: {  	_ =	shalt  }
0x48: {  	_ =	shalt  }
0x49: {  	_ =	shalt  }
0x4a: {  	_ =	shalt  }
0x4b: {  	_ =	shalt  }
0x4c: {  	_ =	shalt  }
0x4d: {  	_ =	shalt  }
0x4e: {  	_ =	shalt  }
0x4f: {  	_ =	shalt  }
0x50: {  	_ =	shalt  }
0x51: {  	_ =	shalt  }
0x52: {  	_ =	shalt  }
0x53: {  	_ =	shalt  }
0x54: {  	_ =	shalt  }
0x55: {  	_ =	shalt  }
0x56: {  	_ =	shalt  }
0x57: {  	_ =	shalt  }
0x58: {  	_ =	shalt  }
0x59: {  	_ =	shalt  }
0x5a: {  	_ =	shalt  }
0x5b: {  	_ =	shalt  }
0x5c: {  	_ =	shalt  }
0x5d: {  	_ =	shalt  }
0x5e: {  	_ =	shalt  }
0x5f: {  	_ =	shalt  }
0x60: {  	_ =	shalt  }
0x61: {  	_ =	shalt  }
0x62: {  	_ =	shalt  }
0x63: {  	_ =	shalt  }
0x64: {  	_ =	shalt  }
0x65: {  	_ =	shalt  }
0x66: {  	_ =	shalt  }
0x67: {  	_ =	shalt  }
0x68: {  	_ =	shalt  }
0x69: {  	_ =	shalt  }
0x6a: {  	_ =	shalt  }
0x6b: {  	_ =	shalt  }
0x6c: {  	_ =	shalt  }
0x6d: {  	_ =	shalt  }
0x6e: {  	_ =	shalt  }
0x6f: {  	_ =	shalt  }
0x70: {  	_ =	shalt  }
0x71: {  	_ =	shalt  }
0x72: {  	_ =	shalt  }
0x73: {  	_ =	shalt  }
0x74: {  	_ =	shalt  }
0x75: {  	_ =	shalt  }
0x76: {  	_ =	shalt  }
0x77: {  	_ =	shalt  }
0x78: {  	_ =	shalt  }
0x79: {  	_ =	shalt  }
0x7a: {  	_ =	shalt  }
0x7b: {  	_ =	shalt  }
0x7c: {  	_ =	shalt  }
0x7d: {  	_ =	shalt  }
0x7e: {  	_ =	shalt  }
0x7f: {  	_ =	shalt  }
0x80: {  	_ =	shalt  }
0x81: {  	_ =	shalt  }
0x82: {  	_ =	shalt  }
0x83: {  	_ =	shalt  }
0x84: {  	_ =	shalt  }
0x85: {  	_ =	shalt  }
0x86: {  	_ =	shalt  }
0x87: {  	_ =	shalt  }
.Lfunc_end0:
.L_simem_size_0:
called_computation.6_lowered:
.L_overlay_start_0:
0x88: {  	s2 =	sld [smem:$0x3FD9]  }
0x89: {  	s3 =	sld [smem:$0x3FFE];
	_ =	sdelay $0x1  }
0x8a: {  	s1 =	srdreg.scid  }
0x8b: {  	s0 =	sand.u32 $0x1, s1  }
0x8c: {  	s17 =	sshll.u32 s0, $0xA;
	s2 =	sadd.s32 s3, s2  }
0x8d: {  	s2 =	sadd.s32 s2, s17  }
0x8e: {  	[smem:$0x3FAE] =	sst s2  }
0x8f: {  	_ = 	snop  }
0x90: {  	s2 =	sld [smem:$0x3FD0];
	(tm) =	ssettm $0x1  }
0x91: {  	s18 =	sld [smem:$0x3FFB];
	_ =	sdelay $0x3  }
0x92: {  	_ =	strace s18  }
0x93: {  	s3 =	sld [smem:$0x3FFC];
	_ =	sdelay $0x3  }
0x94: {  	_ =	strace s3  }
0x95: {  	s3 =	sld [smem:$0x3FFD];
	_ =	sdelay $0x3  }
0x96: {  	_ =	strace s3  }
0x97: {  	_ =	strace $0x8FFFFFFF  }
0x98: {  	s19 =	sld [smem:$0x3FDB];
	_ =	sdelay $0x1  }
0x99: {  	s4 =	simm.s32 $_scs_section_size  }
0x9a: {  	s5 =	simm.s32 $_size__tile_overlayer_lowered;
	s6 =	simm.s32 $_tile_overlayer_lowered  }
0x9b: {  	s22 =	simm.s32 $0x1BFF;
	s21 =	sshll.u32 s6, $0x1;
	s3 =	sadd.s32 s4, s19  }
0x9c: {  	s7 =	simm.s32 $0x0;
	s20 =	sshll.u32 s5, $0x1;
	s5 =	sadd.s32 s21, s3  }
0x9d: {  	[timem:s7], [sflag:s22] =	dma.local [hbm:s5], s20  }
0x9e: {  	_ =	swait.ge [sflag:s22], s20  }
0x9f: {  	s4 =	ssub.s32 $0x0, s20;
	[sflag:s22] =	ssyncset.done $0x0  }
0xa0: {  	[sflag:s22] =	ssyncadd.s32 s4;
	_ =	sdelay $0x1  }
0xa1: {  	s23 =	simm.s32 $0x1B8B  }
0xa2: {  	_ =	swait.ge [sflag:s23], $0x1  }
0xa3: {  	[sflag:s23] =	ssyncset.done $0x0  }
0xa4: {  	s25 =	simm.s32 $0x1B8E;
	s24 =	sld [smem:$0x3FFE];
	[sflag:s23] =	ssyncadd.s32 $0xFFFFFFFF  }
0xa5: {  	s26 =	simm.s32 $execute0_lowered;
	[smem:$0x3FD2] =	sst s25  }
0xa6: {  	s5 =	sshll.u32 s26, $0x1;
	_ =	strace $0x80000058;
	[dreg:$0x1] =	wrdreg $0xFFFFFFFF  }
0xa7: {  	s28 =	simm.s32 $_size_execute0_lowered;
	s3 =	sadd.s32 s3, s5;
	[dreg:$0x0] =	wrdreg $0x0  }
0xa8: {  	s5 =	sshll.u32 s28, $0x1;
	[dreg:$0x2] =	wrdreg s3  }
0xa9: {  	[dreg:$0x3] =	wrdreg s5  }
0xaa: {  	[dreg:$0x4] =	wrdreg $0xC0  }
0xab: {  	_ =	task [dreg:s7], $0x5FFFF  }
0xac: {  	[dreg:$0x1] =	wrdreg $0xFFFFFFFF  }
0xad: {  	[dreg:$0x0] =	wrdreg $0x60  }
0xae: {  	[dreg:$0x2] =	wrdreg s24  }
0xaf: {  	[dreg:$0x3] =	wrdreg s2  }
0xb0: {  	[dreg:$0x4] =	wrdreg $0x64A00  }
0xb1: {  	[dreg:$0x5] =	wrdreg $0x1A0A00  }
0xb2: {  	[dreg:$0x6] =	wrdreg $0x9  }
0xb3: {  	_ =	task.clear_ibuf [dreg:s7], $0x7FFFF;
	_ =	strace $0x90000058  }
0xb4: {  	s29 =	simm.s32 $0x9;
	_ =	strace $0x8000005A  }
0xb5: {  	_ =	swait.ge [sflag:s29], $0x1  }
0xb6: {  	[sflag:s29] =	ssyncadd.s32 $0xFFFFFFFF  }
0xb7: {  	_ =	strace $0x9000005A  }
0xb8: {  	_ =	sfence  }
0xb9: {  	s30 =	sld [smem:$0x0];
	_ =	sdelay $0x2  }
0xba: {  	s31 =	sshll.u32 s1, $0xD;
	s1 =	sshrl.u32 s1, $0x2  }
0xbb: {  	s3 =	sand.u32 $0x4000, s31;
	s1 =	sadd.s32 s1, s30  }
0xbc: {  	s0 =	sor.u32 s3, s0;
	s1 =	sshll.u32 s1, $0x11  }
0xbd: {  	s0 =	sor.u32 s1, s0  }
0xbe: {  	s0 =	sadd.s32 $0x8F2B, s0  }
0xbf: {  	[sflag:s0] =	ssyncadd.remote.s32 $0x1  }
0xc0: {  	_ =	sfence.sel $0xFFFF  }
0xc1: {  	[dreg:$0x0] =	wrdreg $0xFFFFFFFF;
	(pc) =	sbr.abs _section_cstart, $3  }
0xc2: {  	[dreg:$0x1] =	wrdreg $0xFFFFFFFF  }
0xc3: {  	_ =	task.clear_ibuf [dreg:s7], $0x2FFFF;
	_ =	strace $0x9FFFFFFF  }
0xc4: {  	(tm) =	ssettm $0x7FFFFFFF  }
0xc5: {  	_ =	shalt  }
tec
execute0_lowered:
.L_overlay_start_1:
0x0: {  	(tag) =	ssettag $0x1  }
0x1: {  	s5 =	rddreg [dreg:$0x0]  }
0x2: {  	s0 =	rddreg [dreg:$0x1]  }
0x3: {  	s2 =	rddreg [dreg:$0x2];
	s1 =	srdreg.scid  }
0x4: {  	s7 =	rddreg [dreg:$0x3];
	s3 =	stileid.u32  }
0x5: {  	s4 =	simm.s32 $0x0;
	s18 =	simm.s32 $0x28;
	s9 =	smul.u32 $0x4E2, s3  }
0x6: {  	s19 =	simm.s32 $0x4E20;
	s20 =	simm.s32 $0x1;
	s10 =	smul.u32 $0x13C00, s3  }
0x7: {  	s6 =	sand.u32 $0x1, s1;
	s1 =	rddreg [dreg:$0x4];
	s13 =	smul.u32 $0x2780, s3  }
0x8: {  	s21 =	simm.s32 $0x0;
	[smem:$0x7FF] =	sst s4;
	s8 =	smul.u32 $0x27100, s6  }
0x9: {  	s31 =	sshll.u32 s3, $0x6;
	_ =	strace $0x80000059;
	s11 =	smul.u32 $0x13C000, s6  }
0xa: {  	s6 =	ssub.s32 $0x2, s6;
	s29 =	sshrl.u32 s10, $0x3;
	s9 =	sadd.s32 s9, s5  }
0xb: {  	s14 =	sshrl.u32 s13, $0x3;
	s30 =	sshrl.u32 s6, $0x1;
	s16 =	sadd.s32 s10, s2  }
0xc: {  	s17 =	sadd.s32 s13, s7;
	s12 =	sadd.s32 s8, s5;
	s8 =	sadd.s32 s29, s5  }
0xd: {  	s11 =	sadd.s32 s10, s11;
	s14 =	sadd.s32 s14, s5;
	s15 =	ssub.s32 s6, s30  }
0xe: {  	s6 =	sor.u32 $0x1C02, s31;
	s13 =	sshrl.u32 s16, $0x3;
	s16 =	simm.s32 $0x2710  }
0xf: {  	s11 =	sshrl.u32 s11, $0x3;
	s7 =	sadd.s32 $0x38C00, s14;
	s10 =	sadd.s32 $0x65400, s12  }
0x10: {  	s12 =	smax.u32 s15, $0x1;
	s14 =	simm.s32 $0x2;
	s15 =	sshrl.u32 s17, $0x3  }
0x11: {  	s17 =	simm.s32 $0x6220;
	s11 =	sadd.s32 s11, s5;
	s5 =	sadd.s32 $0x3DC00, s8  }
0x12: {  	s8 =	sadd.s32 $0xCA00, s9;
	s9 =	sadd.s32 $0x7A00, s9;
	s11 =	sadd.s32 $0xB3600, s11  }
.LBB2_1:
0x13: {  	[spmem:s13], [sflag:s6] =	dma.local [hbm:s5], $0x2780  }
0x14: {  	_ =	swait.ge [sflag:s14], $0x2780  }
0x15: {  	[sflag:s14] =	ssyncset.done $0x0  }
0x16: {  	[sflag:s14] =	ssyncadd.s32 $0xFFFFD880  }
0x17: {  	[spmem:s15], [sflag:s6] =	dma.local [hbm:s7], $0x4F0  }
0x18: {  	_ =	swait.ge [sflag:s14], $0x4F0  }
0x19: {  	[sflag:s14] =	ssyncset.done $0x0  }
0x1a: {  	[sflag:s14] =	ssyncadd.s32 $0xFFFFFB10  }
0x1b: {  	[tilespmem:s4], [sflag:$0x2] =	stream.linear.gather [hbm4b:s8+s4], $0x2710, $0x38;
	[tilespmem:$0x1C820] =	vst v63  }
0x1c: {  	_ =	swait.ge [sflag:s14], $0x2710  }
0x1d: {  	[sflag:s14] =	ssyncset.done $0x0  }
0x1e: {  	[sflag:s14] =	ssyncadd.s32 $0xFFFFD8F0  }
0x1f: {  	[tilespmem:s16], [sflag:$0x2] =	stream.linear.gather [hbm4b:s9+s4], $0x2710, $0x38;
	[tilespmem:$0x1C820] =	vst v63  }
0x20: {  	_ =	swait.ge [sflag:s14], $0x2710  }
0x21: {  	[sflag:s14] =	ssyncset.done $0x0  }
0x22: {  	[sflag:s14] =	ssyncadd.s32 $0xFFFFD8F0  }
0x23: {  	[tilespmem:s17], [sflag:$0x2] =	stream.linear.gather [hbm4b:s0+s4], $0x280, $0x38;
	[tilespmem:$0x1C820] =	vst v63  }
0x24: {  	_ =	swait.ge [sflag:s14], $0x280  }
0x25: {  	[sflag:s14] =	ssyncset.done $0x0  }
0x26: {  	[sflag:s14] =	ssyncadd.s32 $0xFFFFFD80  }
0x27: {  	s22 =	simm.s32 $0x0;
	[bflag:$0x0] =	sbarrier.arrive $0xFFFF  }
0x28: {  	[tilespmem:s19], [sflag:$0x1] =	stream.indirect.gather [hbm4b:s10+s18], $0x80, s22, s18, $0xb8;
	[tilespmem:$0x1C820] =	vst v63  }
0x29: {  	_ =	swait.ge [sflag:s20], $0x1400  }
0x2a: {  	[sflag:s20] =	ssyncset.done $0x0  }
0x2b: {  	s31 =	simm.s32 $0x2710;
	[sflag:s20] =	ssyncadd.s32 $0xFFFFEC00  }
0x2c: {  	[spmem:s2] =	stream.indirect.scatter.add.f32 [tilespmem:s19], [sflag:$0x2], $0x80, s31, s18, $0xb8;
	[tilespmem:$0x1C820] =	vst v63  }
0x2d: {  	_ =	swait.ge [sflag:s14], $0x1400  }
0x2e: {  	s23 =	simm.s32 $0x140;
	s22 =	simm.s32 $0xA0;
	[sflag:s14] =	ssyncset.done $0x0  }
.LBB2_2:
0x2f: {  	s24 =	sshra.s32 s22, $0x2  }
0x30: {  	[sflag:s14] =	ssyncadd.s32 $0xFFFFEC00;
	s22 =	smov.u32 s23;
	s25 =	sadd.s32 $0xA0, s23  }
0x31: {  	[tilespmem:s19], [sflag:$0x1] =	stream.indirect.gather [hbm4b:s10+s18], $0x80, s24, s18, $0xb8;
	[tilespmem:$0x1C820] =	vst v63  }
0x32: {  	p0 =	sne.s32 s23, $0x9BA0;
	_ =	swait.ge [sflag:s20], $0x1400  }
.Ltmp0:
0x33: {  	[sflag:s20] =	ssyncset.done $0x0;
	(pc) =	sbr.rel @p0 .LBB2_2-.Ltmp0, $4  }
0x34: {  	s23 =	sadd.s32 $0x2710, s24;
	[sflag:s20] =	ssyncadd.s32 $0xFFFFEC00  }
0x35: {  	[spmem:s2] =	stream.indirect.scatter.add.f32 [tilespmem:s19], [sflag:$0x2], $0x80, s23, s18, $0xb8;
	[tilespmem:$0x1C820] =	vst v63  }
0x36: {  	_ =	swait.ge [sflag:s14], $0x1400  }
0x37: {  	s23 =	smov.u32 s25;
	[sflag:s14] =	ssyncset.done $0x0  }
0x38: {  	s22 =	sshra.s32 s22, $0x2;
	[sflag:s14] =	ssyncadd.s32 $0xFFFFEC00  }
0x39: {  	[tilespmem:s19], [sflag:$0x1] =	stream.indirect.gather [hbm4b:s10+s18], $0x80, s22, s18, $0xb8;
	[tilespmem:$0x1C820] =	vst v63  }
0x3a: {  	_ =	swait.ge [sflag:s20], $0x1400  }
0x3b: {  	[sflag:s20] =	ssyncset.done $0x0  }
0x3c: {  	s22 =	sadd.s32 $0x2710, s22;
	[sflag:s20] =	ssyncadd.s32 $0xFFFFEC00  }
0x3d: {  	[spmem:s2] =	stream.indirect.scatter.add.f32 [tilespmem:s19], [sflag:$0x2], $0x80, s22, s18, $0xb8;
	[tilespmem:$0x1C820] =	vst v63  }
0x3e: {  	_ =	swait.ge [sflag:s14], $0x1400  }
0x3f: {  	s21 =	sadd.s32 $0x1, s21;
	[sflag:s14] =	ssyncset.done $0x0  }
0x40: {  	p0 =	sne.s32 s21, s12;
	[sflag:s14] =	ssyncadd.s32 $0xFFFFEC00  }
.Ltmp1:
0x41: {  	[bflag:$0x0] =	sbarrier.arrive $0xFFFF;
	(pc) =	sbr.rel @p0 .LBB2_1-.Ltmp1, $4  }
0x42: {  	[hbm:s11], [sflag:s6] =	dma.local [spmem:s13], $0x2780  }
0x43: {  	_ =	swait.ge [sflag:s14], $0x2780  }
0x44: {  	[sflag:s14] =	ssyncset.done $0x0  }
0x45: {  	[sflag:s14] =	ssyncadd.s32 $0xFFFFD880  }
0x46: {  	_ =	sfence.sel $0x180000  }
0x47: {  	[bflag:$0x0] =	sbarrier.arrive $0xFFFF  }
0x48: {  	p0 =	sne.s32 s3, $0x0;
	_ =	strace $0x90000059  }
0x49: {  	s0 =	sadd.s32 @!p0 $0x100000, s1;
	[bflag:$0x2] =	sbarrier.arrive $0xFFFF  }
0x4a: {  	[sflag:s0] =	ssyncadd.tile.s32 @!p0 $0x1;
	_ =	shalt  }
.Lfunc_end2:
_tile_overlayer_lowered:
.L_overlay_start_2:
0x4b: {  	(tag) =	ssettag $0x2  }
0x4c: {  	s0 =	rddreg [dreg:$0x0];
	s2 =	stileid.u32  }
0x4d: {  	s1 =	rddreg [dreg:$0x1];
	p0 =	sne.s32 s2, $0x0  }
0x4e: {  	s3 =	rddreg [dreg:$0x2];
	[bflag:$0x3] =	sbarrier.arrive $0xFFFF;
	s2 =	simm.s32 @!p0 $0x1C02  }
0x4f: {  	[timem:s3], [sflag:s2] =	dma.local @!p0 [hbm:s0], s1  }
0x50: {  	s0 =	simm.s32 @!p0 $0x2  }
0x51: {  	_ =	swait.ge @!p0 [sflag:s0], s1  }
0x52: {  	s1 =	ssub.s32 @!p0 $0x0, s1;
	[sflag:s0] =	ssyncset.done @!p0 $0x0  }
0x53: {  	[sflag:s0] =	ssyncadd.s32 @!p0 s1  }
0x54: {  	[bflag:$0x3] =	sbarrier.arrive $0xFFFF  }
0x55: {  	_ =	shalt  }

</sc_bundles>
